<compile_context>
chip_gen: v7x
topology: tpu7x:2x2x1
jax: 0.10.2.dev20260603
libtpu: 0.0.44.dev20260713+nightly
codegen_flags: <defaults>
</compile_context>

<pallas_src>
import functools

import jax
import jax.numpy as jnp
from jax.experimental import pallas as pl
from jax.experimental.pallas import tpu as pltpu

_SA = [
    (4096, 0.1, 32, [3, 16, 16, 32], False),
    (2048, 0.1, 32, [35, 32, 32, 32], False),
    (1024, 0.1, 32, [35, 32, 32, 64], False),
    (256, 0.2, 32, [67, 64, 64, 128], False),
    (64, 0.4, 32, [131, 128, 128, 256], False),
    (16, 0.8, 32, [259, 256, 256, 512], False),
    (None, None, None, [259, 256, 256, 512], True),
]



def _sqdist(src, dst):
    d = -2.0 * jnp.einsum('bnc,bmc->bnm', src, dst)
    d = d + jnp.sum(src ** 2, -1)[:, :, None]
    d = d + jnp.sum(dst ** 2, -1)[:, None, :]
    return d


def _gather(points, idx):
    bidx = jnp.arange(points.shape[0]).reshape((-1,) + (1,) * (idx.ndim - 1))
    return points[bidx, idx]


def _fps(xyz, npoint):
    Bb, Nn, _ = xyz.shape
    barange = jnp.arange(Bb)

    def body(i, state):
        distance, farthest, centroids = state
        centroids = centroids.at[:, i].set(farthest)
        centroid = xyz[barange, farthest][:, None, :]
        dist = jnp.sum((xyz - centroid) ** 2, -1)
        distance = jnp.minimum(distance, dist)
        farthest = jnp.argmax(distance, axis=-1).astype(jnp.int32)
        return (distance, farthest, centroids)

    state = (jnp.full((Bb, Nn), 1e10, jnp.float32), jnp.zeros((Bb,), jnp.int32),
             jnp.zeros((Bb, npoint), jnp.int32))
    return jax.lax.fori_loop(0, npoint, body, state)[2]


def _ballq(radius, nsample, xyz, new_xyz):
    Nn = xyz.shape[1]
    sqrdists = jax.lax.stop_gradient(_sqdist(new_xyz, xyz))
    group_idx = jnp.broadcast_to(jnp.arange(Nn, dtype=jnp.int32), sqrdists.shape)
    group_idx = jnp.where(sqrdists > radius ** 2, Nn, group_idx)
    group_idx = jnp.sort(group_idx, axis=-1)[:, :, :nsample]
    group_first = group_idx[:, :, :1]
    group_idx = jnp.where(group_idx == Nn, jnp.broadcast_to(group_first, group_idx.shape), group_idx)
    return group_idx



def _lin0_body(x_ref, w_ref, b_ref, y_ref, s_ref):
    y = jnp.dot(x_ref[...], w_ref[...], preferred_element_type=jnp.float32)
    y = y + b_ref[...]
    y_ref[...] = y
    s_ref[...] = jnp.broadcast_to(jnp.sum(y, axis=0, keepdims=True)[None], s_ref.shape)


def _lin_body(x_ref, w_ref, b_ref, g_ref, be_ref, mu_ref, rs_ref, y_ref, s_ref):
    x = x_ref[...]
    x = jnp.maximum(g_ref[...] * (x - mu_ref[...]) * rs_ref[...] + be_ref[...], 0.0)
    y = jnp.dot(x, w_ref[...], preferred_element_type=jnp.float32)
    y = y + b_ref[...]
    y_ref[...] = y
    s_ref[...] = jnp.broadcast_to(jnp.sum(y, axis=0, keepdims=True)[None], s_ref.shape)


def _var_body(y_ref, mu_ref, q_ref):
    d = y_ref[...] - mu_ref[...]
    q_ref[...] = jnp.broadcast_to(jnp.sum(d * d, axis=0, keepdims=True)[None], q_ref.shape)


def _varsum(y, mean):
    M, C = y.shape
    Rb = min(M, 1024)
    grid = M // Rb
    q = pl.pallas_call(
        _var_body,
        grid=(grid,),
        in_specs=[
            pl.BlockSpec((Rb, C), lambda i: (i, 0)),
            pl.BlockSpec((1, C), lambda i: (0, 0)),
        ],
        out_specs=pl.BlockSpec((1, 8, C), lambda i: (i, 0, 0)),
        out_shape=jax.ShapeDtypeStruct((grid, 8, C), jnp.float32),
    )(y, mean.reshape(1, C))
    return jnp.sum(q[:, 0, :], axis=0) / M


def _linear(x, W, b, bn):
    M, Cin = x.shape
    Cout = W.shape[1]
    Rb = min(M, 1024)
    grid = M // Rb
    row = lambda i: (i, 0)
    full = lambda i: (0, 0)
    in_specs = [
        pl.BlockSpec((Rb, Cin), row),
        pl.BlockSpec((Cin, Cout), full),
        pl.BlockSpec((1, Cout), full),
    ]
    args = [x, W, b.reshape(1, Cout)]
    if bn is None:
        body = _lin0_body
    else:
        body = _lin_body
        for a in bn:
            in_specs.append(pl.BlockSpec((1, Cin), full))
            args.append(a.reshape(1, Cin))
    y, s = pl.pallas_call(
        body,
        grid=(grid,),
        in_specs=in_specs,
        out_specs=[
            pl.BlockSpec((Rb, Cout), row),
            pl.BlockSpec((1, 8, Cout), lambda i: (i, 0, 0)),
        ],
        out_shape=[
            jax.ShapeDtypeStruct((M, Cout), jnp.float32),
            jax.ShapeDtypeStruct((grid, 8, Cout), jnp.float32),
        ],
    )(*args)
    return y, s


def _mlp_chain(x2d, layers):
    M = x2d.shape[0]
    y, bn = x2d, None
    for l in layers:
        y, s = _linear(y, l['W'], l['b'], bn)
        mean = jnp.sum(s[:, 0, :], axis=0) / M
        var = _varsum(y, mean)
        rstd = 1.0 / jnp.sqrt(var + 1e-5)
        bn = (l['gamma'], l['beta'], mean, rstd)
    return y, bn


def _fin_body(y_ref, g_ref, be_ref, mu_ref, rs_ref, o_ref):
    z = jnp.maximum(g_ref[...] * (y_ref[...] - mu_ref[...]) * rs_ref[...] + be_ref[...], 0.0)
    o_ref[...] = jnp.max(z, axis=1)


def _finish(y, bn, K):
    g, be, mu, rs = bn
    C = y.shape[1]
    rows = y.shape[0] // K
    if K > 2048:
        Rb, Cb = rows, min(C, 128)
    else:
        Rb, Cb = min(rows, max(8, 2048 // K)), C
    grid = (rows // Rb, C // Cb)
    full = lambda i, j: (0, j)
    return pl.pallas_call(
        _fin_body,
        grid=grid,
        in_specs=[
            pl.BlockSpec((Rb, K, Cb), lambda i, j: (i, 0, j)),
            pl.BlockSpec((1, Cb), full),
            pl.BlockSpec((1, Cb), full),
            pl.BlockSpec((1, Cb), full),
            pl.BlockSpec((1, Cb), full),
        ],
        out_specs=pl.BlockSpec((Rb, Cb), lambda i, j: (i, j)),
        out_shape=jax.ShapeDtypeStruct((rows, C), jnp.float32),
    )(y.reshape(rows, K, C), g.reshape(1, C), be.reshape(1, C),
      mu.reshape(1, C), rs.reshape(1, C))



def _sa(xyz, points, spec, layers):
    npoint, radius, nsample, _, group_all = spec
    if group_all:
        new_xyz = jnp.zeros((xyz.shape[0], 1, 3), jnp.float32)
        grouped = xyz[:, None, :, :]
        if points is not None:
            grouped = jnp.concatenate([grouped, points[:, None, :, :]], -1)
    else:
        fps_idx = _fps(xyz, npoint)
        new_xyz = _gather(xyz, fps_idx)
        idx = _ballq(radius, nsample, xyz, new_xyz)
        grouped = _gather(xyz, idx) - new_xyz[:, :, None, :]
        if points is not None:
            grouped = jnp.concatenate([grouped, _gather(points, idx)], -1)
    Bb, S, K, C = grouped.shape
    y, bn = _mlp_chain(grouped.reshape(Bb * S * K, C), layers)
    out = _finish(y, bn, K)
    return new_xyz, out.reshape(Bb, S, -1)


def _fp(xyz1, xyz2, points1, points2, layers):
    Bb, N1, _ = xyz1.shape
    S = xyz2.shape[1]
    if S == 1:
        interpolated = jnp.broadcast_to(points2, (Bb, N1, points2.shape[-1]))
    else:
        dists = _sqdist(xyz1, xyz2)
        idx = jnp.argsort(dists, axis=-1)[:, :, :3]
        d = jnp.take_along_axis(dists, idx, axis=-1)
        dist_recip = 1.0 / (d + 1e-8)
        weight = dist_recip / jnp.sum(dist_recip, axis=2, keepdims=True)
        interpolated = jnp.sum(_gather(points2, idx) * weight[..., None], axis=2)
    new_points = interpolated if points1 is None else jnp.concatenate([points1, interpolated], -1)
    y, bn = _mlp_chain(new_points.reshape(Bb * N1, -1), layers)
    return _finish(y, bn, 1).reshape(Bb, N1, -1)



def kernel(xyz, params):
    sa, fp = params['sa'], params['fp']
    l0_xyz, l0_points = _sa(xyz, None, _SA[0], sa[0])
    l05_xyz, l05_points = _sa(l0_xyz, l0_points, _SA[1], sa[1])
    l1_xyz, l1_points = _sa(l05_xyz, l05_points, _SA[2], sa[2])
    l2_xyz, l2_points = _sa(l1_xyz, l1_points, _SA[3], sa[3])
    l3_xyz, l3_points = _sa(l2_xyz, l2_points, _SA[4], sa[4])
    l4_xyz, l4_points = _sa(l3_xyz, l3_points, _SA[5], sa[5])
    l5_xyz, l5_points = _sa(l3_xyz, l3_points, _SA[6], sa[6])
    l3_points = _fp(l3_xyz, l4_xyz, l3_points, l4_points, fp[0])
    l2_points = _fp(l2_xyz, l3_xyz, l2_points, l3_points, fp[1])
    l1_points = _fp(l1_xyz, l2_xyz, l1_points, l2_points, fp[2])
    l05_points = _fp(l05_xyz, l1_xyz, l05_points, l1_points, fp[3])
    l0_points = _fp(l0_xyz, l05_xyz, l0_points, l05_points, fp[4])
    l0_points = _fp(xyz, l0_xyz, None, l0_points, fp[5])
    return (l5_points, jnp.transpose(l0_points, (0, 2, 1)))



def _bn_t(x, gamma, beta):
    axes = tuple(range(x.ndim - 1))
    mean = jnp.mean(x, axis=axes, keepdims=True)
    var = jnp.mean((x - mean) ** 2, axis=axes, keepdims=True)
    return gamma * (x - mean) / jnp.sqrt(var + 1e-5) + beta


def _mlp_t(x, layers):
    for l in layers:
        x = x @ l['W'] + l['b']
        x = jax.nn.relu(_bn_t(x, l['gamma'], l['beta']))
    return x


def _sa_t(xyz, points, spec, layers):
    npoint, radius, nsample, _, group_all = spec
    fps_idx = _fps(xyz, npoint)
    new_xyz = _gather(xyz, fps_idx)
    idx = _ballq(radius, nsample, xyz, new_xyz)
    grouped = _gather(xyz, idx) - new_xyz[:, :, None, :]
    if points is not None:
        grouped = jnp.concatenate([grouped, _gather(points, idx)], -1)
    new_points = jnp.max(_mlp_t(grouped, layers), axis=2)
    return new_xyz, new_points


def _interp(xyz1, xyz2, points1, points2):
    Bb, N1, _ = xyz1.shape
    dists = _sqdist(xyz1, xyz2)
    idx = jnp.argsort(dists, axis=-1)[:, :, :3]
    d = jnp.take_along_axis(dists, idx, axis=-1)
    dist_recip = 1.0 / (d + 1e-8)
    weight = dist_recip / jnp.sum(dist_recip, axis=2, keepdims=True)
    interpolated = jnp.sum(_gather(points2, idx) * weight[..., None], axis=2)
    return interpolated if points1 is None else jnp.concatenate([points1, interpolated], -1)


def _fp_t(xyz1, xyz2, points1, points2, layers):
    return _mlp_t(_interp(xyz1, xyz2, points1, points2), layers)


def _fp_pallas(xyz1, xyz2, points1, points2, layers):
    new_points = _interp(xyz1, xyz2, points1, points2)
    Bb, N1, C = new_points.shape
    y, bn = _mlp_chain(new_points.reshape(Bb * N1, C), layers)
    return _finish(y, bn, 1).reshape(Bb, N1, -1)


def _sa_head_pallas(xyz, points, layers):
    grouped = jnp.concatenate([xyz[:, None, :, :], points[:, None, :, :]], -1)
    Bb, S, K, C = grouped.shape
    y, bn = _mlp_chain(grouped.reshape(Bb * S * K, C), layers)
    out = _finish(y, bn, K)
    return jnp.zeros((Bb, 1, 3), jnp.float32), out.reshape(Bb, S, -1)



def kernel(xyz, params):
    sa, fp = params['sa'], params['fp']
    l0_xyz, l0_points = _sa_t(xyz, None, _SA[0], sa[0])
    l05_xyz, l05_points = _sa_t(l0_xyz, l0_points, _SA[1], sa[1])
    l1_xyz, l1_points = _sa_t(l05_xyz, l05_points, _SA[2], sa[2])
    l2_xyz, l2_points = _sa_t(l1_xyz, l1_points, _SA[3], sa[3])
    l3_xyz, l3_points = _sa_t(l2_xyz, l2_points, _SA[4], sa[4])
    l4_xyz, l4_points = _sa_t(l3_xyz, l3_points, _SA[5], sa[5])
    l5_xyz, l5_points = _sa_head_pallas(l3_xyz, l3_points, sa[6])
    l3_points = _fp_t(l3_xyz, l4_xyz, l3_points, l4_points, fp[0])
    l2_points = _fp_t(l2_xyz, l3_xyz, l2_points, l3_points, fp[1])
    l1_points = _fp_t(l1_xyz, l2_xyz, l1_points, l2_points, fp[2])
    l05_points = _fp_t(l05_xyz, l1_xyz, l05_points, l1_points, fp[3])
    l0_points = _fp_pallas(l0_xyz, l05_xyz, l0_points, l05_points, fp[4])
    l0_points = _fp_pallas(xyz, l0_xyz, None, l0_points, fp[5])
    return (l5_points, jnp.transpose(l0_points, (0, 2, 1)))

# --- scband reference (transcript-rebuilt; emitter-appended) ---
"""Pipeline reference for scband-point-net2-34170759807380 (READ-ONLY COPY).

The authoritative reference and input builder live on the scoring server;
editing this copy changes nothing except your own understanding.
"""

import jax, jax.numpy as jnp
import numpy as np

B, N = 2, 8192

SA_SPECS = [
    (4096, 0.1, 32, [3, 16, 16, 32], False),
    (2048, 0.1, 32, [35, 32, 32, 32], False),
    (1024, 0.1, 32, [35, 32, 32, 64], False),
    (256, 0.2, 32, [67, 64, 64, 128], False),
    (64, 0.4, 32, [131, 128, 128, 256], False),
    (16, 0.8, 32, [259, 256, 256, 512], False),
    (None, None, None, [259, 256, 256, 512], True),
]
FP_SPECS = [[768, 256, 256], [384, 256, 256], [320, 256, 128], [160, 128, 128, 128], [160, 128, 128, 64], [64, 128, 128, 64]]


def _mlp_params(key, channels):
    layers = []
    for i in range(len(channels) - 1):
        key, k1 = jax.random.split(key)
        cin, cout = channels[i], channels[i + 1]
        layers.append({
            'W': jax.random.normal(k1, (cin, cout), jnp.float32) / np.sqrt(cin),
            'b': jnp.zeros((cout,), jnp.float32),
            'gamma': jnp.ones((cout,), jnp.float32),
            'beta': jnp.zeros((cout,), jnp.float32),
        })
    return layers


def setup_inputs(seed: int = 0):
    key = jax.random.key(seed)
    kx, kp = jax.random.split(key)
    xyz = jax.random.uniform(kx, (B, N, 3), jnp.float32)
    params = {
        'sa': [_mlp_params(jax.random.fold_in(kp, i), s[3]) for i, s in enumerate(SA_SPECS)],
        'fp': [_mlp_params(jax.random.fold_in(kp, 100 + i), c) for i, c in enumerate(FP_SPECS)],
    }
    return {'xyz': xyz, 'params': params}


def square_distance(src, dst):
    d = -2.0 * jnp.einsum('bnc,bmc->bnm', src, dst)
    d = d + jnp.sum(src ** 2, -1)[:, :, None]
    d = d + jnp.sum(dst ** 2, -1)[:, None, :]
    return d


def index_points(points, idx):
    bidx = jnp.arange(points.shape[0]).reshape((-1,) + (1,) * (idx.ndim - 1))
    return points[bidx, idx]


def farthest_point_sample(xyz, npoint):
    Bb, Nn, _ = xyz.shape
    barange = jnp.arange(Bb)

    def body(i, state):
        distance, farthest, centroids = state
        centroids = centroids.at[:, i].set(farthest)
        centroid = xyz[barange, farthest][:, None, :]
        dist = jnp.sum((xyz - centroid) ** 2, -1)
        distance = jnp.minimum(distance, dist)
        farthest = jnp.argmax(distance, axis=-1).astype(jnp.int32)
        return (distance, farthest, centroids)

    state = (jnp.full((Bb, Nn), 1e10, jnp.float32), jnp.zeros((Bb,), jnp.int32), jnp.zeros((Bb, npoint), jnp.int32))
    return jax.lax.fori_loop(0, npoint, body, state)[2]


def query_ball_point(radius, nsample, xyz, new_xyz):
    Nn = xyz.shape[1]
    sqrdists = jax.lax.stop_gradient(square_distance(new_xyz, xyz))
    group_idx = jnp.broadcast_to(jnp.arange(Nn, dtype=jnp.int32), sqrdists.shape)
    group_idx = jnp.where(sqrdists > radius ** 2, Nn, group_idx)
    group_idx = jnp.sort(group_idx, axis=-1)[:, :, :nsample]
    group_first = group_idx[:, :, :1]
    group_idx = jnp.where(group_idx == Nn, jnp.broadcast_to(group_first, group_idx.shape), group_idx)
    return group_idx


def batch_norm(x, gamma, beta):
    axes = tuple(range(x.ndim - 1))
    mean = jnp.mean(x, axis=axes, keepdims=True)
    var = jnp.mean((x - mean) ** 2, axis=axes, keepdims=True)
    return gamma * (x - mean) / jnp.sqrt(var + 1e-5) + beta


def apply_mlp(x, layers):
    for l in layers:
        x = x @ l['W'] + l['b']
        x = jax.nn.relu(batch_norm(x, l['gamma'], l['beta']))
    return x


def set_abstraction(xyz, points, spec, layers):
    npoint, radius, nsample, _, group_all = spec
    if group_all:
        new_xyz = jnp.zeros((xyz.shape[0], 1, 3), jnp.float32)
        grouped = xyz[:, None, :, :]
        if points is not None:
            grouped = jnp.concatenate([grouped, points[:, None, :, :]], -1)
    else:
        fps_idx = farthest_point_sample(xyz, npoint)
        new_xyz = index_points(xyz, fps_idx)
        idx = query_ball_point(radius, nsample, xyz, new_xyz)
        grouped = index_points(xyz, idx) - new_xyz[:, :, None, :]
        if points is not None:
            grouped = jnp.concatenate([grouped, index_points(points, idx)], -1)
    new_points = jnp.max(apply_mlp(grouped, layers), axis=2)
    return new_xyz, new_points


def feature_propagation(xyz1, xyz2, points1, points2, layers):
    Bb, N1, _ = xyz1.shape
    S = xyz2.shape[1]
    if S == 1:
        interpolated = jnp.broadcast_to(points2, (Bb, N1, points2.shape[-1]))
    else:
        dists = square_distance(xyz1, xyz2)
        idx = jnp.argsort(dists, axis=-1)[:, :, :3]
        d = jnp.take_along_axis(dists, idx, axis=-1)
        dist_recip = 1.0 / (d + 1e-8)
        weight = dist_recip / jnp.sum(dist_recip, axis=2, keepdims=True)
        interpolated = jnp.sum(index_points(points2, idx) * weight[..., None], axis=2)
    new_points = interpolated if points1 is None else jnp.concatenate([points1, interpolated], -1)
    return apply_mlp(new_points, layers)


def forward(xyz, params):
    sa, fp = params['sa'], params['fp']
    l0_xyz, l0_points = set_abstraction(xyz, None, SA_SPECS[0], sa[0])
    l05_xyz, l05_points = set_abstraction(l0_xyz, l0_points, SA_SPECS[1], sa[1])
    l1_xyz, l1_points = set_abstraction(l05_xyz, l05_points, SA_SPECS[2], sa[2])
    l2_xyz, l2_points = set_abstraction(l1_xyz, l1_points, SA_SPECS[3], sa[3])
    l3_xyz, l3_points = set_abstraction(l2_xyz, l2_points, SA_SPECS[4], sa[4])
    l4_xyz, l4_points = set_abstraction(l3_xyz, l3_points, SA_SPECS[5], sa[5])
    l5_xyz, l5_points = set_abstraction(l3_xyz, l3_points, SA_SPECS[6], sa[6])
    l3_points = feature_propagation(l3_xyz, l4_xyz, l3_points, l4_points, fp[0])
    l2_points = feature_propagation(l2_xyz, l3_xyz, l2_points, l3_points, fp[1])
    l1_points = feature_propagation(l1_xyz, l2_xyz, l1_points, l2_points, fp[2])
    l05_points = feature_propagation(l05_xyz, l1_xyz, l05_points, l1_points, fp[3])
    l0_points = feature_propagation(l0_xyz, l05_xyz, l0_points, l05_points, fp[4])
    l0_points = feature_propagation(xyz, l0_xyz, None, l0_points, fp[5])
    global_features = l5_points
    point_features = jnp.transpose(l0_points, (0, 2, 1))
    return (global_features, point_features)


def reference(xyz, params):
    return forward(xyz, params)

if __name__ == "__main__":
    import jax
    _d = setup_inputs()
    print(jax.jit(kernel)(*tuple(_d.values())))

</pallas_src>

<mosaic_0001>
module attributes {stable_mosaic.version = 14 : i64} {
  func.func @_lin0_body(%arg0: i32, %arg1: memref<128x259xf32, #tpu.memory_space<vmem>>, %arg2: memref<259x256xf32, #tpu.memory_space<vmem>>, %arg3: memref<1x256xf32, #tpu.memory_space<vmem>>, %arg4: memref<128x256xf32, #tpu.memory_space<vmem>>, %arg5: memref<1x8x256xf32, #tpu.memory_space<vmem>>) attributes {dimension_semantics = [#tpu.dimension_semantics<arbitrary>], iteration_bounds = array<i64: 1>, scalar_prefetch = 0 : i64, scratch_operands = 0 : i64, tpu.core_type = #tpu.core_type<tc>, window_params = [{transform_indices = @transform_0, window_bounds = array<i64: 128, 259>}, {pipeline_mode = #tpu.pipeline_mode<synchronous>, transform_indices = @transform_1, window_bounds = array<i64: 259, 256>}, {pipeline_mode = #tpu.pipeline_mode<synchronous>, transform_indices = @transform_2, window_bounds = array<i64: 1, 256>}, {transform_indices = @transform_3, window_bounds = array<i64: 128, 256>}, {transform_indices = @transform_4, window_bounds = array<i64: 1, 8, 256>}]} {
    %get3A = arith.constant 0 : index
    %get3A_0 = arith.constant 0 : index
    %get3A_1 = vector.load %arg1[%get3A, %get3A_0] : memref<128x259xf32, #tpu.memory_space<vmem>>, vector<128x259xf32>
    %get3A_2 = arith.constant 0 : index
    %get3A_3 = arith.constant 0 : index
    %get3A_4 = vector.load %arg2[%get3A_2, %get3A_3] : memref<259x256xf32, #tpu.memory_space<vmem>>, vector<259x256xf32>
    %dot_general3A = arith.constant dense<0.000000e+00> : vector<128x256xf32>
    %dot_general3A_5 = tpu.matmul %get3A_1, %get3A_4, %dot_general3A {dimension_numbers = #tpu.dot_dimension_numbers<[1], [0], [0], [1], [0, 0, 1, 1], [], []>, transpose_lhs_hint = false} : vector<128x259xf32>, vector<259x256xf32>, vector<128x256xf32> -> vector<128x256xf32>
    %get3A_6 = arith.constant 0 : index
    %get3A_7 = arith.constant 0 : index
    %get3A_8 = vector.load %arg3[%get3A_6, %get3A_7] : memref<1x256xf32, #tpu.memory_space<vmem>>, vector<1x256xf32>
    %add3A = vector.broadcast %get3A_8 : vector<1x256xf32> to vector<128x256xf32>
    %add3A_9 = arith.addf %dot_general3A_5, %add3A : vector<128x256xf32>
    %swap3A = arith.constant 0 : index
    %swap3A_10 = arith.constant 0 : index
    %swap3A_11 = vector.load %arg4[%swap3A, %swap3A_10] : memref<128x256xf32, #tpu.memory_space<vmem>>, vector<128x256xf32>
    tpu.vector_store %arg4[%swap3A, %swap3A_10], %add3A_9 {strides = array<i32>} : memref<128x256xf32, #tpu.memory_space<vmem>>, vector<128x256xf32>,
    %reduce_sum3A = arith.constant dense<0.000000e+00> : vector<256xf32>
    %reduce_sum3A_12 = vector.multi_reduction <add>, %add3A_9, %reduce_sum3A [0] : vector<128x256xf32> to vector<256xf32>
    %broadcast_in_dim3A = vector.shape_cast %reduce_sum3A_12 : vector<256xf32> to vector<1x256xf32>
    %broadcast_in_dim3A_13 = vector.shape_cast %broadcast_in_dim3A : vector<1x256xf32> to vector<1x1x256xf32>
    %broadcast_in_dim3A_14 = vector.shape_cast %broadcast_in_dim3A_13 : vector<1x1x256xf32> to vector<1x1x256xf32>
    %broadcast_in_dim3A_15 = vector.broadcast %broadcast_in_dim3A_14 : vector<1x1x256xf32> to vector<1x8x256xf32>
    %swap3A_16 = arith.constant 0 : index
    %swap3A_17 = arith.constant 0 : index
    %swap3A_18 = arith.constant 0 : index
    %swap3A_19 = vector.load %arg5[%swap3A_16, %swap3A_17, %swap3A_18] : memref<1x8x256xf32, #tpu.memory_space<vmem>>, vector<1x8x256xf32>
    tpu.vector_store %arg5[%swap3A_16, %swap3A_17, %swap3A_18], %broadcast_in_dim3A_15 {strides = array<i32>} : memref<1x8x256xf32, #tpu.memory_space<vmem>>, vector<1x8x256xf32>,
    return
  }
  func.func @transform_0(%arg0: i32) -> (i32, i32) {
    %c0_i32 = arith.constant 0 : i32
    %c0_i32_0 = arith.constant 0 : i32
    return %arg0, %c0_i32 : i32, i32
  }
  func.func @transform_1(%arg0: i32) -> (i32, i32) {
    %c0_i32 = arith.constant 0 : i32
    %c0_i32_0 = arith.constant 0 : i32
    %c0_i32_1 = arith.constant 0 : i32
    return %c0_i32, %c0_i32_0 : i32, i32
  }
  func.func @transform_2(%arg0: i32) -> (i32, i32) {
    %c0_i32 = arith.constant 0 : i32
    %c0_i32_0 = arith.constant 0 : i32
    %c0_i32_1 = arith.constant 0 : i32
    return %c0_i32, %c0_i32_0 : i32, i32
  }
  func.func @transform_3(%arg0: i32) -> (i32, i32) {
    %c0_i32 = arith.constant 0 : i32
    %c0_i32_0 = arith.constant 0 : i32
    return %arg0, %c0_i32 : i32, i32
  }
  func.func @transform_4(%arg0: i32) -> (i32, i32, i32) {
    %c0_i32 = arith.constant 0 : i32
    %c0_i32_0 = arith.constant 0 : i32
    %c0_i32_1 = arith.constant 0 : i32
    return %arg0, %c0_i32, %c0_i32_0 : i32, i32, i32
  }
}

module attributes {stable_mosaic.version = 14 : i64} {
  func.func @_var_body(%arg0: i32, %arg1: memref<128x256xf32, #tpu.memory_space<vmem>>, %arg2: memref<1x256xf32, #tpu.memory_space<vmem>>, %arg3: memref<1x8x256xf32, #tpu.memory_space<vmem>>) attributes {dimension_semantics = [#tpu.dimension_semantics<arbitrary>], iteration_bounds = array<i64: 1>, scalar_prefetch = 0 : i64, scratch_operands = 0 : i64, tpu.core_type = #tpu.core_type<tc>, window_params = [{transform_indices = @transform_0, window_bounds = array<i64: 128, 256>}, {pipeline_mode = #tpu.pipeline_mode<synchronous>, transform_indices = @transform_1, window_bounds = array<i64: 1, 256>}, {transform_indices = @transform_2, window_bounds = array<i64: 1, 8, 256>}]} {
    %get3A = arith.constant 0 : index
    %get3A_0 = arith.constant 0 : index
    %get3A_1 = vector.load %arg1[%get3A, %get3A_0] : memref<128x256xf32, #tpu.memory_space<vmem>>, vector<128x256xf32>
    %get3A_2 = arith.constant 0 : index
    %get3A_3 = arith.constant 0 : index
    %get3A_4 = vector.load %arg2[%get3A_2, %get3A_3] : memref<1x256xf32, #tpu.memory_space<vmem>>, vector<1x256xf32>
    %sub3A = vector.broadcast %get3A_4 : vector<1x256xf32> to vector<128x256xf32>
    %sub3A_5 = arith.subf %get3A_1, %sub3A : vector<128x256xf32>
    %mul3A = arith.mulf %sub3A_5, %sub3A_5 : vector<128x256xf32>
    %reduce_sum3A = arith.constant dense<0.000000e+00> : vector<256xf32>
    %reduce_sum3A_6 = vector.multi_reduction <add>, %mul3A, %reduce_sum3A [0] : vector<128x256xf32> to vector<256xf32>
    %broadcast_in_dim3A = vector.shape_cast %reduce_sum3A_6 : vector<256xf32> to vector<1x256xf32>
    %broadcast_in_dim3A_7 = vector.shape_cast %broadcast_in_dim3A : vector<1x256xf32> to vector<1x1x256xf32>
    %broadcast_in_dim3A_8 = vector.shape_cast %broadcast_in_dim3A_7 : vector<1x1x256xf32> to vector<1x1x256xf32>
    %broadcast_in_dim3A_9 = vector.broadcast %broadcast_in_dim3A_8 : vector<1x1x256xf32> to vector<1x8x256xf32>
    %swap3A = arith.constant 0 : index
    %swap3A_10 = arith.constant 0 : index
    %swap3A_11 = arith.constant 0 : index
    %swap3A_12 = vector.load %arg3[%swap3A, %swap3A_10, %swap3A_11] : memref<1x8x256xf32, #tpu.memory_space<vmem>>, vector<1x8x256xf32>
    tpu.vector_store %arg3[%swap3A, %swap3A_10, %swap3A_11], %broadcast_in_dim3A_9 {strides = array<i32>} : memref<1x8x256xf32, #tpu.memory_space<vmem>>, vector<1x8x256xf32>,
    return
  }
  func.func @transform_0(%arg0: i32) -> (i32, i32) {
    %c0_i32 = arith.constant 0 : i32
    %c0_i32_0 = arith.constant 0 : i32
    return %arg0, %c0_i32 : i32, i32
  }
  func.func @transform_1(%arg0: i32) -> (i32, i32) {
    %c0_i32 = arith.constant 0 : i32
    %c0_i32_0 = arith.constant 0 : i32
    %c0_i32_1 = arith.constant 0 : i32
    return %c0_i32, %c0_i32_0 : i32, i32
  }
  func.func @transform_2(%arg0: i32) -> (i32, i32, i32) {
    %c0_i32 = arith.constant 0 : i32
    %c0_i32_0 = arith.constant 0 : i32
    %c0_i32_1 = arith.constant 0 : i32
    return %arg0, %c0_i32, %c0_i32_0 : i32, i32, i32
  }
}

module attributes {stable_mosaic.version = 14 : i64} {
  func.func @_lin_body(%arg0: i32, %arg1: memref<128x256xf32, #tpu.memory_space<vmem>>, %arg2: memref<256x256xf32, #tpu.memory_space<vmem>>, %arg3: memref<1x256xf32, #tpu.memory_space<vmem>>, %arg4: memref<1x256xf32, #tpu.memory_space<vmem>>, %arg5: memref<1x256xf32, #tpu.memory_space<vmem>>, %arg6: memref<1x256xf32, #tpu.memory_space<vmem>>, %arg7: memref<1x256xf32, #tpu.memory_space<vmem>>, %arg8: memref<128x256xf32, #tpu.memory_space<vmem>>, %arg9: memref<1x8x256xf32, #tpu.memory_space<vmem>>) attributes {dimension_semantics = [#tpu.dimension_semantics<arbitrary>], iteration_bounds = array<i64: 1>, scalar_prefetch = 0 : i64, scratch_operands = 0 : i64, tpu.core_type = #tpu.core_type<tc>, window_params = [{transform_indices = @transform_0, window_bounds = array<i64: 128, 256>}, {pipeline_mode = #tpu.pipeline_mode<synchronous>, transform_indices = @transform_1, window_bounds = array<i64: 256, 256>}, {pipeline_mode = #tpu.pipeline_mode<synchronous>, transform_indices = @transform_2, window_bounds = array<i64: 1, 256>}, {pipeline_mode = #tpu.pipeline_mode<synchronous>, transform_indices = @transform_3, window_bounds = array<i64: 1, 256>}, {pipeline_mode = #tpu.pipeline_mode<synchronous>, transform_indices = @transform_4, window_bounds = array<i64: 1, 256>}, {pipeline_mode = #tpu.pipeline_mode<synchronous>, transform_indices = @transform_5, window_bounds = array<i64: 1, 256>}, {pipeline_mode = #tpu.pipeline_mode<synchronous>, transform_indices = @transform_6, window_bounds = array<i64: 1, 256>}, {transform_indices = @transform_7, window_bounds = array<i64: 128, 256>}, {transform_indices = @transform_8, window_bounds = array<i64: 1, 8, 256>}]} {
    %get3A = arith.constant 0 : index
    %get3A_0 = arith.constant 0 : index
    %get3A_1 = vector.load %arg1[%get3A, %get3A_0] : memref<128x256xf32, #tpu.memory_space<vmem>>, vector<128x256xf32>
    %get3A_2 = arith.constant 0 : index
    %get3A_3 = arith.constant 0 : index
    %get3A_4 = vector.load %arg4[%get3A_2, %get3A_3] : memref<1x256xf32, #tpu.memory_space<vmem>>, vector<1x256xf32>
    %get3A_5 = arith.constant 0 : index
    %get3A_6 = arith.constant 0 : index
    %get3A_7 = vector.load %arg6[%get3A_5, %get3A_6] : memref<1x256xf32, #tpu.memory_space<vmem>>, vector<1x256xf32>
    %sub3A = vector.broadcast %get3A_7 : vector<1x256xf32> to vector<128x256xf32>
    %sub3A_8 = arith.subf %get3A_1, %sub3A : vector<128x256xf32>
    %mul3A = vector.broadcast %get3A_4 : vector<1x256xf32> to vector<128x256xf32>
    %mul3A_9 = arith.mulf %mul3A, %sub3A_8 : vector<128x256xf32>
    %get3A_10 = arith.constant 0 : index
    %get3A_11 = arith.constant 0 : index
    %get3A_12 = vector.load %arg7[%get3A_10, %get3A_11] : memref<1x256xf32, #tpu.memory_space<vmem>>, vector<1x256xf32>
    %mul3A_13 = vector.broadcast %get3A_12 : vector<1x256xf32> to vector<128x256xf32>
    %mul3A_14 = arith.mulf %mul3A_9, %mul3A_13 : vector<128x256xf32>
    %get3A_15 = arith.constant 0 : index
    %get3A_16 = arith.constant 0 : index
    %get3A_17 = vector.load %arg5[%get3A_15, %get3A_16] : memref<1x256xf32, #tpu.memory_space<vmem>>, vector<1x256xf32>
    %add3A = vector.broadcast %get3A_17 : vector<1x256xf32> to vector<128x256xf32>
    %add3A_18 = arith.addf %mul3A_14, %add3A : vector<128x256xf32>
    %max3A = arith.constant 0.000000e+00 : f32
    %max3A_19 = vector.broadcast %max3A : f32 to vector<128x256xf32>
    %max3A_20 = arith.maximumf %add3A_18, %max3A_19 : vector<128x256xf32>
    %get3A_21 = arith.constant 0 : index
    %get3A_22 = arith.constant 0 : index
    %get3A_23 = vector.load %arg2[%get3A_21, %get3A_22] : memref<256x256xf32, #tpu.memory_space<vmem>>, vector<256x256xf32>
    %dot_general3A = arith.constant dense<0.000000e+00> : vector<128x256xf32>
    %dot_general3A_24 = tpu.matmul %max3A_20, %get3A_23, %dot_general3A {dimension_numbers = #tpu.dot_dimension_numbers<[1], [0], [0], [1], [0, 0, 1, 1], [], []>, transpose_lhs_hint = false} : vector<128x256xf32>, vector<256x256xf32>, vector<128x256xf32> -> vector<128x256xf32>
    %get3A_25 = arith.constant 0 : index
    %get3A_26 = arith.constant 0 : index
    %get3A_27 = vector.load %arg3[%get3A_25, %get3A_26] : memref<1x256xf32, #tpu.memory_space<vmem>>, vector<1x256xf32>
    %add3A_28 = vector.broadcast %get3A_27 : vector<1x256xf32> to vector<128x256xf32>
    %add3A_29 = arith.addf %dot_general3A_24, %add3A_28 : vector<128x256xf32>
    %swap3A = arith.constant 0 : index
    %swap3A_30 = arith.constant 0 : index
    %swap3A_31 = vector.load %arg8[%swap3A, %swap3A_30] : memref<128x256xf32, #tpu.memory_space<vmem>>, vector<128x256xf32>
    tpu.vector_store %arg8[%swap3A, %swap3A_30], %add3A_29 {strides = array<i32>} : memref<128x256xf32, #tpu.memory_space<vmem>>, vector<128x256xf32>,
    %reduce_sum3A = arith.constant dense<0.000000e+00> : vector<256xf32>
    %reduce_sum3A_32 = vector.multi_reduction <add>, %add3A_29, %reduce_sum3A [0] : vector<128x256xf32> to vector<256xf32>
    %broadcast_in_dim3A = vector.shape_cast %reduce_sum3A_32 : vector<256xf32> to vector<1x256xf32>
    %broadcast_in_dim3A_33 = vector.shape_cast %broadcast_in_dim3A : vector<1x256xf32> to vector<1x1x256xf32>
    %broadcast_in_dim3A_34 = vector.shape_cast %broadcast_in_dim3A_33 : vector<1x1x256xf32> to vector<1x1x256xf32>
    %broadcast_in_dim3A_35 = vector.broadcast %broadcast_in_dim3A_34 : vector<1x1x256xf32> to vector<1x8x256xf32>
    %swap3A_36 = arith.constant 0 : index
    %swap3A_37 = arith.constant 0 : index
    %swap3A_38 = arith.constant 0 : index
    %swap3A_39 = vector.load %arg9[%swap3A_36, %swap3A_37, %swap3A_38] : memref<1x8x256xf32, #tpu.memory_space<vmem>>, vector<1x8x256xf32>
    tpu.vector_store %arg9[%swap3A_36, %swap3A_37, %swap3A_38], %broadcast_in_dim3A_35 {strides = array<i32>} : memref<1x8x256xf32, #tpu.memory_space<vmem>>, vector<1x8x256xf32>,
    return
  }
  func.func @transform_0(%arg0: i32) -> (i32, i32) {
    %c0_i32 = arith.constant 0 : i32
    %c0_i32_0 = arith.constant 0 : i32
    return %arg0, %c0_i32 : i32, i32
  }
  func.func @transform_1(%arg0: i32) -> (i32, i32) {
    %c0_i32 = arith.constant 0 : i32
    %c0_i32_0 = arith.constant 0 : i32
    %c0_i32_1 = arith.constant 0 : i32
    return %c0_i32, %c0_i32_0 : i32, i32
  }
  func.func @transform_2(%arg0: i32) -> (i32, i32) {
    %c0_i32 = arith.constant 0 : i32
    %c0_i32_0 = arith.constant 0 : i32
    %c0_i32_1 = arith.constant 0 : i32
    return %c0_i32, %c0_i32_0 : i32, i32
  }
  func.func @transform_3(%arg0: i32) -> (i32, i32) {
    %c0_i32 = arith.constant 0 : i32
    %c0_i32_0 = arith.constant 0 : i32
    %c0_i32_1 = arith.constant 0 : i32
    return %c0_i32, %c0_i32_0 : i32, i32
  }
  func.func @transform_4(%arg0: i32) -> (i32, i32) {
    %c0_i32 = arith.constant 0 : i32
    %c0_i32_0 = arith.constant 0 : i32
    %c0_i32_1 = arith.constant 0 : i32
    return %c0_i32, %c0_i32_0 : i32, i32
  }
  func.func @transform_5(%arg0: i32) -> (i32, i32) {
    %c0_i32 = arith.constant 0 : i32
    %c0_i32_0 = arith.constant 0 : i32
    %c0_i32_1 = arith.constant 0 : i32
    return %c0_i32, %c0_i32_0 : i32, i32
  }
  func.func @transform_6(%arg0: i32) -> (i32, i32) {
    %c0_i32 = arith.constant 0 : i32
    %c0_i32_0 = arith.constant 0 : i32
    %c0_i32_1 = arith.constant 0 : i32
    return %c0_i32, %c0_i32_0 : i32, i32
  }
  func.func @transform_7(%arg0: i32) -> (i32, i32) {
    %c0_i32 = arith.constant 0 : i32
    %c0_i32_0 = arith.constant 0 : i32
    return %arg0, %c0_i32 : i32, i32
  }
  func.func @transform_8(%arg0: i32) -> (i32, i32, i32) {
    %c0_i32 = arith.constant 0 : i32
    %c0_i32_0 = arith.constant 0 : i32
    %c0_i32_1 = arith.constant 0 : i32
    return %arg0, %c0_i32, %c0_i32_0 : i32, i32, i32
  }
}

module attributes {stable_mosaic.version = 14 : i64} {
  func.func @_lin_body(%arg0: i32, %arg1: memref<128x256xf32, #tpu.memory_space<vmem>>, %arg2: memref<256x512xf32, #tpu.memory_space<vmem>>, %arg3: memref<1x512xf32, #tpu.memory_space<vmem>>, %arg4: memref<1x256xf32, #tpu.memory_space<vmem>>, %arg5: memref<1x256xf32, #tpu.memory_space<vmem>>, %arg6: memref<1x256xf32, #tpu.memory_space<vmem>>, %arg7: memref<1x256xf32, #tpu.memory_space<vmem>>, %arg8: memref<128x512xf32, #tpu.memory_space<vmem>>, %arg9: memref<1x8x512xf32, #tpu.memory_space<vmem>>) attributes {dimension_semantics = [#tpu.dimension_semantics<arbitrary>], iteration_bounds = array<i64: 1>, scalar_prefetch = 0 : i64, scratch_operands = 0 : i64, tpu.core_type = #tpu.core_type<tc>, window_params = [{transform_indices = @transform_0, window_bounds = array<i64: 128, 256>}, {pipeline_mode = #tpu.pipeline_mode<synchronous>, transform_indices = @transform_1, window_bounds = array<i64: 256, 512>}, {pipeline_mode = #tpu.pipeline_mode<synchronous>, transform_indices = @transform_2, window_bounds = array<i64: 1, 512>}, {pipeline_mode = #tpu.pipeline_mode<synchronous>, transform_indices = @transform_3, window_bounds = array<i64: 1, 256>}, {pipeline_mode = #tpu.pipeline_mode<synchronous>, transform_indices = @transform_4, window_bounds = array<i64: 1, 256>}, {pipeline_mode = #tpu.pipeline_mode<synchronous>, transform_indices = @transform_5, window_bounds = array<i64: 1, 256>}, {pipeline_mode = #tpu.pipeline_mode<synchronous>, transform_indices = @transform_6, window_bounds = array<i64: 1, 256>}, {transform_indices = @transform_7, window_bounds = array<i64: 128, 512>}, {transform_indices = @transform_8, window_bounds = array<i64: 1, 8, 512>}]} {
    %get3A = arith.constant 0 : index
    %get3A_0 = arith.constant 0 : index
    %get3A_1 = vector.load %arg1[%get3A, %get3A_0] : memref<128x256xf32, #tpu.memory_space<vmem>>, vector<128x256xf32>
    %get3A_2 = arith.constant 0 : index
    %get3A_3 = arith.constant 0 : index
    %get3A_4 = vector.load %arg4[%get3A_2, %get3A_3] : memref<1x256xf32, #tpu.memory_space<vmem>>, vector<1x256xf32>
    %get3A_5 = arith.constant 0 : index
    %get3A_6 = arith.constant 0 : index
    %get3A_7 = vector.load %arg6[%get3A_5, %get3A_6] : memref<1x256xf32, #tpu.memory_space<vmem>>, vector<1x256xf32>
    %sub3A = vector.broadcast %get3A_7 : vector<1x256xf32> to vector<128x256xf32>
    %sub3A_8 = arith.subf %get3A_1, %sub3A : vector<128x256xf32>
    %mul3A = vector.broadcast %get3A_4 : vector<1x256xf32> to vector<128x256xf32>
    %mul3A_9 = arith.mulf %mul3A, %sub3A_8 : vector<128x256xf32>
    %get3A_10 = arith.constant 0 : index
    %get3A_11 = arith.constant 0 : index
    %get3A_12 = vector.load %arg7[%get3A_10, %get3A_11] : memref<1x256xf32, #tpu.memory_space<vmem>>, vector<1x256xf32>
    %mul3A_13 = vector.broadcast %get3A_12 : vector<1x256xf32> to vector<128x256xf32>
    %mul3A_14 = arith.mulf %mul3A_9, %mul3A_13 : vector<128x256xf32>
    %get3A_15 = arith.constant 0 : index
    %get3A_16 = arith.constant 0 : index
    %get3A_17 = vector.load %arg5[%get3A_15, %get3A_16] : memref<1x256xf32, #tpu.memory_space<vmem>>, vector<1x256xf32>
    %add3A = vector.broadcast %get3A_17 : vector<1x256xf32> to vector<128x256xf32>
    %add3A_18 = arith.addf %mul3A_14, %add3A : vector<128x256xf32>
    %max3A = arith.constant 0.000000e+00 : f32
    %max3A_19 = vector.broadcast %max3A : f32 to vector<128x256xf32>
    %max3A_20 = arith.maximumf %add3A_18, %max3A_19 : vector<128x256xf32>
    %get3A_21 = arith.constant 0 : index
    %get3A_22 = arith.constant 0 : index
    %get3A_23 = vector.load %arg2[%get3A_21, %get3A_22] : memref<256x512xf32, #tpu.memory_space<vmem>>, vector<256x512xf32>
    %dot_general3A = arith.constant dense<0.000000e+00> : vector<128x512xf32>
    %dot_general3A_24 = tpu.matmul %max3A_20, %get3A_23, %dot_general3A {dimension_numbers = #tpu.dot_dimension_numbers<[1], [0], [0], [1], [0, 0, 1, 1], [], []>, transpose_lhs_hint = false} : vector<128x256xf32>, vector<256x512xf32>, vector<128x512xf32> -> vector<128x512xf32>
    %get3A_25 = arith.constant 0 : index
    %get3A_26 = arith.constant 0 : index
    %get3A_27 = vector.load %arg3[%get3A_25, %get3A_26] : memref<1x512xf32, #tpu.memory_space<vmem>>, vector<1x512xf32>
    %add3A_28 = vector.broadcast %get3A_27 : vector<1x512xf32> to vector<128x512xf32>
    %add3A_29 = arith.addf %dot_general3A_24, %add3A_28 : vector<128x512xf32>
    %swap3A = arith.constant 0 : index
    %swap3A_30 = arith.constant 0 : index
    %swap3A_31 = vector.load %arg8[%swap3A, %swap3A_30] : memref<128x512xf32, #tpu.memory_space<vmem>>, vector<128x512xf32>
    tpu.vector_store %arg8[%swap3A, %swap3A_30], %add3A_29 {strides = array<i32>} : memref<128x512xf32, #tpu.memory_space<vmem>>, vector<128x512xf32>,
    %reduce_sum3A = arith.constant dense<0.000000e+00> : vector<512xf32>
    %reduce_sum3A_32 = vector.multi_reduction <add>, %add3A_29, %reduce_sum3A [0] : vector<128x512xf32> to vector<512xf32>
    %broadcast_in_dim3A = vector.shape_cast %reduce_sum3A_32 : vector<512xf32> to vector<1x512xf32>
    %broadcast_in_dim3A_33 = vector.shape_cast %broadcast_in_dim3A : vector<1x512xf32> to vector<1x1x512xf32>
    %broadcast_in_dim3A_34 = vector.shape_cast %broadcast_in_dim3A_33 : vector<1x1x512xf32> to vector<1x1x512xf32>
    %broadcast_in_dim3A_35 = vector.broadcast %broadcast_in_dim3A_34 : vector<1x1x512xf32> to vector<1x8x512xf32>
    %swap3A_36 = arith.constant 0 : index
    %swap3A_37 = arith.constant 0 : index
    %swap3A_38 = arith.constant 0 : index
    %swap3A_39 = vector.load %arg9[%swap3A_36, %swap3A_37, %swap3A_38] : memref<1x8x512xf32, #tpu.memory_space<vmem>>, vector<1x8x512xf32>
    tpu.vector_store %arg9[%swap3A_36, %swap3A_37, %swap3A_38], %broadcast_in_dim3A_35 {strides = array<i32>} : memref<1x8x512xf32, #tpu.memory_space<vmem>>, vector<1x8x512xf32>,
    return
  }
  func.func @transform_0(%arg0: i32) -> (i32, i32) {
    %c0_i32 = arith.constant 0 : i32
    %c0_i32_0 = arith.constant 0 : i32
    return %arg0, %c0_i32 : i32, i32
  }
  func.func @transform_1(%arg0: i32) -> (i32, i32) {
    %c0_i32 = arith.constant 0 : i32
    %c0_i32_0 = arith.constant 0 : i32
    %c0_i32_1 = arith.constant 0 : i32
    return %c0_i32, %c0_i32_0 : i32, i32
  }
  func.func @transform_2(%arg0: i32) -> (i32, i32) {
    %c0_i32 = arith.constant 0 : i32
    %c0_i32_0 = arith.constant 0 : i32
    %c0_i32_1 = arith.constant 0 : i32
    return %c0_i32, %c0_i32_0 : i32, i32
  }
  func.func @transform_3(%arg0: i32) -> (i32, i32) {
    %c0_i32 = arith.constant 0 : i32
    %c0_i32_0 = arith.constant 0 : i32
    %c0_i32_1 = arith.constant 0 : i32
    return %c0_i32, %c0_i32_0 : i32, i32
  }
  func.func @transform_4(%arg0: i32) -> (i32, i32) {
    %c0_i32 = arith.constant 0 : i32
    %c0_i32_0 = arith.constant 0 : i32
    %c0_i32_1 = arith.constant 0 : i32
    return %c0_i32, %c0_i32_0 : i32, i32
  }
  func.func @transform_5(%arg0: i32) -> (i32, i32) {
    %c0_i32 = arith.constant 0 : i32
    %c0_i32_0 = arith.constant 0 : i32
    %c0_i32_1 = arith.constant 0 : i32
    return %c0_i32, %c0_i32_0 : i32, i32
  }
  func.func @transform_6(%arg0: i32) -> (i32, i32) {
    %c0_i32 = arith.constant 0 : i32
    %c0_i32_0 = arith.constant 0 : i32
    %c0_i32_1 = arith.constant 0 : i32
    return %c0_i32, %c0_i32_0 : i32, i32
  }
  func.func @transform_7(%arg0: i32) -> (i32, i32) {
    %c0_i32 = arith.constant 0 : i32
    %c0_i32_0 = arith.constant 0 : i32
    return %arg0, %c0_i32 : i32, i32
  }
  func.func @transform_8(%arg0: i32) -> (i32, i32, i32) {
    %c0_i32 = arith.constant 0 : i32
    %c0_i32_0 = arith.constant 0 : i32
    %c0_i32_1 = arith.constant 0 : i32
    return %arg0, %c0_i32, %c0_i32_0 : i32, i32, i32
  }
}

module attributes {stable_mosaic.version = 14 : i64} {
  func.func @_var_body(%arg0: i32, %arg1: memref<128x512xf32, #tpu.memory_space<vmem>>, %arg2: memref<1x512xf32, #tpu.memory_space<vmem>>, %arg3: memref<1x8x512xf32, #tpu.memory_space<vmem>>) attributes {dimension_semantics = [#tpu.dimension_semantics<arbitrary>], iteration_bounds = array<i64: 1>, scalar_prefetch = 0 : i64, scratch_operands = 0 : i64, tpu.core_type = #tpu.core_type<tc>, window_params = [{transform_indices = @transform_0, window_bounds = array<i64: 128, 512>}, {pipeline_mode = #tpu.pipeline_mode<synchronous>, transform_indices = @transform_1, window_bounds = array<i64: 1, 512>}, {transform_indices = @transform_2, window_bounds = array<i64: 1, 8, 512>}]} {
    %get3A = arith.constant 0 : index
    %get3A_0 = arith.constant 0 : index
    %get3A_1 = vector.load %arg1[%get3A, %get3A_0] : memref<128x512xf32, #tpu.memory_space<vmem>>, vector<128x512xf32>
    %get3A_2 = arith.constant 0 : index
    %get3A_3 = arith.constant 0 : index
    %get3A_4 = vector.load %arg2[%get3A_2, %get3A_3] : memref<1x512xf32, #tpu.memory_space<vmem>>, vector<1x512xf32>
    %sub3A = vector.broadcast %get3A_4 : vector<1x512xf32> to vector<128x512xf32>
    %sub3A_5 = arith.subf %get3A_1, %sub3A : vector<128x512xf32>
    %mul3A = arith.mulf %sub3A_5, %sub3A_5 : vector<128x512xf32>
    %reduce_sum3A = arith.constant dense<0.000000e+00> : vector<512xf32>
    %reduce_sum3A_6 = vector.multi_reduction <add>, %mul3A, %reduce_sum3A [0] : vector<128x512xf32> to vector<512xf32>
    %broadcast_in_dim3A = vector.shape_cast %reduce_sum3A_6 : vector<512xf32> to vector<1x512xf32>
    %broadcast_in_dim3A_7 = vector.shape_cast %broadcast_in_dim3A : vector<1x512xf32> to vector<1x1x512xf32>
    %broadcast_in_dim3A_8 = vector.shape_cast %broadcast_in_dim3A_7 : vector<1x1x512xf32> to vector<1x1x512xf32>
    %broadcast_in_dim3A_9 = vector.broadcast %broadcast_in_dim3A_8 : vector<1x1x512xf32> to vector<1x8x512xf32>
    %swap3A = arith.constant 0 : index
    %swap3A_10 = arith.constant 0 : index
    %swap3A_11 = arith.constant 0 : index
    %swap3A_12 = vector.load %arg3[%swap3A, %swap3A_10, %swap3A_11] : memref<1x8x512xf32, #tpu.memory_space<vmem>>, vector<1x8x512xf32>
    tpu.vector_store %arg3[%swap3A, %swap3A_10, %swap3A_11], %broadcast_in_dim3A_9 {strides = array<i32>} : memref<1x8x512xf32, #tpu.memory_space<vmem>>, vector<1x8x512xf32>,
    return
  }
  func.func @transform_0(%arg0: i32) -> (i32, i32) {
    %c0_i32 = arith.constant 0 : i32
    %c0_i32_0 = arith.constant 0 : i32
    return %arg0, %c0_i32 : i32, i32
  }
  func.func @transform_1(%arg0: i32) -> (i32, i32) {
    %c0_i32 = arith.constant 0 : i32
    %c0_i32_0 = arith.constant 0 : i32
    %c0_i32_1 = arith.constant 0 : i32
    return %c0_i32, %c0_i32_0 : i32, i32
  }
  func.func @transform_2(%arg0: i32) -> (i32, i32, i32) {
    %c0_i32 = arith.constant 0 : i32
    %c0_i32_0 = arith.constant 0 : i32
    %c0_i32_1 = arith.constant 0 : i32
    return %arg0, %c0_i32, %c0_i32_0 : i32, i32, i32
  }
}

module attributes {stable_mosaic.version = 14 : i64} {
  func.func @_fin_body(%arg0: i32, %arg1: i32, %arg2: memref<2x64x512xf32, #tpu.memory_space<vmem>>, %arg3: memref<1x512xf32, #tpu.memory_space<vmem>>, %arg4: memref<1x512xf32, #tpu.memory_space<vmem>>, %arg5: memref<1x512xf32, #tpu.memory_space<vmem>>, %arg6: memref<1x512xf32, #tpu.memory_space<vmem>>, %arg7: memref<2x512xf32, #tpu.memory_space<vmem>>) attributes {dimension_semantics = [#tpu.dimension_semantics<arbitrary>, #tpu.dimension_semantics<arbitrary>], iteration_bounds = array<i64: 1, 1>, scalar_prefetch = 0 : i64, scratch_operands = 0 : i64, tpu.core_type = #tpu.core_type<tc>, window_params = [{transform_indices = @transform_0, window_bounds = array<i64: 2, 64, 512>}, {transform_indices = @transform_1, window_bounds = array<i64: 1, 512>}, {transform_indices = @transform_2, window_bounds = array<i64: 1, 512>}, {transform_indices = @transform_3, window_bounds = array<i64: 1, 512>}, {transform_indices = @transform_4, window_bounds = array<i64: 1, 512>}, {transform_indices = @transform_5, window_bounds = array<i64: 2, 512>}]} {
    %get3A = arith.constant 0 : index
    %get3A_0 = arith.constant 0 : index
    %get3A_1 = vector.load %arg3[%get3A, %get3A_0] : memref<1x512xf32, #tpu.memory_space<vmem>>, vector<1x512xf32>
    %get3A_2 = arith.constant 0 : index
    %get3A_3 = arith.constant 0 : index
    %get3A_4 = arith.constant 0 : index
    %get3A_5 = vector.load %arg2[%get3A_2, %get3A_3, %get3A_4] : memref<2x64x512xf32, #tpu.memory_space<vmem>>, vector<2x64x512xf32>
    %get3A_6 = arith.constant 0 : index
    %get3A_7 = arith.constant 0 : index
    %get3A_8 = vector.load %arg5[%get3A_6, %get3A_7] : memref<1x512xf32, #tpu.memory_space<vmem>>, vector<1x512xf32>
    %broadcast_in_dim3A = vector.shape_cast %get3A_8 : vector<1x512xf32> to vector<1x1x512xf32>
    %sub3A = vector.broadcast %broadcast_in_dim3A : vector<1x1x512xf32> to vector<2x64x512xf32>
    %sub3A_9 = arith.subf %get3A_5, %sub3A : vector<2x64x512xf32>
    %broadcast_in_dim3A_10 = vector.shape_cast %get3A_1 : vector<1x512xf32> to vector<1x1x512xf32>
    %mul3A = vector.broadcast %broadcast_in_dim3A_10 : vector<1x1x512xf32> to vector<2x64x512xf32>
    %mul3A_11 = arith.mulf %mul3A, %sub3A_9 : vector<2x64x512xf32>
    %get3A_12 = arith.constant 0 : index
    %get3A_13 = arith.constant 0 : index
    %get3A_14 = vector.load %arg6[%get3A_12, %get3A_13] : memref<1x512xf32, #tpu.memory_space<vmem>>, vector<1x512xf32>
    %broadcast_in_dim3A_15 = vector.shape_cast %get3A_14 : vector<1x512xf32> to vector<1x1x512xf32>
    %mul3A_16 = vector.broadcast %broadcast_in_dim3A_15 : vector<1x1x512xf32> to vector<2x64x512xf32>
    %mul3A_17 = arith.mulf %mul3A_11, %mul3A_16 : vector<2x64x512xf32>
    %get3A_18 = arith.constant 0 : index
    %get3A_19 = arith.constant 0 : index
    %get3A_20 = vector.load %arg4[%get3A_18, %get3A_19] : memref<1x512xf32, #tpu.memory_space<vmem>>, vector<1x512xf32>
    %broadcast_in_dim3A_21 = vector.shape_cast %get3A_20 : vector<1x512xf32> to vector<1x1x512xf32>
    %add3A = vector.broadcast %broadcast_in_dim3A_21 : vector<1x1x512xf32> to vector<2x64x512xf32>
    %add3A_22 = arith.addf %mul3A_17, %add3A : vector<2x64x512xf32>
    %max3A = arith.constant 0.000000e+00 : f32
    %max3A_23 = vector.broadcast %max3A : f32 to vector<2x64x512xf32>
    %max3A_24 = arith.maximumf %add3A_22, %max3A_23 : vector<2x64x512xf32>
    %reduce_max3A = arith.constant dense<0xFF800000> : vector<2x512xf32>
    %reduce_max3A_25 = vector.multi_reduction <maximumf>, %max3A_24, %reduce_max3A [1] : vector<2x64x512xf32> to vector<2x512xf32>
    %swap3A = arith.constant 0 : index
    %swap3A_26 = arith.constant 0 : index
    %swap3A_27 = vector.load %arg7[%swap3A, %swap3A_26] : memref<2x512xf32, #tpu.memory_space<vmem>>, vector<2x512xf32>
    tpu.vector_store %arg7[%swap3A, %swap3A_26], %reduce_max3A_25 {strides = array<i32>} : memref<2x512xf32, #tpu.memory_space<vmem>>, vector<2x512xf32>,
    return
  }
  func.func @transform_0(%arg0: i32, %arg1: i32) -> (i32, i32, i32) {
    %c0_i32 = arith.constant 0 : i32
    %c0_i32_0 = arith.constant 0 : i32
    return %arg0, %c0_i32, %arg1 : i32, i32, i32
  }
  func.func @transform_1(%arg0: i32, %arg1: i32) -> (i32, i32) {
    %c0_i32 = arith.constant 0 : i32
    %c0_i32_0 = arith.constant 0 : i32
    return %c0_i32, %arg1 : i32, i32
  }
  func.func @transform_2(%arg0: i32, %arg1: i32) -> (i32, i32) {
    %c0_i32 = arith.constant 0 : i32
    %c0_i32_0 = arith.constant 0 : i32
    return %c0_i32, %arg1 : i32, i32
  }
  func.func @transform_3(%arg0: i32, %arg1: i32) -> (i32, i32) {
    %c0_i32 = arith.constant 0 : i32
    %c0_i32_0 = arith.constant 0 : i32
    return %c0_i32, %arg1 : i32, i32
  }
  func.func @transform_4(%arg0: i32, %arg1: i32) -> (i32, i32) {
    %c0_i32 = arith.constant 0 : i32
    %c0_i32_0 = arith.constant 0 : i32
    return %c0_i32, %arg1 : i32, i32
  }
  func.func @transform_5(%arg0: i32, %arg1: i32) -> (i32, i32) {
    %c0_i32 = arith.constant 0 : i32
    return %arg0, %arg1 : i32, i32
  }
}

module attributes {stable_mosaic.version = 14 : i64} {
  func.func @_lin0_body(%arg0: i32, %arg1: memref<1024x160xf32, #tpu.memory_space<vmem>>, %arg2: memref<160x128xf32, #tpu.memory_space<vmem>>, %arg3: memref<1x128xf32, #tpu.memory_space<vmem>>, %arg4: memref<1024x128xf32, #tpu.memory_space<vmem>>, %arg5: memref<1x8x128xf32, #tpu.memory_space<vmem>>) attributes {dimension_semantics = [#tpu.dimension_semantics<arbitrary>], iteration_bounds = array<i64: 8>, scalar_prefetch = 0 : i64, scratch_operands = 0 : i64, tpu.core_type = #tpu.core_type<tc>, window_params = [{transform_indices = @transform_0, window_bounds = array<i64: 1024, 160>}, {pipeline_mode = #tpu.pipeline_mode<synchronous>, transform_indices = @transform_1, window_bounds = array<i64: 160, 128>}, {pipeline_mode = #tpu.pipeline_mode<synchronous>, transform_indices = @transform_2, window_bounds = array<i64: 1, 128>}, {transform_indices = @transform_3, window_bounds = array<i64: 1024, 128>}, {transform_indices = @transform_4, window_bounds = array<i64: 1, 8, 128>}]} {
    %get3A = arith.constant 0 : index
    %get3A_0 = arith.constant 0 : index
    %get3A_1 = vector.load %arg1[%get3A, %get3A_0] : memref<1024x160xf32, #tpu.memory_space<vmem>>, vector<1024x160xf32>
    %get3A_2 = arith.constant 0 : index
    %get3A_3 = arith.constant 0 : index
    %get3A_4 = vector.load %arg2[%get3A_2, %get3A_3] : memref<160x128xf32, #tpu.memory_space<vmem>>, vector<160x128xf32>
    %dot_general3A = arith.constant dense<0.000000e+00> : vector<1024x128xf32>
    %dot_general3A_5 = tpu.matmul %get3A_1, %get3A_4, %dot_general3A {dimension_numbers = #tpu.dot_dimension_numbers<[1], [0], [0], [1], [0, 0, 1, 1], [], []>, transpose_lhs_hint = false} : vector<1024x160xf32>, vector<160x128xf32>, vector<1024x128xf32> -> vector<1024x128xf32>
    %get3A_6 = arith.constant 0 : index
    %get3A_7 = arith.constant 0 : index
    %get3A_8 = vector.load %arg3[%get3A_6, %get3A_7] : memref<1x128xf32, #tpu.memory_space<vmem>>, vector<1x128xf32>
    %add3A = vector.broadcast %get3A_8 : vector<1x128xf32> to vector<1024x128xf32>
    %add3A_9 = arith.addf %dot_general3A_5, %add3A : vector<1024x128xf32>
    %swap3A = arith.constant 0 : index
    %swap3A_10 = arith.constant 0 : index
    %swap3A_11 = vector.load %arg4[%swap3A, %swap3A_10] : memref<1024x128xf32, #tpu.memory_space<vmem>>, vector<1024x128xf32>
    tpu.vector_store %arg4[%swap3A, %swap3A_10], %add3A_9 {strides = array<i32>} : memref<1024x128xf32, #tpu.memory_space<vmem>>, vector<1024x128xf32>,
    %reduce_sum3A = arith.constant dense<0.000000e+00> : vector<128xf32>
    %reduce_sum3A_12 = vector.multi_reduction <add>, %add3A_9, %reduce_sum3A [0] : vector<1024x128xf32> to vector<128xf32>
    %broadcast_in_dim3A = vector.shape_cast %reduce_sum3A_12 : vector<128xf32> to vector<1x128xf32>
    %broadcast_in_dim3A_13 = vector.shape_cast %broadcast_in_dim3A : vector<1x128xf32> to vector<1x1x128xf32>
    %broadcast_in_dim3A_14 = vector.shape_cast %broadcast_in_dim3A_13 : vector<1x1x128xf32> to vector<1x1x128xf32>
    %broadcast_in_dim3A_15 = vector.broadcast %broadcast_in_dim3A_14 : vector<1x1x128xf32> to vector<1x8x128xf32>
    %swap3A_16 = arith.constant 0 : index
    %swap3A_17 = arith.constant 0 : index
    %swap3A_18 = arith.constant 0 : index
    %swap3A_19 = vector.load %arg5[%swap3A_16, %swap3A_17, %swap3A_18] : memref<1x8x128xf32, #tpu.memory_space<vmem>>, vector<1x8x128xf32>
    tpu.vector_store %arg5[%swap3A_16, %swap3A_17, %swap3A_18], %broadcast_in_dim3A_15 {strides = array<i32>} : memref<1x8x128xf32, #tpu.memory_space<vmem>>, vector<1x8x128xf32>,
    return
  }
  func.func @transform_0(%arg0: i32) -> (i32, i32) {
    %c0_i32 = arith.constant 0 : i32
    %c0_i32_0 = arith.constant 0 : i32
    return %arg0, %c0_i32 : i32, i32
  }
  func.func @transform_1(%arg0: i32) -> (i32, i32) {
    %c0_i32 = arith.constant 0 : i32
    %c0_i32_0 = arith.constant 0 : i32
    %c0_i32_1 = arith.constant 0 : i32
    return %c0_i32, %c0_i32_0 : i32, i32
  }
  func.func @transform_2(%arg0: i32) -> (i32, i32) {
    %c0_i32 = arith.constant 0 : i32
    %c0_i32_0 = arith.constant 0 : i32
    %c0_i32_1 = arith.constant 0 : i32
    return %c0_i32, %c0_i32_0 : i32, i32
  }
  func.func @transform_3(%arg0: i32) -> (i32, i32) {
    %c0_i32 = arith.constant 0 : i32
    %c0_i32_0 = arith.constant 0 : i32
    return %arg0, %c0_i32 : i32, i32
  }
  func.func @transform_4(%arg0: i32) -> (i32, i32, i32) {
    %c0_i32 = arith.constant 0 : i32
    %c0_i32_0 = arith.constant 0 : i32
    %c0_i32_1 = arith.constant 0 : i32
    return %arg0, %c0_i32, %c0_i32_0 : i32, i32, i32
  }
}

module attributes {stable_mosaic.version = 14 : i64} {
  func.func @_var_body(%arg0: i32, %arg1: memref<1024x128xf32, #tpu.memory_space<vmem>>, %arg2: memref<1x128xf32, #tpu.memory_space<vmem>>, %arg3: memref<1x8x128xf32, #tpu.memory_space<vmem>>) attributes {dimension_semantics = [#tpu.dimension_semantics<arbitrary>], iteration_bounds = array<i64: 8>, scalar_prefetch = 0 : i64, scratch_operands = 0 : i64, tpu.core_type = #tpu.core_type<tc>, window_params = [{transform_indices = @transform_0, window_bounds = array<i64: 1024, 128>}, {pipeline_mode = #tpu.pipeline_mode<synchronous>, transform_indices = @transform_1, window_bounds = array<i64: 1, 128>}, {transform_indices = @transform_2, window_bounds = array<i64: 1, 8, 128>}]} {
    %get3A = arith.constant 0 : index
    %get3A_0 = arith.constant 0 : index
    %get3A_1 = vector.load %arg1[%get3A, %get3A_0] : memref<1024x128xf32, #tpu.memory_space<vmem>>, vector<1024x128xf32>
    %get3A_2 = arith.constant 0 : index
    %get3A_3 = arith.constant 0 : index
    %get3A_4 = vector.load %arg2[%get3A_2, %get3A_3] : memref<1x128xf32, #tpu.memory_space<vmem>>, vector<1x128xf32>
    %sub3A = vector.broadcast %get3A_4 : vector<1x128xf32> to vector<1024x128xf32>
    %sub3A_5 = arith.subf %get3A_1, %sub3A : vector<1024x128xf32>
    %mul3A = arith.mulf %sub3A_5, %sub3A_5 : vector<1024x128xf32>
    %reduce_sum3A = arith.constant dense<0.000000e+00> : vector<128xf32>
    %reduce_sum3A_6 = vector.multi_reduction <add>, %mul3A, %reduce_sum3A [0] : vector<1024x128xf32> to vector<128xf32>
    %broadcast_in_dim3A = vector.shape_cast %reduce_sum3A_6 : vector<128xf32> to vector<1x128xf32>
    %broadcast_in_dim3A_7 = vector.shape_cast %broadcast_in_dim3A : vector<1x128xf32> to vector<1x1x128xf32>
    %broadcast_in_dim3A_8 = vector.shape_cast %broadcast_in_dim3A_7 : vector<1x1x128xf32> to vector<1x1x128xf32>
    %broadcast_in_dim3A_9 = vector.broadcast %broadcast_in_dim3A_8 : vector<1x1x128xf32> to vector<1x8x128xf32>
    %swap3A = arith.constant 0 : index
    %swap3A_10 = arith.constant 0 : index
    %swap3A_11 = arith.constant 0 : index
    %swap3A_12 = vector.load %arg3[%swap3A, %swap3A_10, %swap3A_11] : memref<1x8x128xf32, #tpu.memory_space<vmem>>, vector<1x8x128xf32>
    tpu.vector_store %arg3[%swap3A, %swap3A_10, %swap3A_11], %broadcast_in_dim3A_9 {strides = array<i32>} : memref<1x8x128xf32, #tpu.memory_space<vmem>>, vector<1x8x128xf32>,
    return
  }
  func.func @transform_0(%arg0: i32) -> (i32, i32) {
    %c0_i32 = arith.constant 0 : i32
    %c0_i32_0 = arith.constant 0 : i32
    return %arg0, %c0_i32 : i32, i32
  }
  func.func @transform_1(%arg0: i32) -> (i32, i32) {
    %c0_i32 = arith.constant 0 : i32
    %c0_i32_0 = arith.constant 0 : i32
    %c0_i32_1 = arith.constant 0 : i32
    return %c0_i32, %c0_i32_0 : i32, i32
  }
  func.func @transform_2(%arg0: i32) -> (i32, i32, i32) {
    %c0_i32 = arith.constant 0 : i32
    %c0_i32_0 = arith.constant 0 : i32
    %c0_i32_1 = arith.constant 0 : i32
    return %arg0, %c0_i32, %c0_i32_0 : i32, i32, i32
  }
}

module attributes {stable_mosaic.version = 14 : i64} {
  func.func @_lin_body(%arg0: i32, %arg1: memref<1024x128xf32, #tpu.memory_space<vmem>>, %arg2: memref<128x128xf32, #tpu.memory_space<vmem>>, %arg3: memref<1x128xf32, #tpu.memory_space<vmem>>, %arg4: memref<1x128xf32, #tpu.memory_space<vmem>>, %arg5: memref<1x128xf32, #tpu.memory_space<vmem>>, %arg6: memref<1x128xf32, #tpu.memory_space<vmem>>, %arg7: memref<1x128xf32, #tpu.memory_space<vmem>>, %arg8: memref<1024x128xf32, #tpu.memory_space<vmem>>, %arg9: memref<1x8x128xf32, #tpu.memory_space<vmem>>) attributes {dimension_semantics = [#tpu.dimension_semantics<arbitrary>], iteration_bounds = array<i64: 8>, scalar_prefetch = 0 : i64, scratch_operands = 0 : i64, tpu.core_type = #tpu.core_type<tc>, window_params = [{transform_indices = @transform_0, window_bounds = array<i64: 1024, 128>}, {pipeline_mode = #tpu.pipeline_mode<synchronous>, transform_indices = @transform_1, window_bounds = array<i64: 128, 128>}, {pipeline_mode = #tpu.pipeline_mode<synchronous>, transform_indices = @transform_2, window_bounds = array<i64: 1, 128>}, {pipeline_mode = #tpu.pipeline_mode<synchronous>, transform_indices = @transform_3, window_bounds = array<i64: 1, 128>}, {pipeline_mode = #tpu.pipeline_mode<synchronous>, transform_indices = @transform_4, window_bounds = array<i64: 1, 128>}, {pipeline_mode = #tpu.pipeline_mode<synchronous>, transform_indices = @transform_5, window_bounds = array<i64: 1, 128>}, {pipeline_mode = #tpu.pipeline_mode<synchronous>, transform_indices = @transform_6, window_bounds = array<i64: 1, 128>}, {transform_indices = @transform_7, window_bounds = array<i64: 1024, 128>}, {transform_indices = @transform_8, window_bounds = array<i64: 1, 8, 128>}]} {
    %get3A = arith.constant 0 : index
    %get3A_0 = arith.constant 0 : index
    %get3A_1 = vector.load %arg1[%get3A, %get3A_0] : memref<1024x128xf32, #tpu.memory_space<vmem>>, vector<1024x128xf32>
    %get3A_2 = arith.constant 0 : index
    %get3A_3 = arith.constant 0 : index
    %get3A_4 = vector.load %arg4[%get3A_2, %get3A_3] : memref<1x128xf32, #tpu.memory_space<vmem>>, vector<1x128xf32>
    %get3A_5 = arith.constant 0 : index
    %get3A_6 = arith.constant 0 : index
    %get3A_7 = vector.load %arg6[%get3A_5, %get3A_6] : memref<1x128xf32, #tpu.memory_space<vmem>>, vector<1x128xf32>
    %sub3A = vector.broadcast %get3A_7 : vector<1x128xf32> to vector<1024x128xf32>
    %sub3A_8 = arith.subf %get3A_1, %sub3A : vector<1024x128xf32>
    %mul3A = vector.broadcast %get3A_4 : vector<1x128xf32> to vector<1024x128xf32>
    %mul3A_9 = arith.mulf %mul3A, %sub3A_8 : vector<1024x128xf32>
    %get3A_10 = arith.constant 0 : index
    %get3A_11 = arith.constant 0 : index
    %get3A_12 = vector.load %arg7[%get3A_10, %get3A_11] : memref<1x128xf32, #tpu.memory_space<vmem>>, vector<1x128xf32>
    %mul3A_13 = vector.broadcast %get3A_12 : vector<1x128xf32> to vector<1024x128xf32>
    %mul3A_14 = arith.mulf %mul3A_9, %mul3A_13 : vector<1024x128xf32>
    %get3A_15 = arith.constant 0 : index
    %get3A_16 = arith.constant 0 : index
    %get3A_17 = vector.load %arg5[%get3A_15, %get3A_16] : memref<1x128xf32, #tpu.memory_space<vmem>>, vector<1x128xf32>
    %add3A = vector.broadcast %get3A_17 : vector<1x128xf32> to vector<1024x128xf32>
    %add3A_18 = arith.addf %mul3A_14, %add3A : vector<1024x128xf32>
    %max3A = arith.constant 0.000000e+00 : f32
    %max3A_19 = vector.broadcast %max3A : f32 to vector<1024x128xf32>
    %max3A_20 = arith.maximumf %add3A_18, %max3A_19 : vector<1024x128xf32>
    %get3A_21 = arith.constant 0 : index
    %get3A_22 = arith.constant 0 : index
    %get3A_23 = vector.load %arg2[%get3A_21, %get3A_22] : memref<128x128xf32, #tpu.memory_space<vmem>>, vector<128x128xf32>
    %dot_general3A = arith.constant dense<0.000000e+00> : vector<1024x128xf32>
    %dot_general3A_24 = tpu.matmul %max3A_20, %get3A_23, %dot_general3A {dimension_numbers = #tpu.dot_dimension_numbers<[1], [0], [0], [1], [0, 0, 1, 1], [], []>, transpose_lhs_hint = false} : vector<1024x128xf32>, vector<128x128xf32>, vector<1024x128xf32> -> vector<1024x128xf32>
    %get3A_25 = arith.constant 0 : index
    %get3A_26 = arith.constant 0 : index
    %get3A_27 = vector.load %arg3[%get3A_25, %get3A_26] : memref<1x128xf32, #tpu.memory_space<vmem>>, vector<1x128xf32>
    %add3A_28 = vector.broadcast %get3A_27 : vector<1x128xf32> to vector<1024x128xf32>
    %add3A_29 = arith.addf %dot_general3A_24, %add3A_28 : vector<1024x128xf32>
    %swap3A = arith.constant 0 : index
    %swap3A_30 = arith.constant 0 : index
    %swap3A_31 = vector.load %arg8[%swap3A, %swap3A_30] : memref<1024x128xf32, #tpu.memory_space<vmem>>, vector<1024x128xf32>
    tpu.vector_store %arg8[%swap3A, %swap3A_30], %add3A_29 {strides = array<i32>} : memref<1024x128xf32, #tpu.memory_space<vmem>>, vector<1024x128xf32>,
    %reduce_sum3A = arith.constant dense<0.000000e+00> : vector<128xf32>
    %reduce_sum3A_32 = vector.multi_reduction <add>, %add3A_29, %reduce_sum3A [0] : vector<1024x128xf32> to vector<128xf32>
    %broadcast_in_dim3A = vector.shape_cast %reduce_sum3A_32 : vector<128xf32> to vector<1x128xf32>
    %broadcast_in_dim3A_33 = vector.shape_cast %broadcast_in_dim3A : vector<1x128xf32> to vector<1x1x128xf32>
    %broadcast_in_dim3A_34 = vector.shape_cast %broadcast_in_dim3A_33 : vector<1x1x128xf32> to vector<1x1x128xf32>
    %broadcast_in_dim3A_35 = vector.broadcast %broadcast_in_dim3A_34 : vector<1x1x128xf32> to vector<1x8x128xf32>
    %swap3A_36 = arith.constant 0 : index
    %swap3A_37 = arith.constant 0 : index
    %swap3A_38 = arith.constant 0 : index
    %swap3A_39 = vector.load %arg9[%swap3A_36, %swap3A_37, %swap3A_38] : memref<1x8x128xf32, #tpu.memory_space<vmem>>, vector<1x8x128xf32>
    tpu.vector_store %arg9[%swap3A_36, %swap3A_37, %swap3A_38], %broadcast_in_dim3A_35 {strides = array<i32>} : memref<1x8x128xf32, #tpu.memory_space<vmem>>, vector<1x8x128xf32>,
    return
  }
  func.func @transform_0(%arg0: i32) -> (i32, i32) {
    %c0_i32 = arith.constant 0 : i32
    %c0_i32_0 = arith.constant 0 : i32
    return %arg0, %c0_i32 : i32, i32
  }
  func.func @transform_1(%arg0: i32) -> (i32, i32) {
    %c0_i32 = arith.constant 0 : i32
    %c0_i32_0 = arith.constant 0 : i32
    %c0_i32_1 = arith.constant 0 : i32
    return %c0_i32, %c0_i32_0 : i32, i32
  }
  func.func @transform_2(%arg0: i32) -> (i32, i32) {
    %c0_i32 = arith.constant 0 : i32
    %c0_i32_0 = arith.constant 0 : i32
    %c0_i32_1 = arith.constant 0 : i32
    return %c0_i32, %c0_i32_0 : i32, i32
  }
  func.func @transform_3(%arg0: i32) -> (i32, i32) {
    %c0_i32 = arith.constant 0 : i32
    %c0_i32_0 = arith.constant 0 : i32
    %c0_i32_1 = arith.constant 0 : i32
    return %c0_i32, %c0_i32_0 : i32, i32
  }
  func.func @transform_4(%arg0: i32) -> (i32, i32) {
    %c0_i32 = arith.constant 0 : i32
    %c0_i32_0 = arith.constant 0 : i32
    %c0_i32_1 = arith.constant 0 : i32
    return %c0_i32, %c0_i32_0 : i32, i32
  }
  func.func @transform_5(%arg0: i32) -> (i32, i32) {
    %c0_i32 = arith.constant 0 : i32
    %c0_i32_0 = arith.constant 0 : i32
    %c0_i32_1 = arith.constant 0 : i32
    return %c0_i32, %c0_i32_0 : i32, i32
  }
  func.func @transform_6(%arg0: i32) -> (i32, i32) {
    %c0_i32 = arith.constant 0 : i32
    %c0_i32_0 = arith.constant 0 : i32
    %c0_i32_1 = arith.constant 0 : i32
    return %c0_i32, %c0_i32_0 : i32, i32
  }
  func.func @transform_7(%arg0: i32) -> (i32, i32) {
    %c0_i32 = arith.constant 0 : i32
    %c0_i32_0 = arith.constant 0 : i32
    return %arg0, %c0_i32 : i32, i32
  }
  func.func @transform_8(%arg0: i32) -> (i32, i32, i32) {
    %c0_i32 = arith.constant 0 : i32
    %c0_i32_0 = arith.constant 0 : i32
    %c0_i32_1 = arith.constant 0 : i32
    return %arg0, %c0_i32, %c0_i32_0 : i32, i32, i32
  }
}

module attributes {stable_mosaic.version = 14 : i64} {
  func.func @_lin_body(%arg0: i32, %arg1: memref<1024x128xf32, #tpu.memory_space<vmem>>, %arg2: memref<128x64xf32, #tpu.memory_space<vmem>>, %arg3: memref<1x64xf32, #tpu.memory_space<vmem>>, %arg4: memref<1x128xf32, #tpu.memory_space<vmem>>, %arg5: memref<1x128xf32, #tpu.memory_space<vmem>>, %arg6: memref<1x128xf32, #tpu.memory_space<vmem>>, %arg7: memref<1x128xf32, #tpu.memory_space<vmem>>, %arg8: memref<1024x64xf32, #tpu.memory_space<vmem>>, %arg9: memref<1x8x64xf32, #tpu.memory_space<vmem>>) attributes {dimension_semantics = [#tpu.dimension_semantics<arbitrary>], iteration_bounds = array<i64: 8>, scalar_prefetch = 0 : i64, scratch_operands = 0 : i64, tpu.core_type = #tpu.core_type<tc>, window_params = [{transform_indices = @transform_0, window_bounds = array<i64: 1024, 128>}, {pipeline_mode = #tpu.pipeline_mode<synchronous>, transform_indices = @transform_1, window_bounds = array<i64: 128, 64>}, {pipeline_mode = #tpu.pipeline_mode<synchronous>, transform_indices = @transform_2, window_bounds = array<i64: 1, 64>}, {pipeline_mode = #tpu.pipeline_mode<synchronous>, transform_indices = @transform_3, window_bounds = array<i64: 1, 128>}, {pipeline_mode = #tpu.pipeline_mode<synchronous>, transform_indices = @transform_4, window_bounds = array<i64: 1, 128>}, {pipeline_mode = #tpu.pipeline_mode<synchronous>, transform_indices = @transform_5, window_bounds = array<i64: 1, 128>}, {pipeline_mode = #tpu.pipeline_mode<synchronous>, transform_indices = @transform_6, window_bounds = array<i64: 1, 128>}, {transform_indices = @transform_7, window_bounds = array<i64: 1024, 64>}, {transform_indices = @transform_8, window_bounds = array<i64: 1, 8, 64>}]} {
    %get3A = arith.constant 0 : index
    %get3A_0 = arith.constant 0 : index
    %get3A_1 = vector.load %arg1[%get3A, %get3A_0] : memref<1024x128xf32, #tpu.memory_space<vmem>>, vector<1024x128xf32>
    %get3A_2 = arith.constant 0 : index
    %get3A_3 = arith.constant 0 : index
    %get3A_4 = vector.load %arg4[%get3A_2, %get3A_3] : memref<1x128xf32, #tpu.memory_space<vmem>>, vector<1x128xf32>
    %get3A_5 = arith.constant 0 : index
    %get3A_6 = arith.constant 0 : index
    %get3A_7 = vector.load %arg6[%get3A_5, %get3A_6] : memref<1x128xf32, #tpu.memory_space<vmem>>, vector<1x128xf32>
    %sub3A = vector.broadcast %get3A_7 : vector<1x128xf32> to vector<1024x128xf32>
    %sub3A_8 = arith.subf %get3A_1, %sub3A : vector<1024x128xf32>
    %mul3A = vector.broadcast %get3A_4 : vector<1x128xf32> to vector<1024x128xf32>
    %mul3A_9 = arith.mulf %mul3A, %sub3A_8 : vector<1024x128xf32>
    %get3A_10 = arith.constant 0 : index
    %get3A_11 = arith.constant 0 : index
    %get3A_12 = vector.load %arg7[%get3A_10, %get3A_11] : memref<1x128xf32, #tpu.memory_space<vmem>>, vector<1x128xf32>
    %mul3A_13 = vector.broadcast %get3A_12 : vector<1x128xf32> to vector<1024x128xf32>
    %mul3A_14 = arith.mulf %mul3A_9, %mul3A_13 : vector<1024x128xf32>
    %get3A_15 = arith.constant 0 : index
    %get3A_16 = arith.constant 0 : index
    %get3A_17 = vector.load %arg5[%get3A_15, %get3A_16] : memref<1x128xf32, #tpu.memory_space<vmem>>, vector<1x128xf32>
    %add3A = vector.broadcast %get3A_17 : vector<1x128xf32> to vector<1024x128xf32>
    %add3A_18 = arith.addf %mul3A_14, %add3A : vector<1024x128xf32>
    %max3A = arith.constant 0.000000e+00 : f32
    %max3A_19 = vector.broadcast %max3A : f32 to vector<1024x128xf32>
    %max3A_20 = arith.maximumf %add3A_18, %max3A_19 : vector<1024x128xf32>
    %get3A_21 = arith.constant 0 : index
    %get3A_22 = arith.constant 0 : index
    %get3A_23 = vector.load %arg2[%get3A_21, %get3A_22] : memref<128x64xf32, #tpu.memory_space<vmem>>, vector<128x64xf32>
    %dot_general3A = arith.constant dense<0.000000e+00> : vector<1024x64xf32>
    %dot_general3A_24 = tpu.matmul %max3A_20, %get3A_23, %dot_general3A {dimension_numbers = #tpu.dot_dimension_numbers<[1], [0], [0], [1], [0, 0, 1, 1], [], []>, transpose_lhs_hint = false} : vector<1024x128xf32>, vector<128x64xf32>, vector<1024x64xf32> -> vector<1024x64xf32>
    %get3A_25 = arith.constant 0 : index
    %get3A_26 = arith.constant 0 : index
    %get3A_27 = vector.load %arg3[%get3A_25, %get3A_26] : memref<1x64xf32, #tpu.memory_space<vmem>>, vector<1x64xf32>
    %add3A_28 = vector.broadcast %get3A_27 : vector<1x64xf32> to vector<1024x64xf32>
    %add3A_29 = arith.addf %dot_general3A_24, %add3A_28 : vector<1024x64xf32>
    %swap3A = arith.constant 0 : index
    %swap3A_30 = arith.constant 0 : index
    %swap3A_31 = vector.load %arg8[%swap3A, %swap3A_30] : memref<1024x64xf32, #tpu.memory_space<vmem>>, vector<1024x64xf32>
    tpu.vector_store %arg8[%swap3A, %swap3A_30], %add3A_29 {strides = array<i32>} : memref<1024x64xf32, #tpu.memory_space<vmem>>, vector<1024x64xf32>,
    %reduce_sum3A = arith.constant dense<0.000000e+00> : vector<64xf32>
    %reduce_sum3A_32 = vector.multi_reduction <add>, %add3A_29, %reduce_sum3A [0] : vector<1024x64xf32> to vector<64xf32>
    %broadcast_in_dim3A = vector.shape_cast %reduce_sum3A_32 : vector<64xf32> to vector<1x64xf32>
    %broadcast_in_dim3A_33 = vector.shape_cast %broadcast_in_dim3A : vector<1x64xf32> to vector<1x1x64xf32>
    %broadcast_in_dim3A_34 = vector.shape_cast %broadcast_in_dim3A_33 : vector<1x1x64xf32> to vector<1x1x64xf32>
    %broadcast_in_dim3A_35 = vector.broadcast %broadcast_in_dim3A_34 : vector<1x1x64xf32> to vector<1x8x64xf32>
    %swap3A_36 = arith.constant 0 : index
    %swap3A_37 = arith.constant 0 : index
    %swap3A_38 = arith.constant 0 : index
    %swap3A_39 = vector.load %arg9[%swap3A_36, %swap3A_37, %swap3A_38] : memref<1x8x64xf32, #tpu.memory_space<vmem>>, vector<1x8x64xf32>
    tpu.vector_store %arg9[%swap3A_36, %swap3A_37, %swap3A_38], %broadcast_in_dim3A_35 {strides = array<i32>} : memref<1x8x64xf32, #tpu.memory_space<vmem>>, vector<1x8x64xf32>,
    return
  }
  func.func @transform_0(%arg0: i32) -> (i32, i32) {
    %c0_i32 = arith.constant 0 : i32
    %c0_i32_0 = arith.constant 0 : i32
    return %arg0, %c0_i32 : i32, i32
  }
  func.func @transform_1(%arg0: i32) -> (i32, i32) {
    %c0_i32 = arith.constant 0 : i32
    %c0_i32_0 = arith.constant 0 : i32
    %c0_i32_1 = arith.constant 0 : i32
    return %c0_i32, %c0_i32_0 : i32, i32
  }
  func.func @transform_2(%arg0: i32) -> (i32, i32) {
    %c0_i32 = arith.constant 0 : i32
    %c0_i32_0 = arith.constant 0 : i32
    %c0_i32_1 = arith.constant 0 : i32
    return %c0_i32, %c0_i32_0 : i32, i32
  }
  func.func @transform_3(%arg0: i32) -> (i32, i32) {
    %c0_i32 = arith.constant 0 : i32
    %c0_i32_0 = arith.constant 0 : i32
    %c0_i32_1 = arith.constant 0 : i32
    return %c0_i32, %c0_i32_0 : i32, i32
  }
  func.func @transform_4(%arg0: i32) -> (i32, i32) {
    %c0_i32 = arith.constant 0 : i32
    %c0_i32_0 = arith.constant 0 : i32
    %c0_i32_1 = arith.constant 0 : i32
    return %c0_i32, %c0_i32_0 : i32, i32
  }
  func.func @transform_5(%arg0: i32) -> (i32, i32) {
    %c0_i32 = arith.constant 0 : i32
    %c0_i32_0 = arith.constant 0 : i32
    %c0_i32_1 = arith.constant 0 : i32
    return %c0_i32, %c0_i32_0 : i32, i32
  }
  func.func @transform_6(%arg0: i32) -> (i32, i32) {
    %c0_i32 = arith.constant 0 : i32
    %c0_i32_0 = arith.constant 0 : i32
    %c0_i32_1 = arith.constant 0 : i32
    return %c0_i32, %c0_i32_0 : i32, i32
  }
  func.func @transform_7(%arg0: i32) -> (i32, i32) {
    %c0_i32 = arith.constant 0 : i32
    %c0_i32_0 = arith.constant 0 : i32
    return %arg0, %c0_i32 : i32, i32
  }
  func.func @transform_8(%arg0: i32) -> (i32, i32, i32) {
    %c0_i32 = arith.constant 0 : i32
    %c0_i32_0 = arith.constant 0 : i32
    %c0_i32_1 = arith.constant 0 : i32
    return %arg0, %c0_i32, %c0_i32_0 : i32, i32, i32
  }
}

module attributes {stable_mosaic.version = 14 : i64} {
  func.func @_var_body(%arg0: i32, %arg1: memref<1024x64xf32, #tpu.memory_space<vmem>>, %arg2: memref<1x64xf32, #tpu.memory_space<vmem>>, %arg3: memref<1x8x64xf32, #tpu.memory_space<vmem>>) attributes {dimension_semantics = [#tpu.dimension_semantics<arbitrary>], iteration_bounds = array<i64: 8>, scalar_prefetch = 0 : i64, scratch_operands = 0 : i64, tpu.core_type = #tpu.core_type<tc>, window_params = [{transform_indices = @transform_0, window_bounds = array<i64: 1024, 64>}, {pipeline_mode = #tpu.pipeline_mode<synchronous>, transform_indices = @transform_1, window_bounds = array<i64: 1, 64>}, {transform_indices = @transform_2, window_bounds = array<i64: 1, 8, 64>}]} {
    %get3A = arith.constant 0 : index
    %get3A_0 = arith.constant 0 : index
    %get3A_1 = vector.load %arg1[%get3A, %get3A_0] : memref<1024x64xf32, #tpu.memory_space<vmem>>, vector<1024x64xf32>
    %get3A_2 = arith.constant 0 : index
    %get3A_3 = arith.constant 0 : index
    %get3A_4 = vector.load %arg2[%get3A_2, %get3A_3] : memref<1x64xf32, #tpu.memory_space<vmem>>, vector<1x64xf32>
    %sub3A = vector.broadcast %get3A_4 : vector<1x64xf32> to vector<1024x64xf32>
    %sub3A_5 = arith.subf %get3A_1, %sub3A : vector<1024x64xf32>
    %mul3A = arith.mulf %sub3A_5, %sub3A_5 : vector<1024x64xf32>
    %reduce_sum3A = arith.constant dense<0.000000e+00> : vector<64xf32>
    %reduce_sum3A_6 = vector.multi_reduction <add>, %mul3A, %reduce_sum3A [0] : vector<1024x64xf32> to vector<64xf32>
    %broadcast_in_dim3A = vector.shape_cast %reduce_sum3A_6 : vector<64xf32> to vector<1x64xf32>
    %broadcast_in_dim3A_7 = vector.shape_cast %broadcast_in_dim3A : vector<1x64xf32> to vector<1x1x64xf32>
    %broadcast_in_dim3A_8 = vector.shape_cast %broadcast_in_dim3A_7 : vector<1x1x64xf32> to vector<1x1x64xf32>
    %broadcast_in_dim3A_9 = vector.broadcast %broadcast_in_dim3A_8 : vector<1x1x64xf32> to vector<1x8x64xf32>
    %swap3A = arith.constant 0 : index
    %swap3A_10 = arith.constant 0 : index
    %swap3A_11 = arith.constant 0 : index
    %swap3A_12 = vector.load %arg3[%swap3A, %swap3A_10, %swap3A_11] : memref<1x8x64xf32, #tpu.memory_space<vmem>>, vector<1x8x64xf32>
    tpu.vector_store %arg3[%swap3A, %swap3A_10, %swap3A_11], %broadcast_in_dim3A_9 {strides = array<i32>} : memref<1x8x64xf32, #tpu.memory_space<vmem>>, vector<1x8x64xf32>,
    return
  }
  func.func @transform_0(%arg0: i32) -> (i32, i32) {
    %c0_i32 = arith.constant 0 : i32
    %c0_i32_0 = arith.constant 0 : i32
    return %arg0, %c0_i32 : i32, i32
  }
  func.func @transform_1(%arg0: i32) -> (i32, i32) {
    %c0_i32 = arith.constant 0 : i32
    %c0_i32_0 = arith.constant 0 : i32
    %c0_i32_1 = arith.constant 0 : i32
    return %c0_i32, %c0_i32_0 : i32, i32
  }
  func.func @transform_2(%arg0: i32) -> (i32, i32, i32) {
    %c0_i32 = arith.constant 0 : i32
    %c0_i32_0 = arith.constant 0 : i32
    %c0_i32_1 = arith.constant 0 : i32
    return %arg0, %c0_i32, %c0_i32_0 : i32, i32, i32
  }
}

module attributes {stable_mosaic.version = 14 : i64} {
  func.func @_fin_body(%arg0: i32, %arg1: i32, %arg2: memref<2048x1x64xf32, #tpu.memory_space<vmem>>, %arg3: memref<1x64xf32, #tpu.memory_space<vmem>>, %arg4: memref<1x64xf32, #tpu.memory_space<vmem>>, %arg5: memref<1x64xf32, #tpu.memory_space<vmem>>, %arg6: memref<1x64xf32, #tpu.memory_space<vmem>>, %arg7: memref<2048x64xf32, #tpu.memory_space<vmem>>) attributes {dimension_semantics = [#tpu.dimension_semantics<arbitrary>, #tpu.dimension_semantics<arbitrary>], iteration_bounds = array<i64: 4, 1>, scalar_prefetch = 0 : i64, scratch_operands = 0 : i64, tpu.core_type = #tpu.core_type<tc>, window_params = [{transform_indices = @transform_0, window_bounds = array<i64: 2048, 1, 64>}, {transform_indices = @transform_1, window_bounds = array<i64: 1, 64>}, {transform_indices = @transform_2, window_bounds = array<i64: 1, 64>}, {transform_indices = @transform_3, window_bounds = array<i64: 1, 64>}, {transform_indices = @transform_4, window_bounds = array<i64: 1, 64>}, {transform_indices = @transform_5, window_bounds = array<i64: 2048, 64>}]} {
    %get3A = arith.constant 0 : index
    %get3A_0 = arith.constant 0 : index
    %get3A_1 = vector.load %arg3[%get3A, %get3A_0] : memref<1x64xf32, #tpu.memory_space<vmem>>, vector<1x64xf32>
    %get3A_2 = arith.constant 0 : index
    %get3A_3 = arith.constant 0 : index
    %get3A_4 = arith.constant 0 : index
    %get3A_5 = vector.load %arg2[%get3A_2, %get3A_3, %get3A_4] : memref<2048x1x64xf32, #tpu.memory_space<vmem>>, vector<2048x1x64xf32>
    %get3A_6 = arith.constant 0 : index
    %get3A_7 = arith.constant 0 : index
    %get3A_8 = vector.load %arg5[%get3A_6, %get3A_7] : memref<1x64xf32, #tpu.memory_space<vmem>>, vector<1x64xf32>
    %broadcast_in_dim3A = vector.shape_cast %get3A_8 : vector<1x64xf32> to vector<1x1x64xf32>
    %sub3A = vector.broadcast %broadcast_in_dim3A : vector<1x1x64xf32> to vector<2048x1x64xf32>
    %sub3A_9 = arith.subf %get3A_5, %sub3A : vector<2048x1x64xf32>
    %broadcast_in_dim3A_10 = vector.shape_cast %get3A_1 : vector<1x64xf32> to vector<1x1x64xf32>
    %mul3A = vector.broadcast %broadcast_in_dim3A_10 : vector<1x1x64xf32> to vector<2048x1x64xf32>
    %mul3A_11 = arith.mulf %mul3A, %sub3A_9 : vector<2048x1x64xf32>
    %get3A_12 = arith.constant 0 : index
    %get3A_13 = arith.constant 0 : index
    %get3A_14 = vector.load %arg6[%get3A_12, %get3A_13] : memref<1x64xf32, #tpu.memory_space<vmem>>, vector<1x64xf32>
    %broadcast_in_dim3A_15 = vector.shape_cast %get3A_14 : vector<1x64xf32> to vector<1x1x64xf32>
    %mul3A_16 = vector.broadcast %broadcast_in_dim3A_15 : vector<1x1x64xf32> to vector<2048x1x64xf32>
    %mul3A_17 = arith.mulf %mul3A_11, %mul3A_16 : vector<2048x1x64xf32>
    %get3A_18 = arith.constant 0 : index
    %get3A_19 = arith.constant 0 : index
    %get3A_20 = vector.load %arg4[%get3A_18, %get3A_19] : memref<1x64xf32, #tpu.memory_space<vmem>>, vector<1x64xf32>
    %broadcast_in_dim3A_21 = vector.shape_cast %get3A_20 : vector<1x64xf32> to vector<1x1x64xf32>
    %add3A = vector.broadcast %broadcast_in_dim3A_21 : vector<1x1x64xf32> to vector<2048x1x64xf32>
    %add3A_22 = arith.addf %mul3A_17, %add3A : vector<2048x1x64xf32>
    %max3A = arith.constant 0.000000e+00 : f32
    %max3A_23 = vector.broadcast %max3A : f32 to vector<2048x1x64xf32>
    %max3A_24 = arith.maximumf %add3A_22, %max3A_23 : vector<2048x1x64xf32>
    %reduce_max3A = arith.constant dense<0xFF800000> : vector<2048x64xf32>
    %reduce_max3A_25 = vector.multi_reduction <maximumf>, %max3A_24, %reduce_max3A [1] : vector<2048x1x64xf32> to vector<2048x64xf32>
    %swap3A = arith.constant 0 : index
    %swap3A_26 = arith.constant 0 : index
    %swap3A_27 = vector.load %arg7[%swap3A, %swap3A_26] : memref<2048x64xf32, #tpu.memory_space<vmem>>, vector<2048x64xf32>
    tpu.vector_store %arg7[%swap3A, %swap3A_26], %reduce_max3A_25 {strides = array<i32>} : memref<2048x64xf32, #tpu.memory_space<vmem>>, vector<2048x64xf32>,
    return
  }
  func.func @transform_0(%arg0: i32, %arg1: i32) -> (i32, i32, i32) {
    %c0_i32 = arith.constant 0 : i32
    %c0_i32_0 = arith.constant 0 : i32
    return %arg0, %c0_i32, %arg1 : i32, i32, i32
  }
  func.func @transform_1(%arg0: i32, %arg1: i32) -> (i32, i32) {
    %c0_i32 = arith.constant 0 : i32
    %c0_i32_0 = arith.constant 0 : i32
    return %c0_i32, %arg1 : i32, i32
  }
  func.func @transform_2(%arg0: i32, %arg1: i32) -> (i32, i32) {
    %c0_i32 = arith.constant 0 : i32
    %c0_i32_0 = arith.constant 0 : i32
    return %c0_i32, %arg1 : i32, i32
  }
  func.func @transform_3(%arg0: i32, %arg1: i32) -> (i32, i32) {
    %c0_i32 = arith.constant 0 : i32
    %c0_i32_0 = arith.constant 0 : i32
    return %c0_i32, %arg1 : i32, i32
  }
  func.func @transform_4(%arg0: i32, %arg1: i32) -> (i32, i32) {
    %c0_i32 = arith.constant 0 : i32
    %c0_i32_0 = arith.constant 0 : i32
    return %c0_i32, %arg1 : i32, i32
  }
  func.func @transform_5(%arg0: i32, %arg1: i32) -> (i32, i32) {
    %c0_i32 = arith.constant 0 : i32
    return %arg0, %arg1 : i32, i32
  }
}

module attributes {stable_mosaic.version = 14 : i64} {
  func.func @_lin0_body(%arg0: i32, %arg1: memref<1024x64xf32, #tpu.memory_space<vmem>>, %arg2: memref<64x128xf32, #tpu.memory_space<vmem>>, %arg3: memref<1x128xf32, #tpu.memory_space<vmem>>, %arg4: memref<1024x128xf32, #tpu.memory_space<vmem>>, %arg5: memref<1x8x128xf32, #tpu.memory_space<vmem>>) attributes {dimension_semantics = [#tpu.dimension_semantics<arbitrary>], iteration_bounds = array<i64: 16>, scalar_prefetch = 0 : i64, scratch_operands = 0 : i64, tpu.core_type = #tpu.core_type<tc>, window_params = [{transform_indices = @transform_0, window_bounds = array<i64: 1024, 64>}, {pipeline_mode = #tpu.pipeline_mode<synchronous>, transform_indices = @transform_1, window_bounds = array<i64: 64, 128>}, {pipeline_mode = #tpu.pipeline_mode<synchronous>, transform_indices = @transform_2, window_bounds = array<i64: 1, 128>}, {transform_indices = @transform_3, window_bounds = array<i64: 1024, 128>}, {transform_indices = @transform_4, window_bounds = array<i64: 1, 8, 128>}]} {
    %get3A = arith.constant 0 : index
    %get3A_0 = arith.constant 0 : index
    %get3A_1 = vector.load %arg1[%get3A, %get3A_0] : memref<1024x64xf32, #tpu.memory_space<vmem>>, vector<1024x64xf32>
    %get3A_2 = arith.constant 0 : index
    %get3A_3 = arith.constant 0 : index
    %get3A_4 = vector.load %arg2[%get3A_2, %get3A_3] : memref<64x128xf32, #tpu.memory_space<vmem>>, vector<64x128xf32>
    %dot_general3A = arith.constant dense<0.000000e+00> : vector<1024x128xf32>
    %dot_general3A_5 = tpu.matmul %get3A_1, %get3A_4, %dot_general3A {dimension_numbers = #tpu.dot_dimension_numbers<[1], [0], [0], [1], [0, 0, 1, 1], [], []>, transpose_lhs_hint = false} : vector<1024x64xf32>, vector<64x128xf32>, vector<1024x128xf32> -> vector<1024x128xf32>
    %get3A_6 = arith.constant 0 : index
    %get3A_7 = arith.constant 0 : index
    %get3A_8 = vector.load %arg3[%get3A_6, %get3A_7] : memref<1x128xf32, #tpu.memory_space<vmem>>, vector<1x128xf32>
    %add3A = vector.broadcast %get3A_8 : vector<1x128xf32> to vector<1024x128xf32>
    %add3A_9 = arith.addf %dot_general3A_5, %add3A : vector<1024x128xf32>
    %swap3A = arith.constant 0 : index
    %swap3A_10 = arith.constant 0 : index
    %swap3A_11 = vector.load %arg4[%swap3A, %swap3A_10] : memref<1024x128xf32, #tpu.memory_space<vmem>>, vector<1024x128xf32>
    tpu.vector_store %arg4[%swap3A, %swap3A_10], %add3A_9 {strides = array<i32>} : memref<1024x128xf32, #tpu.memory_space<vmem>>, vector<1024x128xf32>,
    %reduce_sum3A = arith.constant dense<0.000000e+00> : vector<128xf32>
    %reduce_sum3A_12 = vector.multi_reduction <add>, %add3A_9, %reduce_sum3A [0] : vector<1024x128xf32> to vector<128xf32>
    %broadcast_in_dim3A = vector.shape_cast %reduce_sum3A_12 : vector<128xf32> to vector<1x128xf32>
    %broadcast_in_dim3A_13 = vector.shape_cast %broadcast_in_dim3A : vector<1x128xf32> to vector<1x1x128xf32>
    %broadcast_in_dim3A_14 = vector.shape_cast %broadcast_in_dim3A_13 : vector<1x1x128xf32> to vector<1x1x128xf32>
    %broadcast_in_dim3A_15 = vector.broadcast %broadcast_in_dim3A_14 : vector<1x1x128xf32> to vector<1x8x128xf32>
    %swap3A_16 = arith.constant 0 : index
    %swap3A_17 = arith.constant 0 : index
    %swap3A_18 = arith.constant 0 : index
    %swap3A_19 = vector.load %arg5[%swap3A_16, %swap3A_17, %swap3A_18] : memref<1x8x128xf32, #tpu.memory_space<vmem>>, vector<1x8x128xf32>
    tpu.vector_store %arg5[%swap3A_16, %swap3A_17, %swap3A_18], %broadcast_in_dim3A_15 {strides = array<i32>} : memref<1x8x128xf32, #tpu.memory_space<vmem>>, vector<1x8x128xf32>,
    return
  }
  func.func @transform_0(%arg0: i32) -> (i32, i32) {
    %c0_i32 = arith.constant 0 : i32
    %c0_i32_0 = arith.constant 0 : i32
    return %arg0, %c0_i32 : i32, i32
  }
  func.func @transform_1(%arg0: i32) -> (i32, i32) {
    %c0_i32 = arith.constant 0 : i32
    %c0_i32_0 = arith.constant 0 : i32
    %c0_i32_1 = arith.constant 0 : i32
    return %c0_i32, %c0_i32_0 : i32, i32
  }
  func.func @transform_2(%arg0: i32) -> (i32, i32) {
    %c0_i32 = arith.constant 0 : i32
    %c0_i32_0 = arith.constant 0 : i32
    %c0_i32_1 = arith.constant 0 : i32
    return %c0_i32, %c0_i32_0 : i32, i32
  }
  func.func @transform_3(%arg0: i32) -> (i32, i32) {
    %c0_i32 = arith.constant 0 : i32
    %c0_i32_0 = arith.constant 0 : i32
    return %arg0, %c0_i32 : i32, i32
  }
  func.func @transform_4(%arg0: i32) -> (i32, i32, i32) {
    %c0_i32 = arith.constant 0 : i32
    %c0_i32_0 = arith.constant 0 : i32
    %c0_i32_1 = arith.constant 0 : i32
    return %arg0, %c0_i32, %c0_i32_0 : i32, i32, i32
  }
}

module attributes {stable_mosaic.version = 14 : i64} {
  func.func @_var_body(%arg0: i32, %arg1: memref<1024x128xf32, #tpu.memory_space<vmem>>, %arg2: memref<1x128xf32, #tpu.memory_space<vmem>>, %arg3: memref<1x8x128xf32, #tpu.memory_space<vmem>>) attributes {dimension_semantics = [#tpu.dimension_semantics<arbitrary>], iteration_bounds = array<i64: 16>, scalar_prefetch = 0 : i64, scratch_operands = 0 : i64, tpu.core_type = #tpu.core_type<tc>, window_params = [{transform_indices = @transform_0, window_bounds = array<i64: 1024, 128>}, {pipeline_mode = #tpu.pipeline_mode<synchronous>, transform_indices = @transform_1, window_bounds = array<i64: 1, 128>}, {transform_indices = @transform_2, window_bounds = array<i64: 1, 8, 128>}]} {
    %get3A = arith.constant 0 : index
    %get3A_0 = arith.constant 0 : index
    %get3A_1 = vector.load %arg1[%get3A, %get3A_0] : memref<1024x128xf32, #tpu.memory_space<vmem>>, vector<1024x128xf32>
    %get3A_2 = arith.constant 0 : index
    %get3A_3 = arith.constant 0 : index
    %get3A_4 = vector.load %arg2[%get3A_2, %get3A_3] : memref<1x128xf32, #tpu.memory_space<vmem>>, vector<1x128xf32>
    %sub3A = vector.broadcast %get3A_4 : vector<1x128xf32> to vector<1024x128xf32>
    %sub3A_5 = arith.subf %get3A_1, %sub3A : vector<1024x128xf32>
    %mul3A = arith.mulf %sub3A_5, %sub3A_5 : vector<1024x128xf32>
    %reduce_sum3A = arith.constant dense<0.000000e+00> : vector<128xf32>
    %reduce_sum3A_6 = vector.multi_reduction <add>, %mul3A, %reduce_sum3A [0] : vector<1024x128xf32> to vector<128xf32>
    %broadcast_in_dim3A = vector.shape_cast %reduce_sum3A_6 : vector<128xf32> to vector<1x128xf32>
    %broadcast_in_dim3A_7 = vector.shape_cast %broadcast_in_dim3A : vector<1x128xf32> to vector<1x1x128xf32>
    %broadcast_in_dim3A_8 = vector.shape_cast %broadcast_in_dim3A_7 : vector<1x1x128xf32> to vector<1x1x128xf32>
    %broadcast_in_dim3A_9 = vector.broadcast %broadcast_in_dim3A_8 : vector<1x1x128xf32> to vector<1x8x128xf32>
    %swap3A = arith.constant 0 : index
    %swap3A_10 = arith.constant 0 : index
    %swap3A_11 = arith.constant 0 : index
    %swap3A_12 = vector.load %arg3[%swap3A, %swap3A_10, %swap3A_11] : memref<1x8x128xf32, #tpu.memory_space<vmem>>, vector<1x8x128xf32>
    tpu.vector_store %arg3[%swap3A, %swap3A_10, %swap3A_11], %broadcast_in_dim3A_9 {strides = array<i32>} : memref<1x8x128xf32, #tpu.memory_space<vmem>>, vector<1x8x128xf32>,
    return
  }
  func.func @transform_0(%arg0: i32) -> (i32, i32) {
    %c0_i32 = arith.constant 0 : i32
    %c0_i32_0 = arith.constant 0 : i32
    return %arg0, %c0_i32 : i32, i32
  }
  func.func @transform_1(%arg0: i32) -> (i32, i32) {
    %c0_i32 = arith.constant 0 : i32
    %c0_i32_0 = arith.constant 0 : i32
    %c0_i32_1 = arith.constant 0 : i32
    return %c0_i32, %c0_i32_0 : i32, i32
  }
  func.func @transform_2(%arg0: i32) -> (i32, i32, i32) {
    %c0_i32 = arith.constant 0 : i32
    %c0_i32_0 = arith.constant 0 : i32
    %c0_i32_1 = arith.constant 0 : i32
    return %arg0, %c0_i32, %c0_i32_0 : i32, i32, i32
  }
}

module attributes {stable_mosaic.version = 14 : i64} {
  func.func @_lin_body(%arg0: i32, %arg1: memref<1024x128xf32, #tpu.memory_space<vmem>>, %arg2: memref<128x128xf32, #tpu.memory_space<vmem>>, %arg3: memref<1x128xf32, #tpu.memory_space<vmem>>, %arg4: memref<1x128xf32, #tpu.memory_space<vmem>>, %arg5: memref<1x128xf32, #tpu.memory_space<vmem>>, %arg6: memref<1x128xf32, #tpu.memory_space<vmem>>, %arg7: memref<1x128xf32, #tpu.memory_space<vmem>>, %arg8: memref<1024x128xf32, #tpu.memory_space<vmem>>, %arg9: memref<1x8x128xf32, #tpu.memory_space<vmem>>) attributes {dimension_semantics = [#tpu.dimension_semantics<arbitrary>], iteration_bounds = array<i64: 16>, scalar_prefetch = 0 : i64, scratch_operands = 0 : i64, tpu.core_type = #tpu.core_type<tc>, window_params = [{transform_indices = @transform_0, window_bounds = array<i64: 1024, 128>}, {pipeline_mode = #tpu.pipeline_mode<synchronous>, transform_indices = @transform_1, window_bounds = array<i64: 128, 128>}, {pipeline_mode = #tpu.pipeline_mode<synchronous>, transform_indices = @transform_2, window_bounds = array<i64: 1, 128>}, {pipeline_mode = #tpu.pipeline_mode<synchronous>, transform_indices = @transform_3, window_bounds = array<i64: 1, 128>}, {pipeline_mode = #tpu.pipeline_mode<synchronous>, transform_indices = @transform_4, window_bounds = array<i64: 1, 128>}, {pipeline_mode = #tpu.pipeline_mode<synchronous>, transform_indices = @transform_5, window_bounds = array<i64: 1, 128>}, {pipeline_mode = #tpu.pipeline_mode<synchronous>, transform_indices = @transform_6, window_bounds = array<i64: 1, 128>}, {transform_indices = @transform_7, window_bounds = array<i64: 1024, 128>}, {transform_indices = @transform_8, window_bounds = array<i64: 1, 8, 128>}]} {
    %get3A = arith.constant 0 : index
    %get3A_0 = arith.constant 0 : index
    %get3A_1 = vector.load %arg1[%get3A, %get3A_0] : memref<1024x128xf32, #tpu.memory_space<vmem>>, vector<1024x128xf32>
    %get3A_2 = arith.constant 0 : index
    %get3A_3 = arith.constant 0 : index
    %get3A_4 = vector.load %arg4[%get3A_2, %get3A_3] : memref<1x128xf32, #tpu.memory_space<vmem>>, vector<1x128xf32>
    %get3A_5 = arith.constant 0 : index
    %get3A_6 = arith.constant 0 : index
    %get3A_7 = vector.load %arg6[%get3A_5, %get3A_6] : memref<1x128xf32, #tpu.memory_space<vmem>>, vector<1x128xf32>
    %sub3A = vector.broadcast %get3A_7 : vector<1x128xf32> to vector<1024x128xf32>
    %sub3A_8 = arith.subf %get3A_1, %sub3A : vector<1024x128xf32>
    %mul3A = vector.broadcast %get3A_4 : vector<1x128xf32> to vector<1024x128xf32>
    %mul3A_9 = arith.mulf %mul3A, %sub3A_8 : vector<1024x128xf32>
    %get3A_10 = arith.constant 0 : index
    %get3A_11 = arith.constant 0 : index
    %get3A_12 = vector.load %arg7[%get3A_10, %get3A_11] : memref<1x128xf32, #tpu.memory_space<vmem>>, vector<1x128xf32>
    %mul3A_13 = vector.broadcast %get3A_12 : vector<1x128xf32> to vector<1024x128xf32>
    %mul3A_14 = arith.mulf %mul3A_9, %mul3A_13 : vector<1024x128xf32>
    %get3A_15 = arith.constant 0 : index
    %get3A_16 = arith.constant 0 : index
    %get3A_17 = vector.load %arg5[%get3A_15, %get3A_16] : memref<1x128xf32, #tpu.memory_space<vmem>>, vector<1x128xf32>
    %add3A = vector.broadcast %get3A_17 : vector<1x128xf32> to vector<1024x128xf32>
    %add3A_18 = arith.addf %mul3A_14, %add3A : vector<1024x128xf32>
    %max3A = arith.constant 0.000000e+00 : f32
    %max3A_19 = vector.broadcast %max3A : f32 to vector<1024x128xf32>
    %max3A_20 = arith.maximumf %add3A_18, %max3A_19 : vector<1024x128xf32>
    %get3A_21 = arith.constant 0 : index
    %get3A_22 = arith.constant 0 : index
    %get3A_23 = vector.load %arg2[%get3A_21, %get3A_22] : memref<128x128xf32, #tpu.memory_space<vmem>>, vector<128x128xf32>
    %dot_general3A = arith.constant dense<0.000000e+00> : vector<1024x128xf32>
    %dot_general3A_24 = tpu.matmul %max3A_20, %get3A_23, %dot_general3A {dimension_numbers = #tpu.dot_dimension_numbers<[1], [0], [0], [1], [0, 0, 1, 1], [], []>, transpose_lhs_hint = false} : vector<1024x128xf32>, vector<128x128xf32>, vector<1024x128xf32> -> vector<1024x128xf32>
    %get3A_25 = arith.constant 0 : index
    %get3A_26 = arith.constant 0 : index
    %get3A_27 = vector.load %arg3[%get3A_25, %get3A_26] : memref<1x128xf32, #tpu.memory_space<vmem>>, vector<1x128xf32>
    %add3A_28 = vector.broadcast %get3A_27 : vector<1x128xf32> to vector<1024x128xf32>
    %add3A_29 = arith.addf %dot_general3A_24, %add3A_28 : vector<1024x128xf32>
    %swap3A = arith.constant 0 : index
    %swap3A_30 = arith.constant 0 : index
    %swap3A_31 = vector.load %arg8[%swap3A, %swap3A_30] : memref<1024x128xf32, #tpu.memory_space<vmem>>, vector<1024x128xf32>
    tpu.vector_store %arg8[%swap3A, %swap3A_30], %add3A_29 {strides = array<i32>} : memref<1024x128xf32, #tpu.memory_space<vmem>>, vector<1024x128xf32>,
    %reduce_sum3A = arith.constant dense<0.000000e+00> : vector<128xf32>
    %reduce_sum3A_32 = vector.multi_reduction <add>, %add3A_29, %reduce_sum3A [0] : vector<1024x128xf32> to vector<128xf32>
    %broadcast_in_dim3A = vector.shape_cast %reduce_sum3A_32 : vector<128xf32> to vector<1x128xf32>
    %broadcast_in_dim3A_33 = vector.shape_cast %broadcast_in_dim3A : vector<1x128xf32> to vector<1x1x128xf32>
    %broadcast_in_dim3A_34 = vector.shape_cast %broadcast_in_dim3A_33 : vector<1x1x128xf32> to vector<1x1x128xf32>
    %broadcast_in_dim3A_35 = vector.broadcast %broadcast_in_dim3A_34 : vector<1x1x128xf32> to vector<1x8x128xf32>
    %swap3A_36 = arith.constant 0 : index
    %swap3A_37 = arith.constant 0 : index
    %swap3A_38 = arith.constant 0 : index
    %swap3A_39 = vector.load %arg9[%swap3A_36, %swap3A_37, %swap3A_38] : memref<1x8x128xf32, #tpu.memory_space<vmem>>, vector<1x8x128xf32>
    tpu.vector_store %arg9[%swap3A_36, %swap3A_37, %swap3A_38], %broadcast_in_dim3A_35 {strides = array<i32>} : memref<1x8x128xf32, #tpu.memory_space<vmem>>, vector<1x8x128xf32>,
    return
  }
  func.func @transform_0(%arg0: i32) -> (i32, i32) {
    %c0_i32 = arith.constant 0 : i32
    %c0_i32_0 = arith.constant 0 : i32
    return %arg0, %c0_i32 : i32, i32
  }
  func.func @transform_1(%arg0: i32) -> (i32, i32) {
    %c0_i32 = arith.constant 0 : i32
    %c0_i32_0 = arith.constant 0 : i32
    %c0_i32_1 = arith.constant 0 : i32
    return %c0_i32, %c0_i32_0 : i32, i32
  }
  func.func @transform_2(%arg0: i32) -> (i32, i32) {
    %c0_i32 = arith.constant 0 : i32
    %c0_i32_0 = arith.constant 0 : i32
    %c0_i32_1 = arith.constant 0 : i32
    return %c0_i32, %c0_i32_0 : i32, i32
  }
  func.func @transform_3(%arg0: i32) -> (i32, i32) {
    %c0_i32 = arith.constant 0 : i32
    %c0_i32_0 = arith.constant 0 : i32
    %c0_i32_1 = arith.constant 0 : i32
    return %c0_i32, %c0_i32_0 : i32, i32
  }
  func.func @transform_4(%arg0: i32) -> (i32, i32) {
    %c0_i32 = arith.constant 0 : i32
    %c0_i32_0 = arith.constant 0 : i32
    %c0_i32_1 = arith.constant 0 : i32
    return %c0_i32, %c0_i32_0 : i32, i32
  }
  func.func @transform_5(%arg0: i32) -> (i32, i32) {
    %c0_i32 = arith.constant 0 : i32
    %c0_i32_0 = arith.constant 0 : i32
    %c0_i32_1 = arith.constant 0 : i32
    return %c0_i32, %c0_i32_0 : i32, i32
  }
  func.func @transform_6(%arg0: i32) -> (i32, i32) {
    %c0_i32 = arith.constant 0 : i32
    %c0_i32_0 = arith.constant 0 : i32
    %c0_i32_1 = arith.constant 0 : i32
    return %c0_i32, %c0_i32_0 : i32, i32
  }
  func.func @transform_7(%arg0: i32) -> (i32, i32) {
    %c0_i32 = arith.constant 0 : i32
    %c0_i32_0 = arith.constant 0 : i32
    return %arg0, %c0_i32 : i32, i32
  }
  func.func @transform_8(%arg0: i32) -> (i32, i32, i32) {
    %c0_i32 = arith.constant 0 : i32
    %c0_i32_0 = arith.constant 0 : i32
    %c0_i32_1 = arith.constant 0 : i32
    return %arg0, %c0_i32, %c0_i32_0 : i32, i32, i32
  }
}

module attributes {stable_mosaic.version = 14 : i64} {
  func.func @_lin_body(%arg0: i32, %arg1: memref<1024x128xf32, #tpu.memory_space<vmem>>, %arg2: memref<128x64xf32, #tpu.memory_space<vmem>>, %arg3: memref<1x64xf32, #tpu.memory_space<vmem>>, %arg4: memref<1x128xf32, #tpu.memory_space<vmem>>, %arg5: memref<1x128xf32, #tpu.memory_space<vmem>>, %arg6: memref<1x128xf32, #tpu.memory_space<vmem>>, %arg7: memref<1x128xf32, #tpu.memory_space<vmem>>, %arg8: memref<1024x64xf32, #tpu.memory_space<vmem>>, %arg9: memref<1x8x64xf32, #tpu.memory_space<vmem>>) attributes {dimension_semantics = [#tpu.dimension_semantics<arbitrary>], iteration_bounds = array<i64: 16>, scalar_prefetch = 0 : i64, scratch_operands = 0 : i64, tpu.core_type = #tpu.core_type<tc>, window_params = [{transform_indices = @transform_0, window_bounds = array<i64: 1024, 128>}, {pipeline_mode = #tpu.pipeline_mode<synchronous>, transform_indices = @transform_1, window_bounds = array<i64: 128, 64>}, {pipeline_mode = #tpu.pipeline_mode<synchronous>, transform_indices = @transform_2, window_bounds = array<i64: 1, 64>}, {pipeline_mode = #tpu.pipeline_mode<synchronous>, transform_indices = @transform_3, window_bounds = array<i64: 1, 128>}, {pipeline_mode = #tpu.pipeline_mode<synchronous>, transform_indices = @transform_4, window_bounds = array<i64: 1, 128>}, {pipeline_mode = #tpu.pipeline_mode<synchronous>, transform_indices = @transform_5, window_bounds = array<i64: 1, 128>}, {pipeline_mode = #tpu.pipeline_mode<synchronous>, transform_indices = @transform_6, window_bounds = array<i64: 1, 128>}, {transform_indices = @transform_7, window_bounds = array<i64: 1024, 64>}, {transform_indices = @transform_8, window_bounds = array<i64: 1, 8, 64>}]} {
    %get3A = arith.constant 0 : index
    %get3A_0 = arith.constant 0 : index
    %get3A_1 = vector.load %arg1[%get3A, %get3A_0] : memref<1024x128xf32, #tpu.memory_space<vmem>>, vector<1024x128xf32>
    %get3A_2 = arith.constant 0 : index
    %get3A_3 = arith.constant 0 : index
    %get3A_4 = vector.load %arg4[%get3A_2, %get3A_3] : memref<1x128xf32, #tpu.memory_space<vmem>>, vector<1x128xf32>
    %get3A_5 = arith.constant 0 : index
    %get3A_6 = arith.constant 0 : index
    %get3A_7 = vector.load %arg6[%get3A_5, %get3A_6] : memref<1x128xf32, #tpu.memory_space<vmem>>, vector<1x128xf32>
    %sub3A = vector.broadcast %get3A_7 : vector<1x128xf32> to vector<1024x128xf32>
    %sub3A_8 = arith.subf %get3A_1, %sub3A : vector<1024x128xf32>
    %mul3A = vector.broadcast %get3A_4 : vector<1x128xf32> to vector<1024x128xf32>
    %mul3A_9 = arith.mulf %mul3A, %sub3A_8 : vector<1024x128xf32>
    %get3A_10 = arith.constant 0 : index
    %get3A_11 = arith.constant 0 : index
    %get3A_12 = vector.load %arg7[%get3A_10, %get3A_11] : memref<1x128xf32, #tpu.memory_space<vmem>>, vector<1x128xf32>
    %mul3A_13 = vector.broadcast %get3A_12 : vector<1x128xf32> to vector<1024x128xf32>
    %mul3A_14 = arith.mulf %mul3A_9, %mul3A_13 : vector<1024x128xf32>
    %get3A_15 = arith.constant 0 : index
    %get3A_16 = arith.constant 0 : index
    %get3A_17 = vector.load %arg5[%get3A_15, %get3A_16] : memref<1x128xf32, #tpu.memory_space<vmem>>, vector<1x128xf32>
    %add3A = vector.broadcast %get3A_17 : vector<1x128xf32> to vector<1024x128xf32>
    %add3A_18 = arith.addf %mul3A_14, %add3A : vector<1024x128xf32>
    %max3A = arith.constant 0.000000e+00 : f32
    %max3A_19 = vector.broadcast %max3A : f32 to vector<1024x128xf32>
    %max3A_20 = arith.maximumf %add3A_18, %max3A_19 : vector<1024x128xf32>
    %get3A_21 = arith.constant 0 : index
    %get3A_22 = arith.constant 0 : index
    %get3A_23 = vector.load %arg2[%get3A_21, %get3A_22] : memref<128x64xf32, #tpu.memory_space<vmem>>, vector<128x64xf32>
    %dot_general3A = arith.constant dense<0.000000e+00> : vector<1024x64xf32>
    %dot_general3A_24 = tpu.matmul %max3A_20, %get3A_23, %dot_general3A {dimension_numbers = #tpu.dot_dimension_numbers<[1], [0], [0], [1], [0, 0, 1, 1], [], []>, transpose_lhs_hint = false} : vector<1024x128xf32>, vector<128x64xf32>, vector<1024x64xf32> -> vector<1024x64xf32>
    %get3A_25 = arith.constant 0 : index
    %get3A_26 = arith.constant 0 : index
    %get3A_27 = vector.load %arg3[%get3A_25, %get3A_26] : memref<1x64xf32, #tpu.memory_space<vmem>>, vector<1x64xf32>
    %add3A_28 = vector.broadcast %get3A_27 : vector<1x64xf32> to vector<1024x64xf32>
    %add3A_29 = arith.addf %dot_general3A_24, %add3A_28 : vector<1024x64xf32>
    %swap3A = arith.constant 0 : index
    %swap3A_30 = arith.constant 0 : index
    %swap3A_31 = vector.load %arg8[%swap3A, %swap3A_30] : memref<1024x64xf32, #tpu.memory_space<vmem>>, vector<1024x64xf32>
    tpu.vector_store %arg8[%swap3A, %swap3A_30], %add3A_29 {strides = array<i32>} : memref<1024x64xf32, #tpu.memory_space<vmem>>, vector<1024x64xf32>,
    %reduce_sum3A = arith.constant dense<0.000000e+00> : vector<64xf32>
    %reduce_sum3A_32 = vector.multi_reduction <add>, %add3A_29, %reduce_sum3A [0] : vector<1024x64xf32> to vector<64xf32>
    %broadcast_in_dim3A = vector.shape_cast %reduce_sum3A_32 : vector<64xf32> to vector<1x64xf32>
    %broadcast_in_dim3A_33 = vector.shape_cast %broadcast_in_dim3A : vector<1x64xf32> to vector<1x1x64xf32>
    %broadcast_in_dim3A_34 = vector.shape_cast %broadcast_in_dim3A_33 : vector<1x1x64xf32> to vector<1x1x64xf32>
    %broadcast_in_dim3A_35 = vector.broadcast %broadcast_in_dim3A_34 : vector<1x1x64xf32> to vector<1x8x64xf32>
    %swap3A_36 = arith.constant 0 : index
    %swap3A_37 = arith.constant 0 : index
    %swap3A_38 = arith.constant 0 : index
    %swap3A_39 = vector.load %arg9[%swap3A_36, %swap3A_37, %swap3A_38] : memref<1x8x64xf32, #tpu.memory_space<vmem>>, vector<1x8x64xf32>
    tpu.vector_store %arg9[%swap3A_36, %swap3A_37, %swap3A_38], %broadcast_in_dim3A_35 {strides = array<i32>} : memref<1x8x64xf32, #tpu.memory_space<vmem>>, vector<1x8x64xf32>,
    return
  }
  func.func @transform_0(%arg0: i32) -> (i32, i32) {
    %c0_i32 = arith.constant 0 : i32
    %c0_i32_0 = arith.constant 0 : i32
    return %arg0, %c0_i32 : i32, i32
  }
  func.func @transform_1(%arg0: i32) -> (i32, i32) {
    %c0_i32 = arith.constant 0 : i32
    %c0_i32_0 = arith.constant 0 : i32
    %c0_i32_1 = arith.constant 0 : i32
    return %c0_i32, %c0_i32_0 : i32, i32
  }
  func.func @transform_2(%arg0: i32) -> (i32, i32) {
    %c0_i32 = arith.constant 0 : i32
    %c0_i32_0 = arith.constant 0 : i32
    %c0_i32_1 = arith.constant 0 : i32
    return %c0_i32, %c0_i32_0 : i32, i32
  }
  func.func @transform_3(%arg0: i32) -> (i32, i32) {
    %c0_i32 = arith.constant 0 : i32
    %c0_i32_0 = arith.constant 0 : i32
    %c0_i32_1 = arith.constant 0 : i32
    return %c0_i32, %c0_i32_0 : i32, i32
  }
  func.func @transform_4(%arg0: i32) -> (i32, i32) {
    %c0_i32 = arith.constant 0 : i32
    %c0_i32_0 = arith.constant 0 : i32
    %c0_i32_1 = arith.constant 0 : i32
    return %c0_i32, %c0_i32_0 : i32, i32
  }
  func.func @transform_5(%arg0: i32) -> (i32, i32) {
    %c0_i32 = arith.constant 0 : i32
    %c0_i32_0 = arith.constant 0 : i32
    %c0_i32_1 = arith.constant 0 : i32
    return %c0_i32, %c0_i32_0 : i32, i32
  }
  func.func @transform_6(%arg0: i32) -> (i32, i32) {
    %c0_i32 = arith.constant 0 : i32
    %c0_i32_0 = arith.constant 0 : i32
    %c0_i32_1 = arith.constant 0 : i32
    return %c0_i32, %c0_i32_0 : i32, i32
  }
  func.func @transform_7(%arg0: i32) -> (i32, i32) {
    %c0_i32 = arith.constant 0 : i32
    %c0_i32_0 = arith.constant 0 : i32
    return %arg0, %c0_i32 : i32, i32
  }
  func.func @transform_8(%arg0: i32) -> (i32, i32, i32) {
    %c0_i32 = arith.constant 0 : i32
    %c0_i32_0 = arith.constant 0 : i32
    %c0_i32_1 = arith.constant 0 : i32
    return %arg0, %c0_i32, %c0_i32_0 : i32, i32, i32
  }
}

module attributes {stable_mosaic.version = 14 : i64} {
  func.func @_var_body(%arg0: i32, %arg1: memref<1024x64xf32, #tpu.memory_space<vmem>>, %arg2: memref<1x64xf32, #tpu.memory_space<vmem>>, %arg3: memref<1x8x64xf32, #tpu.memory_space<vmem>>) attributes {dimension_semantics = [#tpu.dimension_semantics<arbitrary>], iteration_bounds = array<i64: 16>, scalar_prefetch = 0 : i64, scratch_operands = 0 : i64, tpu.core_type = #tpu.core_type<tc>, window_params = [{transform_indices = @transform_0, window_bounds = array<i64: 1024, 64>}, {pipeline_mode = #tpu.pipeline_mode<synchronous>, transform_indices = @transform_1, window_bounds = array<i64: 1, 64>}, {transform_indices = @transform_2, window_bounds = array<i64: 1, 8, 64>}]} {
    %get3A = arith.constant 0 : index
    %get3A_0 = arith.constant 0 : index
    %get3A_1 = vector.load %arg1[%get3A, %get3A_0] : memref<1024x64xf32, #tpu.memory_space<vmem>>, vector<1024x64xf32>
    %get3A_2 = arith.constant 0 : index
    %get3A_3 = arith.constant 0 : index
    %get3A_4 = vector.load %arg2[%get3A_2, %get3A_3] : memref<1x64xf32, #tpu.memory_space<vmem>>, vector<1x64xf32>
    %sub3A = vector.broadcast %get3A_4 : vector<1x64xf32> to vector<1024x64xf32>
    %sub3A_5 = arith.subf %get3A_1, %sub3A : vector<1024x64xf32>
    %mul3A = arith.mulf %sub3A_5, %sub3A_5 : vector<1024x64xf32>
    %reduce_sum3A = arith.constant dense<0.000000e+00> : vector<64xf32>
    %reduce_sum3A_6 = vector.multi_reduction <add>, %mul3A, %reduce_sum3A [0] : vector<1024x64xf32> to vector<64xf32>
    %broadcast_in_dim3A = vector.shape_cast %reduce_sum3A_6 : vector<64xf32> to vector<1x64xf32>
    %broadcast_in_dim3A_7 = vector.shape_cast %broadcast_in_dim3A : vector<1x64xf32> to vector<1x1x64xf32>
    %broadcast_in_dim3A_8 = vector.shape_cast %broadcast_in_dim3A_7 : vector<1x1x64xf32> to vector<1x1x64xf32>
    %broadcast_in_dim3A_9 = vector.broadcast %broadcast_in_dim3A_8 : vector<1x1x64xf32> to vector<1x8x64xf32>
    %swap3A = arith.constant 0 : index
    %swap3A_10 = arith.constant 0 : index
    %swap3A_11 = arith.constant 0 : index
    %swap3A_12 = vector.load %arg3[%swap3A, %swap3A_10, %swap3A_11] : memref<1x8x64xf32, #tpu.memory_space<vmem>>, vector<1x8x64xf32>
    tpu.vector_store %arg3[%swap3A, %swap3A_10, %swap3A_11], %broadcast_in_dim3A_9 {strides = array<i32>} : memref<1x8x64xf32, #tpu.memory_space<vmem>>, vector<1x8x64xf32>,
    return
  }
  func.func @transform_0(%arg0: i32) -> (i32, i32) {
    %c0_i32 = arith.constant 0 : i32
    %c0_i32_0 = arith.constant 0 : i32
    return %arg0, %c0_i32 : i32, i32
  }
  func.func @transform_1(%arg0: i32) -> (i32, i32) {
    %c0_i32 = arith.constant 0 : i32
    %c0_i32_0 = arith.constant 0 : i32
    %c0_i32_1 = arith.constant 0 : i32
    return %c0_i32, %c0_i32_0 : i32, i32
  }
  func.func @transform_2(%arg0: i32) -> (i32, i32, i32) {
    %c0_i32 = arith.constant 0 : i32
    %c0_i32_0 = arith.constant 0 : i32
    %c0_i32_1 = arith.constant 0 : i32
    return %arg0, %c0_i32, %c0_i32_0 : i32, i32, i32
  }
}

module attributes {stable_mosaic.version = 14 : i64} {
  func.func @_fin_body(%arg0: i32, %arg1: i32, %arg2: memref<2048x1x64xf32, #tpu.memory_space<vmem>>, %arg3: memref<1x64xf32, #tpu.memory_space<vmem>>, %arg4: memref<1x64xf32, #tpu.memory_space<vmem>>, %arg5: memref<1x64xf32, #tpu.memory_space<vmem>>, %arg6: memref<1x64xf32, #tpu.memory_space<vmem>>, %arg7: memref<2048x64xf32, #tpu.memory_space<vmem>>) attributes {dimension_semantics = [#tpu.dimension_semantics<arbitrary>, #tpu.dimension_semantics<arbitrary>], iteration_bounds = array<i64: 8, 1>, scalar_prefetch = 0 : i64, scratch_operands = 0 : i64, tpu.core_type = #tpu.core_type<tc>, window_params = [{transform_indices = @transform_0, window_bounds = array<i64: 2048, 1, 64>}, {transform_indices = @transform_1, window_bounds = array<i64: 1, 64>}, {transform_indices = @transform_2, window_bounds = array<i64: 1, 64>}, {transform_indices = @transform_3, window_bounds = array<i64: 1, 64>}, {transform_indices = @transform_4, window_bounds = array<i64: 1, 64>}, {transform_indices = @transform_5, window_bounds = array<i64: 2048, 64>}]} {
    %get3A = arith.constant 0 : index
    %get3A_0 = arith.constant 0 : index
    %get3A_1 = vector.load %arg3[%get3A, %get3A_0] : memref<1x64xf32, #tpu.memory_space<vmem>>, vector<1x64xf32>
    %get3A_2 = arith.constant 0 : index
    %get3A_3 = arith.constant 0 : index
    %get3A_4 = arith.constant 0 : index
    %get3A_5 = vector.load %arg2[%get3A_2, %get3A_3, %get3A_4] : memref<2048x1x64xf32, #tpu.memory_space<vmem>>, vector<2048x1x64xf32>
    %get3A_6 = arith.constant 0 : index
    %get3A_7 = arith.constant 0 : index
    %get3A_8 = vector.load %arg5[%get3A_6, %get3A_7] : memref<1x64xf32, #tpu.memory_space<vmem>>, vector<1x64xf32>
    %broadcast_in_dim3A = vector.shape_cast %get3A_8 : vector<1x64xf32> to vector<1x1x64xf32>
    %sub3A = vector.broadcast %broadcast_in_dim3A : vector<1x1x64xf32> to vector<2048x1x64xf32>
    %sub3A_9 = arith.subf %get3A_5, %sub3A : vector<2048x1x64xf32>
    %broadcast_in_dim3A_10 = vector.shape_cast %get3A_1 : vector<1x64xf32> to vector<1x1x64xf32>
    %mul3A = vector.broadcast %broadcast_in_dim3A_10 : vector<1x1x64xf32> to vector<2048x1x64xf32>
    %mul3A_11 = arith.mulf %mul3A, %sub3A_9 : vector<2048x1x64xf32>
    %get3A_12 = arith.constant 0 : index
    %get3A_13 = arith.constant 0 : index
    %get3A_14 = vector.load %arg6[%get3A_12, %get3A_13] : memref<1x64xf32, #tpu.memory_space<vmem>>, vector<1x64xf32>
    %broadcast_in_dim3A_15 = vector.shape_cast %get3A_14 : vector<1x64xf32> to vector<1x1x64xf32>
    %mul3A_16 = vector.broadcast %broadcast_in_dim3A_15 : vector<1x1x64xf32> to vector<2048x1x64xf32>
    %mul3A_17 = arith.mulf %mul3A_11, %mul3A_16 : vector<2048x1x64xf32>
    %get3A_18 = arith.constant 0 : index
    %get3A_19 = arith.constant 0 : index
    %get3A_20 = vector.load %arg4[%get3A_18, %get3A_19] : memref<1x64xf32, #tpu.memory_space<vmem>>, vector<1x64xf32>
    %broadcast_in_dim3A_21 = vector.shape_cast %get3A_20 : vector<1x64xf32> to vector<1x1x64xf32>
    %add3A = vector.broadcast %broadcast_in_dim3A_21 : vector<1x1x64xf32> to vector<2048x1x64xf32>
    %add3A_22 = arith.addf %mul3A_17, %add3A : vector<2048x1x64xf32>
    %max3A = arith.constant 0.000000e+00 : f32
    %max3A_23 = vector.broadcast %max3A : f32 to vector<2048x1x64xf32>
    %max3A_24 = arith.maximumf %add3A_22, %max3A_23 : vector<2048x1x64xf32>
    %reduce_max3A = arith.constant dense<0xFF800000> : vector<2048x64xf32>
    %reduce_max3A_25 = vector.multi_reduction <maximumf>, %max3A_24, %reduce_max3A [1] : vector<2048x1x64xf32> to vector<2048x64xf32>
    %swap3A = arith.constant 0 : index
    %swap3A_26 = arith.constant 0 : index
    %swap3A_27 = vector.load %arg7[%swap3A, %swap3A_26] : memref<2048x64xf32, #tpu.memory_space<vmem>>, vector<2048x64xf32>
    tpu.vector_store %arg7[%swap3A, %swap3A_26], %reduce_max3A_25 {strides = array<i32>} : memref<2048x64xf32, #tpu.memory_space<vmem>>, vector<2048x64xf32>,
    return
  }
  func.func @transform_0(%arg0: i32, %arg1: i32) -> (i32, i32, i32) {
    %c0_i32 = arith.constant 0 : i32
    %c0_i32_0 = arith.constant 0 : i32
    return %arg0, %c0_i32, %arg1 : i32, i32, i32
  }
  func.func @transform_1(%arg0: i32, %arg1: i32) -> (i32, i32) {
    %c0_i32 = arith.constant 0 : i32
    %c0_i32_0 = arith.constant 0 : i32
    return %c0_i32, %arg1 : i32, i32
  }
  func.func @transform_2(%arg0: i32, %arg1: i32) -> (i32, i32) {
    %c0_i32 = arith.constant 0 : i32
    %c0_i32_0 = arith.constant 0 : i32
    return %c0_i32, %arg1 : i32, i32
  }
  func.func @transform_3(%arg0: i32, %arg1: i32) -> (i32, i32) {
    %c0_i32 = arith.constant 0 : i32
    %c0_i32_0 = arith.constant 0 : i32
    return %c0_i32, %arg1 : i32, i32
  }
  func.func @transform_4(%arg0: i32, %arg1: i32) -> (i32, i32) {
    %c0_i32 = arith.constant 0 : i32
    %c0_i32_0 = arith.constant 0 : i32
    return %c0_i32, %arg1 : i32, i32
  }
  func.func @transform_5(%arg0: i32, %arg1: i32) -> (i32, i32) {
    %c0_i32 = arith.constant 0 : i32
    return %arg0, %arg1 : i32, i32
  }
}

</mosaic_0001>

<sc_bundles>
// kernel: gather_offload_async_start.1
scs
__scs_entry_jumppad:
0x0: {  	(pc) =	sbr.rel $0x88, $3  }
0x1: {  	(tag) =	ssettag $0x0;
	lr =	simm.s32 $0x1  }
0x2: {  	[smem:$0x3F10] =	sst lr;
	_ =	strace $0xD0000000  }
0x3: {  	_ = 	snop  }
0x4: {  	_ = 	snop  }
0x5: {  	_ = 	snop  }
0x6: {  	_ = 	snop  }
0x7: {  	_ = 	snop  }
__scs_overlays_trampoline_lowered:
0x8: {  	[smem:$0x3F1F] =	sst s0  }
0x9: {  	[smem:$0x3F20] =	sst s1  }
0xa: {  	[smem:$0x3F21] =	sst s2  }
0xb: {  	[smem:$0x3F22] =	sst s3  }
0xc: {  	[smem:$0x3F23] =	sst s4  }
0xd: {  	[smem:$0x3F24] =	sst s5  }
0xe: {  	[smem:$0x3F25] =	sst s6  }
0xf: {  	[smem:$0x3F26] =	sst s7  }
0x10: {  	[smem:$0x3F27] =	sst s8  }
0x11: {  	[smem:$0x3F28] =	sst s9;
	s0 =	simm.s32 @!p0 $0x0  }
0x12: {  	s1 =	sld [smem:$0x3F0E];
	s0 =	simm.s32 @p0 $0x1  }
0x13: {  	[smem:$0x3F29] =	sst s0;
	s0 =	simm.s32 @!p1 $0x0  }
0x14: {  	s2 =	sld [smem:$0x3F0D];
	s0 =	simm.s32 @p1 $0x1  }
0x15: {  	[smem:$0x3F2A] =	sst s0;
	s0 =	simm.s32 @!p2 $0x0  }
0x16: {  	s3 =	sld [smem:$0x3FDB];
	s0 =	simm.s32 @p2 $0x1  }
0x17: {  	s4 =	simm.s32 $0x1BF5;
	[smem:$0x3F2C] =	sst s0  }
0x18: {  	s0 =	sld [smem:$0x3F0F];
	_ =	swait.ge [sflag:s4], $0x0  }
0x19: {  	s7 =	sld [smem:$0x3F10]  }
0x1a: {  	s8 =	sadd.s32 $0xFFFFE003, lr  }
0x1b: {  	s9 =	sadd.s32 $0xFFFFFEF7, lr;
	s5 =	simm.s32 $0xFFFFFFFF;
	p2 =	slt.u32 s8, $0xFFFFF086  }
0x1c: {  	p1 =	slt.u32 s9, $0xF7A;
	s5 =	simm.s32 @!p2 $0x0  }
0x1d: {  	s5 =	simm.s32 @p1 $0x1;
	p0 =	seq.s32 s7, s2  }
0x1e: {  	s7 =	smul.u32 @!p0 $0xF7A, s2;
	p2 =	seq.s32 @!p0 s5, $0x0  }
0x1f: {  	s9 =	smul.u32 $0xF7A, s1;
	s8 =	simm.s32 @!p0 $0x1BF5;
	p2 =	por !p2, p0  }
0x20: {  	[sflag:s8] =	ssyncset.s32 @!p0 $0xFFFFF086;
	s6 =	sadd.s32 @!p0 s3, s7;
	s7 =	simm.s32 @!p0 $0x108  }
0x21: {  	s3 =	sadd.s32 s3, s9;
	s6 =	sadd.s32 @!p0 $0x88, s6;
	s7 =	simm.s32 @p2 $0x1082  }
0x22: {  	[simem:s7], [sflag:s8] =	dma.local @!p0 [hbm:s6], $0xF7A  }
0x23: {  	s9 =	sor.u32 $0xD0000000, s2;
	s6 =	simm.s32 $0x108;
	_ =	swait.ge @!p0 [sflag:s8], $0x0  }
0x24: {  	s3 =	sadd.s32 $0x88, s3;
	s6 =	simm.s32 @!p1 $0x1082;
	[sflag:s4] =	ssyncset.s32 $0xFFFFF086  }
0x25: {  	[simem:s6], [sflag:s4] =	dma.local [hbm:s3], $0xF7A  }
0x26: {  	[smem:$0x3F10] =	sst s1;
	(tag) =	ssettag s2;
	_ =	strace s9  }
0x27: {  	s1 =	sld [smem:$0x3F20]  }
0x28: {  	s2 =	sld [smem:$0x3F21]  }
0x29: {  	s4 =	sld [smem:$0x3F23]  }
0x2a: {  	p0 =	seq.s32 s5, $0x0;
	s5 =	sld [smem:$0x3F24]  }
0x2b: {  	s6 =	sld [smem:$0x3F25]  }
0x2c: {  	s7 =	sld [smem:$0x3F26]  }
0x2d: {  	s3 =	simm.s32 $0x108;
	s8 =	sld [smem:$0x3F27]  }
0x2e: {  	s3 =	simm.s32 @!p0 $0x1082;
	s9 =	sld [smem:$0x3F28]  }
0x2f: {  	lr =	sadd.s32 s0, s3;
	s0 =	sld [smem:$0x3F1F]  }
0x30: {  	s3 =	sld [smem:$0x3F22]  }
0x31: {  	[smem:$0x3F2B] =	sst s10  }
0x32: {  	s10 =	sld [smem:$0x3F29];
	_ =	sdelay $0x3  }
0x33: {  	p0 =	seq.s32 s10, $0x1;
	s10 =	sld [smem:$0x3F2B];
	_ =	sdelay $0x3  }
0x34: {  	[smem:$0x3F2B] =	sst s10  }
0x35: {  	s10 =	sld [smem:$0x3F2A];
	_ =	sdelay $0x3  }
0x36: {  	p1 =	seq.s32 s10, $0x1;
	s10 =	sld [smem:$0x3F2B];
	_ =	sdelay $0x3  }
0x37: {  	[smem:$0x3F2B] =	sst s10  }
0x38: {  	s10 =	sld [smem:$0x3F2C]  }
0x39: {  	_ = 	snop;
	(pc) =	sbr.ind lr, $3  }
0x3a: {  	_ = 	snop  }
0x3b: {  	_ = 	snop  }
0x3c: {  	p2 =	seq.s32 s10, $0x1;
	s10 =	sld [smem:$0x3F2B]  }
0x3d: {  	_ =	shalt  }
0x3e: {  	_ =	shalt  }
0x3f: {  	_ =	shalt  }
0x40: {  	_ =	shalt  }
0x41: {  	_ =	shalt  }
0x42: {  	_ =	shalt  }
0x43: {  	_ =	shalt  }
0x44: {  	_ =	shalt  }
0x45: {  	_ =	shalt  }
0x46: {  	_ =	shalt  }
0x47: {  	_ =	shalt  }
0x48: {  	_ =	shalt  }
0x49: {  	_ =	shalt  }
0x4a: {  	_ =	shalt  }
0x4b: {  	_ =	shalt  }
0x4c: {  	_ =	shalt  }
0x4d: {  	_ =	shalt  }
0x4e: {  	_ =	shalt  }
0x4f: {  	_ =	shalt  }
0x50: {  	_ =	shalt  }
0x51: {  	_ =	shalt  }
0x52: {  	_ =	shalt  }
0x53: {  	_ =	shalt  }
0x54: {  	_ =	shalt  }
0x55: {  	_ =	shalt  }
0x56: {  	_ =	shalt  }
0x57: {  	_ =	shalt  }
0x58: {  	_ =	shalt  }
0x59: {  	_ =	shalt  }
0x5a: {  	_ =	shalt  }
0x5b: {  	_ =	shalt  }
0x5c: {  	_ =	shalt  }
0x5d: {  	_ =	shalt  }
0x5e: {  	_ =	shalt  }
0x5f: {  	_ =	shalt  }
0x60: {  	_ =	shalt  }
0x61: {  	_ =	shalt  }
0x62: {  	_ =	shalt  }
0x63: {  	_ =	shalt  }
0x64: {  	_ =	shalt  }
0x65: {  	_ =	shalt  }
0x66: {  	_ =	shalt  }
0x67: {  	_ =	shalt  }
0x68: {  	_ =	shalt  }
0x69: {  	_ =	shalt  }
0x6a: {  	_ =	shalt  }
0x6b: {  	_ =	shalt  }
0x6c: {  	_ =	shalt  }
0x6d: {  	_ =	shalt  }
0x6e: {  	_ =	shalt  }
0x6f: {  	_ =	shalt  }
0x70: {  	_ =	shalt  }
0x71: {  	_ =	shalt  }
0x72: {  	_ =	shalt  }
0x73: {  	_ =	shalt  }
0x74: {  	_ =	shalt  }
0x75: {  	_ =	shalt  }
0x76: {  	_ =	shalt  }
0x77: {  	_ =	shalt  }
0x78: {  	_ =	shalt  }
0x79: {  	_ =	shalt  }
0x7a: {  	_ =	shalt  }
0x7b: {  	_ =	shalt  }
0x7c: {  	_ =	shalt  }
0x7d: {  	_ =	shalt  }
0x7e: {  	_ =	shalt  }
0x7f: {  	_ =	shalt  }
0x80: {  	_ =	shalt  }
0x81: {  	_ =	shalt  }
0x82: {  	_ =	shalt  }
0x83: {  	_ =	shalt  }
0x84: {  	_ =	shalt  }
0x85: {  	_ =	shalt  }
0x86: {  	_ =	shalt  }
0x87: {  	_ =	shalt  }
.Lfunc_end0:
.L_simem_size_0:
called_computation.3_lowered:
.L_overlay_start_0:
0x88: {  	s2 =	sld [smem:$0x3FD9]  }
0x89: {  	s3 =	sld [smem:$0x3FFE];
	_ =	sdelay $0x1  }
0x8a: {  	s1 =	srdreg.scid  }
0x8b: {  	s0 =	sand.u32 $0x1, s1  }
0x8c: {  	s16 =	sshll.u32 s0, $0xA;
	s2 =	sadd.s32 s3, s2  }
0x8d: {  	s2 =	sadd.s32 s2, s16  }
0x8e: {  	[smem:$0x3F37] =	sst s2  }
0x8f: {  	_ = 	snop  }
0x90: {  	(tm) =	ssettm $0x1  }
0x91: {  	s17 =	sld [smem:$0x3FFB];
	_ =	sdelay $0x3  }
0x92: {  	_ =	strace s17  }
0x93: {  	s2 =	sld [smem:$0x3FFC];
	_ =	sdelay $0x3  }
0x94: {  	_ =	strace s2  }
0x95: {  	s2 =	sld [smem:$0x3FFD];
	_ =	sdelay $0x3  }
0x96: {  	_ =	strace s2  }
0x97: {  	_ =	strace $0x8FFFFFFF  }
0x98: {  	s18 =	sld [smem:$0x3FDB];
	_ =	sdelay $0x1  }
0x99: {  	s19 =	simm.s32 $_scs_section_size  }
0x9a: {  	s4 =	simm.s32 $_size__tile_overlayer_lowered;
	s5 =	simm.s32 $_tile_overlayer_lowered  }
0x9b: {  	s22 =	simm.s32 $0x1BFF;
	s21 =	sshll.u32 s5, $0x1;
	s2 =	sadd.s32 s19, s18  }
0x9c: {  	s6 =	simm.s32 $0x0;
	s20 =	sshll.u32 s4, $0x1;
	s4 =	sadd.s32 s21, s2  }
0x9d: {  	[timem:s6], [sflag:s22] =	dma.local [hbm:s4], s20  }
0x9e: {  	_ =	swait.ge [sflag:s22], s20  }
0x9f: {  	s3 =	ssub.s32 $0x0, s20;
	[sflag:s22] =	ssyncset.done $0x0  }
0xa0: {  	[sflag:s22] =	ssyncadd.s32 s3;
	_ =	sdelay $0x1  }
0xa1: {  	s23 =	simm.s32 $0x1B8B  }
0xa2: {  	_ =	swait.ge [sflag:s23], $0x1  }
0xa3: {  	[sflag:s23] =	ssyncset.done $0x0  }
0xa4: {  	s25 =	simm.s32 $0x1B8E;
	s24 =	sld [smem:$0x3FFE];
	[sflag:s23] =	ssyncadd.s32 $0xFFFFFFFF  }
0xa5: {  	s26 =	simm.s32 $execute0_lowered;
	[smem:$0x3FD2] =	sst s25  }
0xa6: {  	s4 =	sshll.u32 s26, $0x1;
	_ =	strace $0x8000004C;
	[dreg:$0x1] =	wrdreg $0xFFFFFFFF  }
0xa7: {  	s28 =	simm.s32 $_size_execute0_lowered;
	s2 =	sadd.s32 s2, s4;
	[dreg:$0x0] =	wrdreg $0x0  }
0xa8: {  	s4 =	sshll.u32 s28, $0x1;
	[dreg:$0x2] =	wrdreg s2  }
0xa9: {  	[dreg:$0x3] =	wrdreg s4  }
0xaa: {  	[dreg:$0x4] =	wrdreg $0xC0  }
0xab: {  	_ =	task [dreg:s6], $0x5FFFF  }
0xac: {  	[dreg:$0x1] =	wrdreg $0xFFFFFFFF  }
0xad: {  	[dreg:$0x0] =	wrdreg $0x60  }
0xae: {  	[dreg:$0x2] =	wrdreg s24  }
0xaf: {  	[dreg:$0x3] =	wrdreg $0x9  }
0xb0: {  	_ =	task.clear_ibuf [dreg:s6], $0x4FFFF;
	_ =	strace $0x9000004C  }
0xb1: {  	s29 =	simm.s32 $0x9;
	_ =	strace $0x8000004E  }
0xb2: {  	_ =	swait.ge [sflag:s29], $0x1  }
0xb3: {  	[sflag:s29] =	ssyncadd.s32 $0xFFFFFFFF  }
0xb4: {  	_ =	strace $0x9000004E  }
0xb5: {  	_ =	sfence  }
0xb6: {  	s30 =	sld [smem:$0x0];
	_ =	sdelay $0x2  }
0xb7: {  	s31 =	sshll.u32 s1, $0xD;
	s1 =	sshrl.u32 s1, $0x2  }
0xb8: {  	s3 =	sand.u32 $0x4000, s31;
	s1 =	sadd.s32 s1, s30  }
0xb9: {  	s0 =	sor.u32 s3, s0;
	s1 =	sshll.u32 s1, $0x11  }
0xba: {  	s0 =	sor.u32 s1, s0  }
0xbb: {  	s0 =	sadd.s32 $0x8F2B, s0  }
0xbc: {  	[sflag:s0] =	ssyncadd.remote.s32 $0x1  }
0xbd: {  	_ =	sfence.sel $0xFFFF  }
0xbe: {  	[dreg:$0x0] =	wrdreg $0xFFFFFFFF;
	(pc) =	sbr.abs _section_cstart, $3  }
0xbf: {  	[dreg:$0x1] =	wrdreg $0xFFFFFFFF  }
0xc0: {  	_ =	task.clear_ibuf [dreg:s6], $0x2FFFF;
	_ =	strace $0x9FFFFFFF  }
0xc1: {  	(tm) =	ssettm $0x7FFFFFFF  }
tec
execute0_lowered:
.L_overlay_start_1:
0x0: {  	(tag) =	ssettag $0x1  }
0x1: {  	s7 =	rddreg [dreg:$0x0]  }
0x2: {  	s0 =	rddreg [dreg:$0x1];
	_ =	strace $0x8000004D  }
0x3: {  	s1 =	srdreg.scid;
	s4 =	simm.s32 $0x1;
	s9 =	simm.s32 $0x3  }
0x4: {  	s12 =	simm.s32 $0x0;
	s10 =	simm.s32 $0x0;
	s5 =	sshll.u32 s1, $0x4  }
.Ltmp0:
0x5: {  	s1 =	stileid.u32;
	s5 =	sand.u32 $0x10, s5;
	(pc) =	sbr.rel .LBB2_1-.Ltmp0, $4  }
0x6: {  	s2 =	sadd.s32 $0x40200, s7;
	s3 =	sadd.s32 $0x60A00, s7;
	s6 =	sor.u32 s1, s5  }
0x7: {  	[sflag:s4] =	ssyncpa.u1 $0x0;
	s5 =	simm.s32 $0x2;
	s6 =	sshll.u32 s6, $0x7  }
0x8: {  	s7 =	sadd.s32 $0x1800, s7;
	[sflag:s5] =	ssyncpa.u1 $0x0;
	s8 =	sadd.s32 $0x80, s6  }
0x9: {  	vm0 =	vmmov $0xff;
	vm1 =	vcmask $0x3F20;
	[sflag:s9] =	ssyncpa.u1 $0x0;
	s9 =	simm.s32 $0x80;
	s11 =	smov.u32 s6  }
.LBB2_9:
0xa: {  	p0 =	seq.s32 s10, $0x2  }
.Ltmp1:
0xb: {  	_ = 	snop;
	(pc) =	sbr.rel @p0 .LBB2_11-.Ltmp1, $1  }
0xc: {  	_ =	sdelay $0x3  }
.LBB2_10:
0xd: {  	s12 =	sadd.s32 $0x80, s11  }
0xe: {  	s13 =	smov.u32 s6;
	p0 =	slt.s32 s12, s8  }
0xf: {  	s13 =	smov.u32 @p0 s12  }
0x10: {  	s10 =	sadd.s32 $0x1, s10;
	s12 =	smov.u32 s11;
	s11 =	smov.u32 s13  }
.LBB2_1:
0x11: {  	p0 =	sne.s32 s10, $0x0  }
.Ltmp2:
0x12: {  	_ = 	snop;
	(pc) =	sbr.rel @!p0 .LBB2_2-.Ltmp2, $1  }
0x13: {  	_ =	sdelay $0x3  }
0x14: {  	s13 =	sand.u32 $0x1, s10  }
0x15: {  	p0 =	seq.s32 s13, $0x0  }
.Ltmp3:
0x16: {  	_ = 	snop;
	(pc) =	sbr.rel @p0 .LBB2_9-.Ltmp3, $1  }
0x17: {  	_ =	sdelay $0x3  }
0x18: {  	_ =	swait.ge [sflag:s5], $0x80  }
0x19: {  	[sflag:s5] =	ssyncset.done $0x0  }
0x1a: {  	s13 =	simm.s32 $0x0;
	[sflag:s5] =	ssyncadd.s32 $0xFFFFFF80  }
0x1b: {  	v0 =	vld.msk [tilespmem:s13+$0x80 ss:$0x1], $0xffff;
	_ =	sdelay $0x4  }
0x1c: {  	v1 =	vshll.u32 v0, $0x6  }
0x1d: {  	vm2 =	veq.s32 v0, $0x80000000;
	v0 =	vshll.u32 v0, $0x13;
	v1 =	vand.u32 $0x7FF80, v1  }
0x1e: {  	v0 =	vand.u32 $0x80000, v0;
	v1 =	vsel vm2, $0xFFFFFF80, v1  }
0x1f: {  	v0 =	vsel vm2, $0xFFF80000, v0;
	v2 =	vand.u32 $0xFFFFFC00, v1  }
0x20: {  	v1 =	vand.u32 $0x380, v1;
	v0 =	vadd.s32 v0, v2  }
0x21: {  	v0 =	vor.u32 v1, v0  }
0x22: {  	v0 =	vshrl.u32 v0, $0x3;
	_ =	sdelay $0x3  }
0x23: {  	s13 =	simm.s32 $0x4100  }
0x24: {  	[tilespmem:s13], [sflag:$0x1] =	stream.indirect_vreg.gather [hbm:s2], $0x80, v0, vm0, $0x38;
	[tilespmem:$0x8100] =	vst v63  }
0x25: {  	s14 =	simm.s32 $0x4500;
	s31 =	simm.s32 $0x10  }
0x26: {  	[tilespmem:s14], [sflag:$0x1] =	stream.indirect_vreg.gather [hbm:s2], $0x80, v0, vm1, $0x38;
	[tilespmem:$0x8100] =	vst v63  }
0x27: {  	s14 =	simm.s32 $0x80;
	v0 =	vld.msk [tilespmem:s31+$0x80 ss:$0x1], $0xffff  }
.LBB2_5:
0x28: {  	p0 =	sne.s32 s14, $0x1C0;
	_ =	sdelay $0x4  }
0x29: {  	v1 =	vshll.u32 v0, $0x6  }
0x2a: {  	vm2 =	veq.s32 v0, $0x80000000;
	v0 =	vshll.u32 v0, $0x13;
	v1 =	vand.u32 $0x7FF80, v1  }
0x2b: {  	v0 =	vand.u32 $0x80000, v0;
	v1 =	vsel vm2, $0xFFFFFF80, v1  }
0x2c: {  	v0 =	vsel vm2, $0xFFF80000, v0;
	v2 =	vand.u32 $0xFFFFFC00, v1  }
0x2d: {  	v1 =	vand.u32 $0x380, v1;
	v0 =	vadd.s32 v0, v2  }
0x2e: {  	v0 =	vor.u32 v1, v0  }
0x2f: {  	v0 =	vshrl.u32 v0, $0x3;
	_ =	sdelay $0x3  }
.Ltmp4:
0x30: {  	s13 =	sadd.s32 $0x800, s13;
	(pc) =	sbr.rel @p0 .LBB2_5-.Ltmp4, $4  }
0x31: {  	[tilespmem:s13], [sflag:$0x1] =	stream.indirect_vreg.gather [hbm:s2], $0x80, v0, vm0, $0x38;
	[tilespmem:$0x8100] =	vst v63  }
0x32: {  	s15 =	sshra.s32 s14, $0x2;
	s16 =	sadd.s32 $0x400, s13  }
0x33: {  	[tilespmem:s16], [sflag:$0x1] =	stream.indirect_vreg.gather [hbm:s2], $0x80, v0, vm1, $0x38;
	[tilespmem:$0x8100] =	vst v63  }
0x34: {  	s14 =	sadd.s32 $0x40, s14;
	v0 =	vld.msk [tilespmem:s15+$0x80 ss:$0x1], $0xffff  }
0x35: {  	_ =	sdelay $0x3  }
0x36: {  	v1 =	vshll.u32 v0, $0x6  }
0x37: {  	vm2 =	veq.s32 v0, $0x80000000;
	v63 =	vshll.u32 v0, $0x13;
	v1 =	vand.u32 $0x7FF80, v1  }
0x38: {  	v0 =	vand.u32 $0x80000, v63;
	v1 =	vsel vm2, $0xFFFFFF80, v1  }
0x39: {  	v0 =	vsel vm2, $0xFFF80000, v0;
	v2 =	vand.u32 $0xFFFFFC00, v1  }
0x3a: {  	v1 =	vand.u32 $0x380, v1;
	v0 =	vadd.s32 v0, v2  }
0x3b: {  	v0 =	vor.u32 v1, v0  }
0x3c: {  	v0 =	vshrl.u32 v0, $0x3;
	_ =	sdelay $0x3  }
0x3d: {  	s13 =	sadd.s32 $0x800, s13  }
0x3e: {  	[tilespmem:s13], [sflag:$0x1] =	stream.indirect_vreg.gather [hbm:s2], $0x80, v0, vm0, $0x38;
	[tilespmem:$0x8100] =	vst v63  }
0x3f: {  	s13 =	sadd.s32 $0x400, s13  }
0x40: {  	[tilespmem:s13], [sflag:$0x1] =	stream.indirect_vreg.gather [hbm:s2], $0x80, v0, vm1, $0x38;
	[tilespmem:$0x8100] =	vst v63  }
0x41: {  	s12 =	sshll.u32 s12, $0x4;
	s14 =	simm.s32 $0x80;
	_ =	swait.ge [sflag:s4], $0x4000  }
0x42: {  	s15 =	simm.s32 $0x4500;
	s12 =	sadd.s32 s12, s7;
	[sflag:s4] =	ssyncset.done $0x0  }
0x43: {  	s16 =	sadd.s32 $0x0, s12;
	s13 =	simm.s32 $0x4100;
	[sflag:s4] =	ssyncadd.s32 $0xFFFFC000  }
.LBB2_7:
0x44: {  	[hbm:s16] =	stream.linear.scatter [tilespmem:s13], [sflag:$0x3], $0x400, $0x38;
	[tilespmem:$0x8100] =	vst v63  }
0x45: {  	s16 =	smov.u32 s14;
	s13 =	smov.u32 s15;
	p0 =	sne.s32 s14, $0x780  }
.Ltmp5:
0x46: {  	s14 =	sadd.s32 $0x80, s14;
	(pc) =	sbr.rel @p0 .LBB2_7-.Ltmp5, $2  }
0x47: {  	_ =	sdelay $0x2  }
0x48: {  	s15 =	sadd.s32 $0x400, s15;
	s16 =	sadd.s32 s16, s12  }
.Ltmp6:
0x49: {  	(pc) =	sbr.rel .LBB2_9-.Ltmp6, $2  }
0x4a: {  	_ =	sdelay $0x2  }
0x4b: {  	[hbm:s16] =	stream.linear.scatter [tilespmem:s13], [sflag:$0x3], $0x400, $0x38;
	[tilespmem:$0x8100] =	vst v63  }
.LBB2_2:
.Ltmp7:
0x4c: {  	(pc) =	sbr.rel .LBB2_10-.Ltmp7, $4  }
0x4d: {  	_ = 	snop  }
0x4e: {  	s12 =	sshrl.u32 s11, $0x3  }
0x4f: {  	s13 =	sand.u32 $0x7, s11;
	s12 =	sadd.s32 s3, s12  }
0x50: {  	[tilespmem:s9], [sflag:$0x2] =	stream.linear.gather [hbm4b:s12+s13], $0x80, $0x38;
	[tilespmem:$0x8100] =	vst v63  }
.LBB2_11:
0x51: {  	s2 =	simm.s32 $0x3  }
0x52: {  	_ =	swait.ge [sflag:s2], $0x4000  }
0x53: {  	[sflag:s2] =	ssyncset.done $0x0  }
0x54: {  	[sflag:s2] =	ssyncadd.s32 $0xFFFFC000  }
0x55: {  	_ =	sfence.sel $0x180000  }
0x56: {  	s3 =	simm.s32 $0x2;
	[bflag:$0x0] =	sbarrier.arrive $0xFFFF  }
0x57: {  	[sflag:s3] =	ssyncpa.u1 $0x1  }
0x58: {  	s31 =	simm.s32 $0x1;
	[sflag:s2] =	ssyncpa.u1 $0x1  }
0x59: {  	[sflag:s31] =	ssyncpa.u1 $0x1  }
0x5a: {  	p0 =	sne.s32 s1, $0x0;
	_ =	strace $0x9000004D  }
0x5b: {  	s0 =	sadd.s32 @!p0 $0x100000, s0;
	[bflag:$0x2] =	sbarrier.arrive $0xFFFF  }
0x5c: {  	[sflag:s0] =	ssyncadd.tile.s32 @!p0 $0x1;
	_ =	shalt  }
.Lfunc_end2:
_tile_overlayer_lowered:
.L_overlay_start_2:
0x5d: {  	(tag) =	ssettag $0x2  }
0x5e: {  	s0 =	rddreg [dreg:$0x0];
	s2 =	stileid.u32  }
0x5f: {  	s1 =	rddreg [dreg:$0x1];
	p0 =	sne.s32 s2, $0x0  }
0x60: {  	s3 =	rddreg [dreg:$0x2];
	[bflag:$0x3] =	sbarrier.arrive $0xFFFF;
	s2 =	simm.s32 @!p0 $0x1C01  }
0x61: {  	[timem:s3], [sflag:s2] =	dma.local @!p0 [hbm:s0], s1  }
0x62: {  	s0 =	simm.s32 @!p0 $0x1  }
0x63: {  	_ =	swait.ge @!p0 [sflag:s0], s1  }
0x64: {  	s1 =	ssub.s32 @!p0 $0x0, s1;
	[sflag:s0] =	ssyncset.done @!p0 $0x0  }
0x65: {  	[sflag:s0] =	ssyncadd.s32 @!p0 s1  }
0x66: {  	[bflag:$0x3] =	sbarrier.arrive $0xFFFF  }
0x67: {  	_ =	shalt  }

// kernel: gather_offload_async_start.2
scs
__scs_entry_jumppad:
0x0: {  	(pc) =	sbr.rel $0x88, $3  }
0x1: {  	(tag) =	ssettag $0x0;
	lr =	simm.s32 $0x1  }
0x2: {  	[smem:$0x3F10] =	sst lr;
	_ =	strace $0xD0000000  }
0x3: {  	_ = 	snop  }
0x4: {  	_ = 	snop  }
0x5: {  	_ = 	snop  }
0x6: {  	_ = 	snop  }
0x7: {  	_ = 	snop  }
__scs_overlays_trampoline_lowered:
0x8: {  	[smem:$0x3F1F] =	sst s0  }
0x9: {  	[smem:$0x3F20] =	sst s1  }
0xa: {  	[smem:$0x3F21] =	sst s2  }
0xb: {  	[smem:$0x3F22] =	sst s3  }
0xc: {  	[smem:$0x3F23] =	sst s4  }
0xd: {  	[smem:$0x3F24] =	sst s5  }
0xe: {  	[smem:$0x3F25] =	sst s6  }
0xf: {  	[smem:$0x3F26] =	sst s7  }
0x10: {  	[smem:$0x3F27] =	sst s8  }
0x11: {  	[smem:$0x3F28] =	sst s9;
	s0 =	simm.s32 @!p0 $0x0  }
0x12: {  	s1 =	sld [smem:$0x3F0E];
	s0 =	simm.s32 @p0 $0x1  }
0x13: {  	[smem:$0x3F29] =	sst s0;
	s0 =	simm.s32 @!p1 $0x0  }
0x14: {  	s2 =	sld [smem:$0x3F0D];
	s0 =	simm.s32 @p1 $0x1  }
0x15: {  	[smem:$0x3F2A] =	sst s0;
	s0 =	simm.s32 @!p2 $0x0  }
0x16: {  	s3 =	sld [smem:$0x3FDB];
	s0 =	simm.s32 @p2 $0x1  }
0x17: {  	s4 =	simm.s32 $0x1BF5;
	[smem:$0x3F2C] =	sst s0  }
0x18: {  	s0 =	sld [smem:$0x3F0F];
	_ =	swait.ge [sflag:s4], $0x0  }
0x19: {  	s7 =	sld [smem:$0x3F10]  }
0x1a: {  	s8 =	sadd.s32 $0xFFFFE003, lr  }
0x1b: {  	s9 =	sadd.s32 $0xFFFFFEF7, lr;
	s5 =	simm.s32 $0xFFFFFFFF;
	p2 =	slt.u32 s8, $0xFFFFF086  }
0x1c: {  	p1 =	slt.u32 s9, $0xF7A;
	s5 =	simm.s32 @!p2 $0x0  }
0x1d: {  	s5 =	simm.s32 @p1 $0x1;
	p0 =	seq.s32 s7, s2  }
0x1e: {  	s7 =	smul.u32 @!p0 $0xF7A, s2;
	p2 =	seq.s32 @!p0 s5, $0x0  }
0x1f: {  	s9 =	smul.u32 $0xF7A, s1;
	s8 =	simm.s32 @!p0 $0x1BF5;
	p2 =	por !p2, p0  }
0x20: {  	[sflag:s8] =	ssyncset.s32 @!p0 $0xFFFFF086;
	s6 =	sadd.s32 @!p0 s3, s7;
	s7 =	simm.s32 @!p0 $0x108  }
0x21: {  	s3 =	sadd.s32 s3, s9;
	s6 =	sadd.s32 @!p0 $0x88, s6;
	s7 =	simm.s32 @p2 $0x1082  }
0x22: {  	[simem:s7], [sflag:s8] =	dma.local @!p0 [hbm:s6], $0xF7A  }
0x23: {  	s9 =	sor.u32 $0xD0000000, s2;
	s6 =	simm.s32 $0x108;
	_ =	swait.ge @!p0 [sflag:s8], $0x0  }
0x24: {  	s3 =	sadd.s32 $0x88, s3;
	s6 =	simm.s32 @!p1 $0x1082;
	[sflag:s4] =	ssyncset.s32 $0xFFFFF086  }
0x25: {  	[simem:s6], [sflag:s4] =	dma.local [hbm:s3], $0xF7A  }
0x26: {  	[smem:$0x3F10] =	sst s1;
	(tag) =	ssettag s2;
	_ =	strace s9  }
0x27: {  	s1 =	sld [smem:$0x3F20]  }
0x28: {  	s2 =	sld [smem:$0x3F21]  }
0x29: {  	s4 =	sld [smem:$0x3F23]  }
0x2a: {  	p0 =	seq.s32 s5, $0x0;
	s5 =	sld [smem:$0x3F24]  }
0x2b: {  	s6 =	sld [smem:$0x3F25]  }
0x2c: {  	s7 =	sld [smem:$0x3F26]  }
0x2d: {  	s3 =	simm.s32 $0x108;
	s8 =	sld [smem:$0x3F27]  }
0x2e: {  	s3 =	simm.s32 @!p0 $0x1082;
	s9 =	sld [smem:$0x3F28]  }
0x2f: {  	lr =	sadd.s32 s0, s3;
	s0 =	sld [smem:$0x3F1F]  }
0x30: {  	s3 =	sld [smem:$0x3F22]  }
0x31: {  	[smem:$0x3F2B] =	sst s10  }
0x32: {  	s10 =	sld [smem:$0x3F29];
	_ =	sdelay $0x3  }
0x33: {  	p0 =	seq.s32 s10, $0x1;
	s10 =	sld [smem:$0x3F2B];
	_ =	sdelay $0x3  }
0x34: {  	[smem:$0x3F2B] =	sst s10  }
0x35: {  	s10 =	sld [smem:$0x3F2A];
	_ =	sdelay $0x3  }
0x36: {  	p1 =	seq.s32 s10, $0x1;
	s10 =	sld [smem:$0x3F2B];
	_ =	sdelay $0x3  }
0x37: {  	[smem:$0x3F2B] =	sst s10  }
0x38: {  	s10 =	sld [smem:$0x3F2C]  }
0x39: {  	_ = 	snop;
	(pc) =	sbr.ind lr, $3  }
0x3a: {  	_ = 	snop  }
0x3b: {  	_ = 	snop  }
0x3c: {  	p2 =	seq.s32 s10, $0x1;
	s10 =	sld [smem:$0x3F2B]  }
0x3d: {  	_ =	shalt  }
0x3e: {  	_ =	shalt  }
0x3f: {  	_ =	shalt  }
0x40: {  	_ =	shalt  }
0x41: {  	_ =	shalt  }
0x42: {  	_ =	shalt  }
0x43: {  	_ =	shalt  }
0x44: {  	_ =	shalt  }
0x45: {  	_ =	shalt  }
0x46: {  	_ =	shalt  }
0x47: {  	_ =	shalt  }
0x48: {  	_ =	shalt  }
0x49: {  	_ =	shalt  }
0x4a: {  	_ =	shalt  }
0x4b: {  	_ =	shalt  }
0x4c: {  	_ =	shalt  }
0x4d: {  	_ =	shalt  }
0x4e: {  	_ =	shalt  }
0x4f: {  	_ =	shalt  }
0x50: {  	_ =	shalt  }
0x51: {  	_ =	shalt  }
0x52: {  	_ =	shalt  }
0x53: {  	_ =	shalt  }
0x54: {  	_ =	shalt  }
0x55: {  	_ =	shalt  }
0x56: {  	_ =	shalt  }
0x57: {  	_ =	shalt  }
0x58: {  	_ =	shalt  }
0x59: {  	_ =	shalt  }
0x5a: {  	_ =	shalt  }
0x5b: {  	_ =	shalt  }
0x5c: {  	_ =	shalt  }
0x5d: {  	_ =	shalt  }
0x5e: {  	_ =	shalt  }
0x5f: {  	_ =	shalt  }
0x60: {  	_ =	shalt  }
0x61: {  	_ =	shalt  }
0x62: {  	_ =	shalt  }
0x63: {  	_ =	shalt  }
0x64: {  	_ =	shalt  }
0x65: {  	_ =	shalt  }
0x66: {  	_ =	shalt  }
0x67: {  	_ =	shalt  }
0x68: {  	_ =	shalt  }
0x69: {  	_ =	shalt  }
0x6a: {  	_ =	shalt  }
0x6b: {  	_ =	shalt  }
0x6c: {  	_ =	shalt  }
0x6d: {  	_ =	shalt  }
0x6e: {  	_ =	shalt  }
0x6f: {  	_ =	shalt  }
0x70: {  	_ =	shalt  }
0x71: {  	_ =	shalt  }
0x72: {  	_ =	shalt  }
0x73: {  	_ =	shalt  }
0x74: {  	_ =	shalt  }
0x75: {  	_ =	shalt  }
0x76: {  	_ =	shalt  }
0x77: {  	_ =	shalt  }
0x78: {  	_ =	shalt  }
0x79: {  	_ =	shalt  }
0x7a: {  	_ =	shalt  }
0x7b: {  	_ =	shalt  }
0x7c: {  	_ =	shalt  }
0x7d: {  	_ =	shalt  }
0x7e: {  	_ =	shalt  }
0x7f: {  	_ =	shalt  }
0x80: {  	_ =	shalt  }
0x81: {  	_ =	shalt  }
0x82: {  	_ =	shalt  }
0x83: {  	_ =	shalt  }
0x84: {  	_ =	shalt  }
0x85: {  	_ =	shalt  }
0x86: {  	_ =	shalt  }
0x87: {  	_ =	shalt  }
.Lfunc_end0:
.L_simem_size_0:
called_computation.4_lowered:
.L_overlay_start_0:
0x88: {  	s2 =	sld [smem:$0x3FD9]  }
0x89: {  	s3 =	sld [smem:$0x3FFE];
	_ =	sdelay $0x1  }
0x8a: {  	s1 =	srdreg.scid  }
0x8b: {  	s0 =	sand.u32 $0x1, s1  }
0x8c: {  	s16 =	sshll.u32 s0, $0xA;
	s2 =	sadd.s32 s3, s2  }
0x8d: {  	s2 =	sadd.s32 s2, s16  }
0x8e: {  	[smem:$0x3F37] =	sst s2  }
0x8f: {  	_ = 	snop  }
0x90: {  	(tm) =	ssettm $0x1  }
0x91: {  	s17 =	sld [smem:$0x3FFB];
	_ =	sdelay $0x3  }
0x92: {  	_ =	strace s17  }
0x93: {  	s2 =	sld [smem:$0x3FFC];
	_ =	sdelay $0x3  }
0x94: {  	_ =	strace s2  }
0x95: {  	s2 =	sld [smem:$0x3FFD];
	_ =	sdelay $0x3  }
0x96: {  	_ =	strace s2  }
0x97: {  	_ =	strace $0x8FFFFFFF  }
0x98: {  	s18 =	sld [smem:$0x3FDB];
	_ =	sdelay $0x1  }
0x99: {  	s19 =	simm.s32 $_scs_section_size  }
0x9a: {  	s4 =	simm.s32 $_size__tile_overlayer_lowered;
	s5 =	simm.s32 $_tile_overlayer_lowered  }
0x9b: {  	s22 =	simm.s32 $0x1BFF;
	s21 =	sshll.u32 s5, $0x1;
	s2 =	sadd.s32 s19, s18  }
0x9c: {  	s6 =	simm.s32 $0x0;
	s20 =	sshll.u32 s4, $0x1;
	s4 =	sadd.s32 s21, s2  }
0x9d: {  	[timem:s6], [sflag:s22] =	dma.local [hbm:s4], s20  }
0x9e: {  	_ =	swait.ge [sflag:s22], s20  }
0x9f: {  	s3 =	ssub.s32 $0x0, s20;
	[sflag:s22] =	ssyncset.done $0x0  }
0xa0: {  	[sflag:s22] =	ssyncadd.s32 s3;
	_ =	sdelay $0x1  }
0xa1: {  	s23 =	simm.s32 $0x1B8B  }
0xa2: {  	_ =	swait.ge [sflag:s23], $0x1  }
0xa3: {  	[sflag:s23] =	ssyncset.done $0x0  }
0xa4: {  	s25 =	simm.s32 $0x1B8E;
	s24 =	sld [smem:$0x3FFE];
	[sflag:s23] =	ssyncadd.s32 $0xFFFFFFFF  }
0xa5: {  	s26 =	simm.s32 $execute0_lowered;
	[smem:$0x3FD2] =	sst s25  }
0xa6: {  	s4 =	sshll.u32 s26, $0x1;
	_ =	strace $0x8000004F;
	[dreg:$0x1] =	wrdreg $0xFFFFFFFF  }
0xa7: {  	s28 =	simm.s32 $_size_execute0_lowered;
	s2 =	sadd.s32 s2, s4;
	[dreg:$0x0] =	wrdreg $0x0  }
0xa8: {  	s4 =	sshll.u32 s28, $0x1;
	[dreg:$0x2] =	wrdreg s2  }
0xa9: {  	[dreg:$0x3] =	wrdreg s4  }
0xaa: {  	[dreg:$0x4] =	wrdreg $0xC0  }
0xab: {  	_ =	task [dreg:s6], $0x5FFFF  }
0xac: {  	[dreg:$0x1] =	wrdreg $0xFFFFFFFF  }
0xad: {  	[dreg:$0x0] =	wrdreg $0x60  }
0xae: {  	[dreg:$0x2] =	wrdreg s24  }
0xaf: {  	[dreg:$0x3] =	wrdreg $0x9  }
0xb0: {  	_ =	task.clear_ibuf [dreg:s6], $0x4FFFF;
	_ =	strace $0x9000004F  }
0xb1: {  	s29 =	simm.s32 $0x9;
	_ =	strace $0x80000051  }
0xb2: {  	_ =	swait.ge [sflag:s29], $0x1  }
0xb3: {  	[sflag:s29] =	ssyncadd.s32 $0xFFFFFFFF  }
0xb4: {  	_ =	strace $0x90000051  }
0xb5: {  	_ =	sfence  }
0xb6: {  	s30 =	sld [smem:$0x0];
	_ =	sdelay $0x2  }
0xb7: {  	s31 =	sshll.u32 s1, $0xD;
	s1 =	sshrl.u32 s1, $0x2  }
0xb8: {  	s3 =	sand.u32 $0x4000, s31;
	s1 =	sadd.s32 s1, s30  }
0xb9: {  	s0 =	sor.u32 s3, s0;
	s1 =	sshll.u32 s1, $0x11  }
0xba: {  	s0 =	sor.u32 s1, s0  }
0xbb: {  	s0 =	sadd.s32 $0x8F2B, s0  }
0xbc: {  	[sflag:s0] =	ssyncadd.remote.s32 $0x1  }
0xbd: {  	_ =	sfence.sel $0xFFFF  }
0xbe: {  	[dreg:$0x0] =	wrdreg $0xFFFFFFFF;
	(pc) =	sbr.abs _section_cstart, $3  }
0xbf: {  	[dreg:$0x1] =	wrdreg $0xFFFFFFFF  }
0xc0: {  	_ =	task.clear_ibuf [dreg:s6], $0x2FFFF;
	_ =	strace $0x9FFFFFFF  }
0xc1: {  	(tm) =	ssettm $0x7FFFFFFF  }
tec
execute0_lowered:
.L_overlay_start_1:
0x0: {  	(tag) =	ssettag $0x1  }
0x1: {  	s7 =	rddreg [dreg:$0x0]  }
0x2: {  	s0 =	rddreg [dreg:$0x1];
	_ =	strace $0x80000050  }
0x3: {  	s1 =	srdreg.scid;
	s4 =	simm.s32 $0x1;
	s9 =	simm.s32 $0x3  }
0x4: {  	s12 =	simm.s32 $0x0;
	s10 =	simm.s32 $0x0;
	s5 =	sshll.u32 s1, $0x4  }
.Ltmp0:
0x5: {  	s1 =	stileid.u32;
	s5 =	sand.u32 $0x10, s5;
	(pc) =	sbr.rel .LBB2_1-.Ltmp0, $4  }
0x6: {  	s2 =	sadd.s32 $0x1800, s7;
	s3 =	sadd.s32 $0x60400, s7;
	s6 =	sor.u32 s1, s5  }
0x7: {  	[sflag:s4] =	ssyncpa.u1 $0x0;
	s5 =	simm.s32 $0x2;
	s6 =	sshll.u32 s6, $0x6  }
0x8: {  	s7 =	sadd.s32 $0x11800, s7;
	[sflag:s5] =	ssyncpa.u1 $0x0;
	s8 =	sadd.s32 $0x40, s6  }
0x9: {  	vm0 =	vmmov $0xff;
	vm1 =	vcmask $0x3F20;
	[sflag:s9] =	ssyncpa.u1 $0x0;
	s9 =	simm.s32 $0x40;
	s11 =	smov.u32 s6  }
.LBB2_9:
0xa: {  	p0 =	seq.s32 s10, $0x2  }
.Ltmp1:
0xb: {  	_ = 	snop;
	(pc) =	sbr.rel @p0 .LBB2_11-.Ltmp1, $1  }
0xc: {  	_ =	sdelay $0x3  }
.LBB2_10:
0xd: {  	s12 =	sadd.s32 $0x40, s11  }
0xe: {  	s13 =	smov.u32 s6;
	p0 =	slt.s32 s12, s8  }
0xf: {  	s13 =	smov.u32 @p0 s12  }
0x10: {  	s10 =	sadd.s32 $0x1, s10;
	s12 =	smov.u32 s11;
	s11 =	smov.u32 s13  }
.LBB2_1:
0x11: {  	p0 =	sne.s32 s10, $0x0  }
.Ltmp2:
0x12: {  	_ = 	snop;
	(pc) =	sbr.rel @!p0 .LBB2_2-.Ltmp2, $1  }
0x13: {  	_ =	sdelay $0x3  }
0x14: {  	s13 =	sand.u32 $0x1, s10  }
0x15: {  	p0 =	seq.s32 s13, $0x0  }
.Ltmp3:
0x16: {  	_ = 	snop;
	(pc) =	sbr.rel @p0 .LBB2_9-.Ltmp3, $1  }
0x17: {  	_ =	sdelay $0x3  }
0x18: {  	_ =	swait.ge [sflag:s5], $0x40  }
0x19: {  	[sflag:s5] =	ssyncset.done $0x0  }
0x1a: {  	s13 =	simm.s32 $0x0;
	[sflag:s5] =	ssyncadd.s32 $0xFFFFFFC0  }
0x1b: {  	v0 =	vld.msk [tilespmem:s13+$0x40 ss:$0x1], $0xffff;
	_ =	sdelay $0x4  }
0x1c: {  	v1 =	vshll.u32 v0, $0x6  }
0x1d: {  	vm2 =	veq.s32 v0, $0x80000000;
	v0 =	vshll.u32 v0, $0x12;
	v1 =	vand.u32 $0x3FF80, v1  }
0x1e: {  	v0 =	vand.u32 $0x40000, v0;
	v1 =	vsel vm2, $0xFFFFFF80, v1  }
0x1f: {  	v0 =	vsel vm2, $0xFFFC0000, v0;
	v2 =	vand.u32 $0xFFFFFC00, v1  }
0x20: {  	v1 =	vand.u32 $0x380, v1;
	v0 =	vadd.s32 v0, v2  }
0x21: {  	v0 =	vor.u32 v1, v0  }
0x22: {  	v0 =	vshrl.u32 v0, $0x3;
	_ =	sdelay $0x3  }
0x23: {  	s13 =	simm.s32 $0x2080  }
0x24: {  	[tilespmem:s13], [sflag:$0x1] =	stream.indirect_vreg.gather [hbm:s2], $0x80, v0, vm0, $0x38;
	[tilespmem:$0x4080] =	vst v63  }
0x25: {  	s14 =	simm.s32 $0x2480;
	s31 =	simm.s32 $0x10  }
0x26: {  	[tilespmem:s14], [sflag:$0x1] =	stream.indirect_vreg.gather [hbm:s2], $0x80, v0, vm1, $0x38;
	[tilespmem:$0x4080] =	vst v63  }
0x27: {  	s14 =	simm.s32 $0x80;
	v0 =	vld.msk [tilespmem:s31+$0x40 ss:$0x1], $0xffff  }
.LBB2_5:
0x28: {  	p0 =	sne.s32 s14, $0xC0;
	_ =	sdelay $0x4  }
0x29: {  	v1 =	vshll.u32 v0, $0x6  }
0x2a: {  	vm2 =	veq.s32 v0, $0x80000000;
	v0 =	vshll.u32 v0, $0x12;
	v1 =	vand.u32 $0x3FF80, v1  }
0x2b: {  	v0 =	vand.u32 $0x40000, v0;
	v1 =	vsel vm2, $0xFFFFFF80, v1  }
0x2c: {  	v0 =	vsel vm2, $0xFFFC0000, v0;
	v2 =	vand.u32 $0xFFFFFC00, v1  }
0x2d: {  	v1 =	vand.u32 $0x380, v1;
	v0 =	vadd.s32 v0, v2  }
0x2e: {  	v0 =	vor.u32 v1, v0  }
0x2f: {  	v0 =	vshrl.u32 v0, $0x3;
	_ =	sdelay $0x3  }
.Ltmp4:
0x30: {  	s13 =	sadd.s32 $0x800, s13;
	(pc) =	sbr.rel @p0 .LBB2_5-.Ltmp4, $4  }
0x31: {  	[tilespmem:s13], [sflag:$0x1] =	stream.indirect_vreg.gather [hbm:s2], $0x80, v0, vm0, $0x38;
	[tilespmem:$0x4080] =	vst v63  }
0x32: {  	s15 =	sshra.s32 s14, $0x2;
	s16 =	sadd.s32 $0x400, s13  }
0x33: {  	[tilespmem:s16], [sflag:$0x1] =	stream.indirect_vreg.gather [hbm:s2], $0x80, v0, vm1, $0x38;
	[tilespmem:$0x4080] =	vst v63  }
0x34: {  	s14 =	sadd.s32 $0x40, s14;
	v0 =	vld.msk [tilespmem:s15+$0x40 ss:$0x1], $0xffff  }
0x35: {  	_ =	sdelay $0x3  }
0x36: {  	v1 =	vshll.u32 v0, $0x6  }
0x37: {  	vm2 =	veq.s32 v0, $0x80000000;
	v63 =	vshll.u32 v0, $0x12;
	v1 =	vand.u32 $0x3FF80, v1  }
0x38: {  	v0 =	vand.u32 $0x40000, v63;
	v1 =	vsel vm2, $0xFFFFFF80, v1  }
0x39: {  	v0 =	vsel vm2, $0xFFFC0000, v0;
	v2 =	vand.u32 $0xFFFFFC00, v1  }
0x3a: {  	v1 =	vand.u32 $0x380, v1;
	v0 =	vadd.s32 v0, v2  }
0x3b: {  	v0 =	vor.u32 v1, v0  }
0x3c: {  	v0 =	vshrl.u32 v0, $0x3;
	_ =	sdelay $0x3  }
0x3d: {  	s13 =	sadd.s32 $0x800, s13  }
0x3e: {  	[tilespmem:s13], [sflag:$0x1] =	stream.indirect_vreg.gather [hbm:s2], $0x80, v0, vm0, $0x38;
	[tilespmem:$0x4080] =	vst v63  }
0x3f: {  	s13 =	sadd.s32 $0x400, s13  }
0x40: {  	[tilespmem:s13], [sflag:$0x1] =	stream.indirect_vreg.gather [hbm:s2], $0x80, v0, vm1, $0x38;
	[tilespmem:$0x4080] =	vst v63  }
0x41: {  	s12 =	sshll.u32 s12, $0x4;
	s14 =	simm.s32 $0x80;
	_ =	swait.ge [sflag:s4], $0x2000  }
0x42: {  	s15 =	simm.s32 $0x2480;
	s12 =	sadd.s32 s12, s7;
	[sflag:s4] =	ssyncset.done $0x0  }
0x43: {  	s16 =	sadd.s32 $0x0, s12;
	s13 =	simm.s32 $0x2080;
	[sflag:s4] =	ssyncadd.s32 $0xFFFFE000  }
.LBB2_7:
0x44: {  	[hbm:s16] =	stream.linear.scatter [tilespmem:s13], [sflag:$0x3], $0x400, $0x38;
	[tilespmem:$0x4080] =	vst v63  }
0x45: {  	s16 =	smov.u32 s14;
	s13 =	smov.u32 s15;
	p0 =	sne.s32 s14, $0x380  }
.Ltmp5:
0x46: {  	s14 =	sadd.s32 $0x80, s14;
	(pc) =	sbr.rel @p0 .LBB2_7-.Ltmp5, $2  }
0x47: {  	_ =	sdelay $0x2  }
0x48: {  	s15 =	sadd.s32 $0x400, s15;
	s16 =	sadd.s32 s16, s12  }
.Ltmp6:
0x49: {  	(pc) =	sbr.rel .LBB2_9-.Ltmp6, $2  }
0x4a: {  	_ =	sdelay $0x2  }
0x4b: {  	[hbm:s16] =	stream.linear.scatter [tilespmem:s13], [sflag:$0x3], $0x400, $0x38;
	[tilespmem:$0x4080] =	vst v63  }
.LBB2_2:
.Ltmp7:
0x4c: {  	(pc) =	sbr.rel .LBB2_10-.Ltmp7, $4  }
0x4d: {  	_ = 	snop  }
0x4e: {  	s12 =	sshrl.u32 s11, $0x3  }
0x4f: {  	s13 =	sand.u32 $0x7, s11;
	s12 =	sadd.s32 s3, s12  }
0x50: {  	[tilespmem:s9], [sflag:$0x2] =	stream.linear.gather [hbm4b:s12+s13], $0x40, $0x38;
	[tilespmem:$0x4080] =	vst v63  }
.LBB2_11:
0x51: {  	s2 =	simm.s32 $0x3  }
0x52: {  	_ =	swait.ge [sflag:s2], $0x2000  }
0x53: {  	[sflag:s2] =	ssyncset.done $0x0  }
0x54: {  	[sflag:s2] =	ssyncadd.s32 $0xFFFFE000  }
0x55: {  	_ =	sfence.sel $0x180000  }
0x56: {  	s3 =	simm.s32 $0x2;
	[bflag:$0x0] =	sbarrier.arrive $0xFFFF  }
0x57: {  	[sflag:s3] =	ssyncpa.u1 $0x1  }
0x58: {  	s31 =	simm.s32 $0x1;
	[sflag:s2] =	ssyncpa.u1 $0x1  }
0x59: {  	[sflag:s31] =	ssyncpa.u1 $0x1  }
0x5a: {  	p0 =	sne.s32 s1, $0x0;
	_ =	strace $0x90000050  }
0x5b: {  	s0 =	sadd.s32 @!p0 $0x100000, s0;
	[bflag:$0x2] =	sbarrier.arrive $0xFFFF  }
0x5c: {  	[sflag:s0] =	ssyncadd.tile.s32 @!p0 $0x1;
	_ =	shalt  }
.Lfunc_end2:
_tile_overlayer_lowered:
.L_overlay_start_2:
0x5d: {  	(tag) =	ssettag $0x2  }
0x5e: {  	s0 =	rddreg [dreg:$0x0];
	s2 =	stileid.u32  }
0x5f: {  	s1 =	rddreg [dreg:$0x1];
	p0 =	sne.s32 s2, $0x0  }
0x60: {  	s3 =	rddreg [dreg:$0x2];
	[bflag:$0x3] =	sbarrier.arrive $0xFFFF;
	s2 =	simm.s32 @!p0 $0x1C01  }
0x61: {  	[timem:s3], [sflag:s2] =	dma.local @!p0 [hbm:s0], s1  }
0x62: {  	s0 =	simm.s32 @!p0 $0x1  }
0x63: {  	_ =	swait.ge @!p0 [sflag:s0], s1  }
0x64: {  	s1 =	ssub.s32 @!p0 $0x0, s1;
	[sflag:s0] =	ssyncset.done @!p0 $0x0  }
0x65: {  	[sflag:s0] =	ssyncadd.s32 @!p0 s1  }
0x66: {  	[bflag:$0x3] =	sbarrier.arrive $0xFFFF  }
0x67: {  	_ =	shalt  }

// kernel: gather_offload_async_start.3
scs
__scs_entry_jumppad:
0x0: {  	(pc) =	sbr.rel $0x88, $3  }
0x1: {  	(tag) =	ssettag $0x0;
	lr =	simm.s32 $0x1  }
0x2: {  	[smem:$0x3F10] =	sst lr;
	_ =	strace $0xD0000000  }
0x3: {  	_ = 	snop  }
0x4: {  	_ = 	snop  }
0x5: {  	_ = 	snop  }
0x6: {  	_ = 	snop  }
0x7: {  	_ = 	snop  }
__scs_overlays_trampoline_lowered:
0x8: {  	[smem:$0x3F1F] =	sst s0  }
0x9: {  	[smem:$0x3F20] =	sst s1  }
0xa: {  	[smem:$0x3F21] =	sst s2  }
0xb: {  	[smem:$0x3F22] =	sst s3  }
0xc: {  	[smem:$0x3F23] =	sst s4  }
0xd: {  	[smem:$0x3F24] =	sst s5  }
0xe: {  	[smem:$0x3F25] =	sst s6  }
0xf: {  	[smem:$0x3F26] =	sst s7  }
0x10: {  	[smem:$0x3F27] =	sst s8  }
0x11: {  	[smem:$0x3F28] =	sst s9;
	s0 =	simm.s32 @!p0 $0x0  }
0x12: {  	s1 =	sld [smem:$0x3F0E];
	s0 =	simm.s32 @p0 $0x1  }
0x13: {  	[smem:$0x3F29] =	sst s0;
	s0 =	simm.s32 @!p1 $0x0  }
0x14: {  	s2 =	sld [smem:$0x3F0D];
	s0 =	simm.s32 @p1 $0x1  }
0x15: {  	[smem:$0x3F2A] =	sst s0;
	s0 =	simm.s32 @!p2 $0x0  }
0x16: {  	s3 =	sld [smem:$0x3FDB];
	s0 =	simm.s32 @p2 $0x1  }
0x17: {  	s4 =	simm.s32 $0x1BF5;
	[smem:$0x3F2C] =	sst s0  }
0x18: {  	s0 =	sld [smem:$0x3F0F];
	_ =	swait.ge [sflag:s4], $0x0  }
0x19: {  	s7 =	sld [smem:$0x3F10]  }
0x1a: {  	s8 =	sadd.s32 $0xFFFFE003, lr  }
0x1b: {  	s9 =	sadd.s32 $0xFFFFFEF7, lr;
	s5 =	simm.s32 $0xFFFFFFFF;
	p2 =	slt.u32 s8, $0xFFFFF086  }
0x1c: {  	p1 =	slt.u32 s9, $0xF7A;
	s5 =	simm.s32 @!p2 $0x0  }
0x1d: {  	s5 =	simm.s32 @p1 $0x1;
	p0 =	seq.s32 s7, s2  }
0x1e: {  	s7 =	smul.u32 @!p0 $0xF7A, s2;
	p2 =	seq.s32 @!p0 s5, $0x0  }
0x1f: {  	s9 =	smul.u32 $0xF7A, s1;
	s8 =	simm.s32 @!p0 $0x1BF5;
	p2 =	por !p2, p0  }
0x20: {  	[sflag:s8] =	ssyncset.s32 @!p0 $0xFFFFF086;
	s6 =	sadd.s32 @!p0 s3, s7;
	s7 =	simm.s32 @!p0 $0x108  }
0x21: {  	s3 =	sadd.s32 s3, s9;
	s6 =	sadd.s32 @!p0 $0x88, s6;
	s7 =	simm.s32 @p2 $0x1082  }
0x22: {  	[simem:s7], [sflag:s8] =	dma.local @!p0 [hbm:s6], $0xF7A  }
0x23: {  	s9 =	sor.u32 $0xD0000000, s2;
	s6 =	simm.s32 $0x108;
	_ =	swait.ge @!p0 [sflag:s8], $0x0  }
0x24: {  	s3 =	sadd.s32 $0x88, s3;
	s6 =	simm.s32 @!p1 $0x1082;
	[sflag:s4] =	ssyncset.s32 $0xFFFFF086  }
0x25: {  	[simem:s6], [sflag:s4] =	dma.local [hbm:s3], $0xF7A  }
0x26: {  	[smem:$0x3F10] =	sst s1;
	(tag) =	ssettag s2;
	_ =	strace s9  }
0x27: {  	s1 =	sld [smem:$0x3F20]  }
0x28: {  	s2 =	sld [smem:$0x3F21]  }
0x29: {  	s4 =	sld [smem:$0x3F23]  }
0x2a: {  	p0 =	seq.s32 s5, $0x0;
	s5 =	sld [smem:$0x3F24]  }
0x2b: {  	s6 =	sld [smem:$0x3F25]  }
0x2c: {  	s7 =	sld [smem:$0x3F26]  }
0x2d: {  	s3 =	simm.s32 $0x108;
	s8 =	sld [smem:$0x3F27]  }
0x2e: {  	s3 =	simm.s32 @!p0 $0x1082;
	s9 =	sld [smem:$0x3F28]  }
0x2f: {  	lr =	sadd.s32 s0, s3;
	s0 =	sld [smem:$0x3F1F]  }
0x30: {  	s3 =	sld [smem:$0x3F22]  }
0x31: {  	[smem:$0x3F2B] =	sst s10  }
0x32: {  	s10 =	sld [smem:$0x3F29];
	_ =	sdelay $0x3  }
0x33: {  	p0 =	seq.s32 s10, $0x1;
	s10 =	sld [smem:$0x3F2B];
	_ =	sdelay $0x3  }
0x34: {  	[smem:$0x3F2B] =	sst s10  }
0x35: {  	s10 =	sld [smem:$0x3F2A];
	_ =	sdelay $0x3  }
0x36: {  	p1 =	seq.s32 s10, $0x1;
	s10 =	sld [smem:$0x3F2B];
	_ =	sdelay $0x3  }
0x37: {  	[smem:$0x3F2B] =	sst s10  }
0x38: {  	s10 =	sld [smem:$0x3F2C]  }
0x39: {  	_ = 	snop;
	(pc) =	sbr.ind lr, $3  }
0x3a: {  	_ = 	snop  }
0x3b: {  	_ = 	snop  }
0x3c: {  	p2 =	seq.s32 s10, $0x1;
	s10 =	sld [smem:$0x3F2B]  }
0x3d: {  	_ =	shalt  }
0x3e: {  	_ =	shalt  }
0x3f: {  	_ =	shalt  }
0x40: {  	_ =	shalt  }
0x41: {  	_ =	shalt  }
0x42: {  	_ =	shalt  }
0x43: {  	_ =	shalt  }
0x44: {  	_ =	shalt  }
0x45: {  	_ =	shalt  }
0x46: {  	_ =	shalt  }
0x47: {  	_ =	shalt  }
0x48: {  	_ =	shalt  }
0x49: {  	_ =	shalt  }
0x4a: {  	_ =	shalt  }
0x4b: {  	_ =	shalt  }
0x4c: {  	_ =	shalt  }
0x4d: {  	_ =	shalt  }
0x4e: {  	_ =	shalt  }
0x4f: {  	_ =	shalt  }
0x50: {  	_ =	shalt  }
0x51: {  	_ =	shalt  }
0x52: {  	_ =	shalt  }
0x53: {  	_ =	shalt  }
0x54: {  	_ =	shalt  }
0x55: {  	_ =	shalt  }
0x56: {  	_ =	shalt  }
0x57: {  	_ =	shalt  }
0x58: {  	_ =	shalt  }
0x59: {  	_ =	shalt  }
0x5a: {  	_ =	shalt  }
0x5b: {  	_ =	shalt  }
0x5c: {  	_ =	shalt  }
0x5d: {  	_ =	shalt  }
0x5e: {  	_ =	shalt  }
0x5f: {  	_ =	shalt  }
0x60: {  	_ =	shalt  }
0x61: {  	_ =	shalt  }
0x62: {  	_ =	shalt  }
0x63: {  	_ =	shalt  }
0x64: {  	_ =	shalt  }
0x65: {  	_ =	shalt  }
0x66: {  	_ =	shalt  }
0x67: {  	_ =	shalt  }
0x68: {  	_ =	shalt  }
0x69: {  	_ =	shalt  }
0x6a: {  	_ =	shalt  }
0x6b: {  	_ =	shalt  }
0x6c: {  	_ =	shalt  }
0x6d: {  	_ =	shalt  }
0x6e: {  	_ =	shalt  }
0x6f: {  	_ =	shalt  }
0x70: {  	_ =	shalt  }
0x71: {  	_ =	shalt  }
0x72: {  	_ =	shalt  }
0x73: {  	_ =	shalt  }
0x74: {  	_ =	shalt  }
0x75: {  	_ =	shalt  }
0x76: {  	_ =	shalt  }
0x77: {  	_ =	shalt  }
0x78: {  	_ =	shalt  }
0x79: {  	_ =	shalt  }
0x7a: {  	_ =	shalt  }
0x7b: {  	_ =	shalt  }
0x7c: {  	_ =	shalt  }
0x7d: {  	_ =	shalt  }
0x7e: {  	_ =	shalt  }
0x7f: {  	_ =	shalt  }
0x80: {  	_ =	shalt  }
0x81: {  	_ =	shalt  }
0x82: {  	_ =	shalt  }
0x83: {  	_ =	shalt  }
0x84: {  	_ =	shalt  }
0x85: {  	_ =	shalt  }
0x86: {  	_ =	shalt  }
0x87: {  	_ =	shalt  }
.Lfunc_end0:
.L_simem_size_0:
called_computation.5_lowered:
.L_overlay_start_0:
0x88: {  	s2 =	sld [smem:$0x3FD9]  }
0x89: {  	s3 =	sld [smem:$0x3FFE];
	_ =	sdelay $0x1  }
0x8a: {  	s1 =	srdreg.scid  }
0x8b: {  	s0 =	sand.u32 $0x1, s1  }
0x8c: {  	s16 =	sshll.u32 s0, $0xA;
	s2 =	sadd.s32 s3, s2  }
0x8d: {  	s2 =	sadd.s32 s2, s16  }
0x8e: {  	[smem:$0x3F37] =	sst s2  }
0x8f: {  	_ = 	snop  }
0x90: {  	(tm) =	ssettm $0x1  }
0x91: {  	s17 =	sld [smem:$0x3FFB];
	_ =	sdelay $0x3  }
0x92: {  	_ =	strace s17  }
0x93: {  	s2 =	sld [smem:$0x3FFC];
	_ =	sdelay $0x3  }
0x94: {  	_ =	strace s2  }
0x95: {  	s2 =	sld [smem:$0x3FFD];
	_ =	sdelay $0x3  }
0x96: {  	_ =	strace s2  }
0x97: {  	_ =	strace $0x8FFFFFFF  }
0x98: {  	s18 =	sld [smem:$0x3FDB];
	_ =	sdelay $0x1  }
0x99: {  	s19 =	simm.s32 $_scs_section_size  }
0x9a: {  	s4 =	simm.s32 $_size__tile_overlayer_lowered;
	s5 =	simm.s32 $_tile_overlayer_lowered  }
0x9b: {  	s22 =	simm.s32 $0x1BFF;
	s21 =	sshll.u32 s5, $0x1;
	s2 =	sadd.s32 s19, s18  }
0x9c: {  	s6 =	simm.s32 $0x0;
	s20 =	sshll.u32 s4, $0x1;
	s4 =	sadd.s32 s21, s2  }
0x9d: {  	[timem:s6], [sflag:s22] =	dma.local [hbm:s4], s20  }
0x9e: {  	_ =	swait.ge [sflag:s22], s20  }
0x9f: {  	s3 =	ssub.s32 $0x0, s20;
	[sflag:s22] =	ssyncset.done $0x0  }
0xa0: {  	[sflag:s22] =	ssyncadd.s32 s3;
	_ =	sdelay $0x1  }
0xa1: {  	s23 =	simm.s32 $0x1B8B  }
0xa2: {  	_ =	swait.ge [sflag:s23], $0x1  }
0xa3: {  	[sflag:s23] =	ssyncset.done $0x0  }
0xa4: {  	s25 =	simm.s32 $0x1B8E;
	s24 =	sld [smem:$0x3FFE];
	[sflag:s23] =	ssyncadd.s32 $0xFFFFFFFF  }
0xa5: {  	s26 =	simm.s32 $execute0_lowered;
	[smem:$0x3FD2] =	sst s25  }
0xa6: {  	s4 =	sshll.u32 s26, $0x1;
	_ =	strace $0x80000052;
	[dreg:$0x1] =	wrdreg $0xFFFFFFFF  }
0xa7: {  	s28 =	simm.s32 $_size_execute0_lowered;
	s2 =	sadd.s32 s2, s4;
	[dreg:$0x0] =	wrdreg $0x0  }
0xa8: {  	s4 =	sshll.u32 s28, $0x1;
	[dreg:$0x2] =	wrdreg s2  }
0xa9: {  	[dreg:$0x3] =	wrdreg s4  }
0xaa: {  	[dreg:$0x4] =	wrdreg $0xC0  }
0xab: {  	_ =	task [dreg:s6], $0x5FFFF  }
0xac: {  	[dreg:$0x1] =	wrdreg $0xFFFFFFFF  }
0xad: {  	[dreg:$0x0] =	wrdreg $0x60  }
0xae: {  	[dreg:$0x2] =	wrdreg s24  }
0xaf: {  	[dreg:$0x3] =	wrdreg $0xB  }
0xb0: {  	_ =	task.clear_ibuf [dreg:s6], $0x4FFFF;
	_ =	strace $0x90000052  }
0xb1: {  	s29 =	simm.s32 $0xB;
	_ =	strace $0x80000054  }
0xb2: {  	_ =	swait.ge [sflag:s29], $0x1  }
0xb3: {  	[sflag:s29] =	ssyncadd.s32 $0xFFFFFFFF  }
0xb4: {  	_ =	strace $0x90000054  }
0xb5: {  	_ =	sfence  }
0xb6: {  	s30 =	sld [smem:$0x0];
	_ =	sdelay $0x2  }
0xb7: {  	s31 =	sshll.u32 s1, $0xD;
	s1 =	sshrl.u32 s1, $0x2  }
0xb8: {  	s3 =	sand.u32 $0x4000, s31;
	s1 =	sadd.s32 s1, s30  }
0xb9: {  	s0 =	sor.u32 s3, s0;
	s1 =	sshll.u32 s1, $0x11  }
0xba: {  	s0 =	sor.u32 s1, s0  }
0xbb: {  	s0 =	sadd.s32 $0x8F2B, s0  }
0xbc: {  	[sflag:s0] =	ssyncadd.remote.s32 $0x1  }
0xbd: {  	_ =	sfence.sel $0xFFFF  }
0xbe: {  	[dreg:$0x0] =	wrdreg $0xFFFFFFFF;
	(pc) =	sbr.abs _section_cstart, $3  }
0xbf: {  	[dreg:$0x1] =	wrdreg $0xFFFFFFFF  }
0xc0: {  	_ =	task.clear_ibuf [dreg:s6], $0x2FFFF;
	_ =	strace $0x9FFFFFFF  }
0xc1: {  	(tm) =	ssettm $0x7FFFFFFF  }
tec
execute0_lowered:
.L_overlay_start_1:
0x0: {  	(tag) =	ssettag $0x1  }
0x1: {  	s1 =	srdreg.scid  }
0x2: {  	s0 =	stileid.u32;
	s8 =	rddreg [dreg:$0x0];
	s5 =	simm.s32 $0x1  }
0x3: {  	s9 =	simm.s32 $0x1;
	s10 =	simm.s32 $0x3;
	s1 =	sshll.u32 s1, $0x5  }
0x4: {  	s13 =	simm.s32 $0x0;
	s2 =	sshll.u32 s0, $0x6;
	s3 =	sand.u32 $0x20, s1  }
0x5: {  	s12 =	simm.s32 $0x0;
	s4 =	sadd.s32 $0x2DA00, s8;
	s2 =	sor.u32 s2, s3  }
0x6: {  	s1 =	rddreg [dreg:$0x1];
	_ =	strace $0x80000053;
	s7 =	ssub.s32 $0x600, s2  }
.Ltmp0:
0x7: {  	s3 =	sadd.s32 $0x2B800, s8;
	s6 =	sand.u32 $0x3E0, s7;
	(pc) =	sbr.rel .LBB2_1-.Ltmp0, $4  }
0x8: {  	[sflag:s5] =	ssyncpa.u1 $0x0;
	s8 =	sadd.s32 $0x3E000, s8;
	p0 =	sne.s32 s6, $0x0  }
0x9: {  	s7 =	sshrl.u32 s7, $0xA;
	s6 =	simm.s32 $0x2;
	s9 =	simm.s32 @!p0 $0x0  }
0xa: {  	s11 =	smov.u32 s2;
	[sflag:s6] =	ssyncpa.u1 $0x0;
	s7 =	sadd.s32 s9, s7  }
0xb: {  	vm0 =	vmmov $0xffff;
	[sflag:s10] =	ssyncpa.u1 $0x0;
	s10 =	simm.s32 $0x0;
	s9 =	sadd.s32 $0x1, s7  }
.LBB2_5:
0xc: {  	s15 =	sadd.s32 $0x400, s11  }
0xd: {  	p1 =	sgt.s32 s15, $0x5FF  }
0xe: {  	s15 =	smov.u32 @p1 s2;
	p1 =	sne.s32 s12, s9  }
.Ltmp1:
0xf: {  	p0 =	slt.u32 s12, $0x2;
	(pc) =	sbr.rel @!p1 .LBB2_6-.Ltmp1, $4  }
0x10: {  	s14 =	simm.s32 @!p0 $0x3  }
0x11: {  	_ =	swait.ge @!p0 [sflag:s14], $0x20  }
0x12: {  	s16 =	sadd.s32 $0x1, s12;
	s13 =	smov.u32 s11;
	[sflag:s14] =	ssyncset.done @!p0 $0x0  }
0x13: {  	s12 =	smov.u32 s16;
	s11 =	smov.u32 s15;
	[sflag:s14] =	ssyncadd.s32 @!p0 $0xFFFFFFE0  }
.LBB2_1:
0x14: {  	p0 =	sge.u32 s12, s7  }
0x15: {  	s14 =	sxor.u32 @!p0 $0xFFFFFFFF, s12  }
0x16: {  	s31 =	sadd.s32 $0xFFFFFFFF, s12;
	s15 =	sshrl.u32 @!p0 s11, $0x3;
	s14 =	sshll.u32 @!p0 s14, $0x5  }
0x17: {  	s16 =	sand.u32 @!p0 $0x7, s11;
	s15 =	sadd.s32 @!p0 s4, s15;
	s14 =	sand.u32 @!p0 $0x20, s14  }
0x18: {  	[tilespmem:s14], [sflag:$0x2] =	stream.linear.gather @!p0 [hbm4b:s15+s16], $0x20, $0x38;
	[tilespmem:$0x80] =	vst v63  }
0x19: {  	p0 =	sge.u32 s31, s7  }
.Ltmp2:
0x1a: {  	_ = 	snop;
	(pc) =	sbr.rel @p0 .LBB2_5-.Ltmp2, $1  }
0x1b: {  	_ =	sdelay $0x3  }
0x1c: {  	_ =	swait.ge [sflag:s6], $0x20;
	s14 =	sshll.u32 s12, $0x5;
	s16 =	simm.s32 $0x0  }
0x1d: {  	p0 =	por $0x1, $0x1;
	[sflag:s6] =	ssyncset.done $0x0;
	s15 =	sand.u32 $0x20, s14  }
0x1e: {  	[sflag:s6] =	ssyncadd.s32 $0xFFFFFFE0;
	(ifvalue) =	ssetifvalue $0x7FFFFFFF;
	s14 =	sor.u32 $0x40, s15  }
.LBB2_3:
0x1f: {  	s17 =	sadd.s32 s16, s15  }
0x20: {  	v0 =	vld.msk [tilespmem:s17+$0x0 ss:$0x1], $0xffff;
	_ =	sdelay $0x4  }
0x21: {  	vm1 =	veq.s32 v0, $0x80000000;
	v1 =	vshrl.u32 v0, $0x1;
	v2 =	vshrl.u32 v0, $0x9  }
0x22: {  	v0 =	vshll.u32 v0, $0xE;
	v1 =	vand.u32 $0xFF, v1;
	v2 =	vand.u32 $0x3F, v2  }
0x23: {  	v0 =	vand.u32 $0x4000, v0;
	v1 =	vsel vm1, $0xFFFFFFFF, v1;
	v2 =	vsel vm1, $0xFFFFFFFF, v2  }
0x24: {  	v0 =	vsel vm1, $0xFFFFC000, v0;
	v3 =	vand.u32 $0x7F, v1;
	v4 =	vshll.u32 v2, $0x8  }
0x25: {  	v1 =	vshll.u32 v1, $0x3;
	v4 =	vand.u32 $0xFFFFF800, v4;
	v0 =	vor.u32 v0, v3  }
0x26: {  	v2 =	vshll.u32 v2, $0x7;
	v1 =	vand.u32 $0xFFFFFC00, v1;
	v0 =	vadd.s32 v4, v0  }
0x27: {  	v2 =	vand.u32 $0x380, v2;
	v0 =	vadd.s32 v1, v0  }
0x28: {  	p1 =	por p0, p0;
	v0 =	vor.u32 v2, v0  }
.Ltmp3:
0x29: {  	_ = 	snop;
	(pc) =	sbr.rel @p1 .LBB2_3-.Ltmp3, $4  }
0x2a: {  	_ = 	snop  }
0x2b: {  	s31 =	sadd.s32 s16, s14  }
0x2c: {  	s16 =	simm.s32 $0x10;
	p0 =	por $0x0, $0x0;
	(ifvalue) =	ssetifvalue $0x7FFFFFFF  }
0x2d: {  	[tilespmem:s31], [sflag:$0x1] =	stream.indirect_vreg.gather [hbm4b:s3+s10], $0x1, v0, vm0, $0x4038;
	[tilespmem:$0x80] =	vst v63  }
.Ltmp4:
0x2e: {  	(pc) =	sbr.rel .LBB2_5-.Ltmp4, $4  }
0x2f: {  	_ =	swait.ge [sflag:s5], $0x20  }
0x30: {  	s15 =	sshrl.u32 s13, $0x3;
	[sflag:s5] =	ssyncset.done $0x0  }
0x31: {  	s31 =	sand.u32 $0x7, s13;
	s15 =	sadd.s32 s8, s15;
	[sflag:s5] =	ssyncadd.s32 $0xFFFFFFE0  }
0x32: {  	[hbm4b:s15+s31] =	stream.linear.scatter [tilespmem:s14], [sflag:$0x3], $0x20, $0x38;
	[tilespmem:$0x80] =	vst v63  }
.LBB2_6:
0x33: {  	_ =	sfence.sel $0x180000  }
0x34: {  	s2 =	simm.s32 $0x2;
	[bflag:$0x0] =	sbarrier.arrive $0xFFFF  }
0x35: {  	s30 =	simm.s32 $0x3;
	[sflag:s2] =	ssyncpa.u1 $0x1  }
0x36: {  	s31 =	simm.s32 $0x1;
	[sflag:s30] =	ssyncpa.u1 $0x1  }
0x37: {  	[sflag:s31] =	ssyncpa.u1 $0x1  }
0x38: {  	p0 =	sne.s32 s0, $0x0;
	_ =	strace $0x90000053  }
0x39: {  	s0 =	sadd.s32 @!p0 $0x100000, s1;
	[bflag:$0x2] =	sbarrier.arrive $0xFFFF  }
0x3a: {  	[sflag:s0] =	ssyncadd.tile.s32 @!p0 $0x1;
	_ =	shalt  }
.Lfunc_end2:
_tile_overlayer_lowered:
.L_overlay_start_2:
0x3b: {  	(tag) =	ssettag $0x2  }
0x3c: {  	s0 =	rddreg [dreg:$0x0];
	s2 =	stileid.u32  }
0x3d: {  	s1 =	rddreg [dreg:$0x1];
	p0 =	sne.s32 s2, $0x0  }
0x3e: {  	s3 =	rddreg [dreg:$0x2];
	[bflag:$0x3] =	sbarrier.arrive $0xFFFF;
	s2 =	simm.s32 @!p0 $0x1C01  }
0x3f: {  	[timem:s3], [sflag:s2] =	dma.local @!p0 [hbm:s0], s1  }
0x40: {  	s0 =	simm.s32 @!p0 $0x1  }
0x41: {  	_ =	swait.ge @!p0 [sflag:s0], s1  }
0x42: {  	s1 =	ssub.s32 @!p0 $0x0, s1;
	[sflag:s0] =	ssyncset.done @!p0 $0x0  }
0x43: {  	[sflag:s0] =	ssyncadd.s32 @!p0 s1  }
0x44: {  	[bflag:$0x3] =	sbarrier.arrive $0xFFFF  }
0x45: {  	_ =	shalt  }

// kernel: gather_offload_async_start.4
scs
__scs_entry_jumppad:
0x0: {  	(pc) =	sbr.rel $0x88, $3  }
0x1: {  	(tag) =	ssettag $0x0;
	lr =	simm.s32 $0x1  }
0x2: {  	[smem:$0x3F10] =	sst lr;
	_ =	strace $0xD0000000  }
0x3: {  	_ = 	snop  }
0x4: {  	_ = 	snop  }
0x5: {  	_ = 	snop  }
0x6: {  	_ = 	snop  }
0x7: {  	_ = 	snop  }
__scs_overlays_trampoline_lowered:
0x8: {  	[smem:$0x3F1F] =	sst s0  }
0x9: {  	[smem:$0x3F20] =	sst s1  }
0xa: {  	[smem:$0x3F21] =	sst s2  }
0xb: {  	[smem:$0x3F22] =	sst s3  }
0xc: {  	[smem:$0x3F23] =	sst s4  }
0xd: {  	[smem:$0x3F24] =	sst s5  }
0xe: {  	[smem:$0x3F25] =	sst s6  }
0xf: {  	[smem:$0x3F26] =	sst s7  }
0x10: {  	[smem:$0x3F27] =	sst s8  }
0x11: {  	[smem:$0x3F28] =	sst s9;
	s0 =	simm.s32 @!p0 $0x0  }
0x12: {  	s1 =	sld [smem:$0x3F0E];
	s0 =	simm.s32 @p0 $0x1  }
0x13: {  	[smem:$0x3F29] =	sst s0;
	s0 =	simm.s32 @!p1 $0x0  }
0x14: {  	s2 =	sld [smem:$0x3F0D];
	s0 =	simm.s32 @p1 $0x1  }
0x15: {  	[smem:$0x3F2A] =	sst s0;
	s0 =	simm.s32 @!p2 $0x0  }
0x16: {  	s3 =	sld [smem:$0x3FDB];
	s0 =	simm.s32 @p2 $0x1  }
0x17: {  	s4 =	simm.s32 $0x1BF5;
	[smem:$0x3F2C] =	sst s0  }
0x18: {  	s0 =	sld [smem:$0x3F0F];
	_ =	swait.ge [sflag:s4], $0x0  }
0x19: {  	s7 =	sld [smem:$0x3F10]  }
0x1a: {  	s8 =	sadd.s32 $0xFFFFE003, lr  }
0x1b: {  	s9 =	sadd.s32 $0xFFFFFEF7, lr;
	s5 =	simm.s32 $0xFFFFFFFF;
	p2 =	slt.u32 s8, $0xFFFFF086  }
0x1c: {  	p1 =	slt.u32 s9, $0xF7A;
	s5 =	simm.s32 @!p2 $0x0  }
0x1d: {  	s5 =	simm.s32 @p1 $0x1;
	p0 =	seq.s32 s7, s2  }
0x1e: {  	s7 =	smul.u32 @!p0 $0xF7A, s2;
	p2 =	seq.s32 @!p0 s5, $0x0  }
0x1f: {  	s9 =	smul.u32 $0xF7A, s1;
	s8 =	simm.s32 @!p0 $0x1BF5;
	p2 =	por !p2, p0  }
0x20: {  	[sflag:s8] =	ssyncset.s32 @!p0 $0xFFFFF086;
	s6 =	sadd.s32 @!p0 s3, s7;
	s7 =	simm.s32 @!p0 $0x108  }
0x21: {  	s3 =	sadd.s32 s3, s9;
	s6 =	sadd.s32 @!p0 $0x88, s6;
	s7 =	simm.s32 @p2 $0x1082  }
0x22: {  	[simem:s7], [sflag:s8] =	dma.local @!p0 [hbm:s6], $0xF7A  }
0x23: {  	s9 =	sor.u32 $0xD0000000, s2;
	s6 =	simm.s32 $0x108;
	_ =	swait.ge @!p0 [sflag:s8], $0x0  }
0x24: {  	s3 =	sadd.s32 $0x88, s3;
	s6 =	simm.s32 @!p1 $0x1082;
	[sflag:s4] =	ssyncset.s32 $0xFFFFF086  }
0x25: {  	[simem:s6], [sflag:s4] =	dma.local [hbm:s3], $0xF7A  }
0x26: {  	[smem:$0x3F10] =	sst s1;
	(tag) =	ssettag s2;
	_ =	strace s9  }
0x27: {  	s1 =	sld [smem:$0x3F20]  }
0x28: {  	s2 =	sld [smem:$0x3F21]  }
0x29: {  	s4 =	sld [smem:$0x3F23]  }
0x2a: {  	p0 =	seq.s32 s5, $0x0;
	s5 =	sld [smem:$0x3F24]  }
0x2b: {  	s6 =	sld [smem:$0x3F25]  }
0x2c: {  	s7 =	sld [smem:$0x3F26]  }
0x2d: {  	s3 =	simm.s32 $0x108;
	s8 =	sld [smem:$0x3F27]  }
0x2e: {  	s3 =	simm.s32 @!p0 $0x1082;
	s9 =	sld [smem:$0x3F28]  }
0x2f: {  	lr =	sadd.s32 s0, s3;
	s0 =	sld [smem:$0x3F1F]  }
0x30: {  	s3 =	sld [smem:$0x3F22]  }
0x31: {  	[smem:$0x3F2B] =	sst s10  }
0x32: {  	s10 =	sld [smem:$0x3F29];
	_ =	sdelay $0x3  }
0x33: {  	p0 =	seq.s32 s10, $0x1;
	s10 =	sld [smem:$0x3F2B];
	_ =	sdelay $0x3  }
0x34: {  	[smem:$0x3F2B] =	sst s10  }
0x35: {  	s10 =	sld [smem:$0x3F2A];
	_ =	sdelay $0x3  }
0x36: {  	p1 =	seq.s32 s10, $0x1;
	s10 =	sld [smem:$0x3F2B];
	_ =	sdelay $0x3  }
0x37: {  	[smem:$0x3F2B] =	sst s10  }
0x38: {  	s10 =	sld [smem:$0x3F2C]  }
0x39: {  	_ = 	snop;
	(pc) =	sbr.ind lr, $3  }
0x3a: {  	_ = 	snop  }
0x3b: {  	_ = 	snop  }
0x3c: {  	p2 =	seq.s32 s10, $0x1;
	s10 =	sld [smem:$0x3F2B]  }
0x3d: {  	_ =	shalt  }
0x3e: {  	_ =	shalt  }
0x3f: {  	_ =	shalt  }
0x40: {  	_ =	shalt  }
0x41: {  	_ =	shalt  }
0x42: {  	_ =	shalt  }
0x43: {  	_ =	shalt  }
0x44: {  	_ =	shalt  }
0x45: {  	_ =	shalt  }
0x46: {  	_ =	shalt  }
0x47: {  	_ =	shalt  }
0x48: {  	_ =	shalt  }
0x49: {  	_ =	shalt  }
0x4a: {  	_ =	shalt  }
0x4b: {  	_ =	shalt  }
0x4c: {  	_ =	shalt  }
0x4d: {  	_ =	shalt  }
0x4e: {  	_ =	shalt  }
0x4f: {  	_ =	shalt  }
0x50: {  	_ =	shalt  }
0x51: {  	_ =	shalt  }
0x52: {  	_ =	shalt  }
0x53: {  	_ =	shalt  }
0x54: {  	_ =	shalt  }
0x55: {  	_ =	shalt  }
0x56: {  	_ =	shalt  }
0x57: {  	_ =	shalt  }
0x58: {  	_ =	shalt  }
0x59: {  	_ =	shalt  }
0x5a: {  	_ =	shalt  }
0x5b: {  	_ =	shalt  }
0x5c: {  	_ =	shalt  }
0x5d: {  	_ =	shalt  }
0x5e: {  	_ =	shalt  }
0x5f: {  	_ =	shalt  }
0x60: {  	_ =	shalt  }
0x61: {  	_ =	shalt  }
0x62: {  	_ =	shalt  }
0x63: {  	_ =	shalt  }
0x64: {  	_ =	shalt  }
0x65: {  	_ =	shalt  }
0x66: {  	_ =	shalt  }
0x67: {  	_ =	shalt  }
0x68: {  	_ =	shalt  }
0x69: {  	_ =	shalt  }
0x6a: {  	_ =	shalt  }
0x6b: {  	_ =	shalt  }
0x6c: {  	_ =	shalt  }
0x6d: {  	_ =	shalt  }
0x6e: {  	_ =	shalt  }
0x6f: {  	_ =	shalt  }
0x70: {  	_ =	shalt  }
0x71: {  	_ =	shalt  }
0x72: {  	_ =	shalt  }
0x73: {  	_ =	shalt  }
0x74: {  	_ =	shalt  }
0x75: {  	_ =	shalt  }
0x76: {  	_ =	shalt  }
0x77: {  	_ =	shalt  }
0x78: {  	_ =	shalt  }
0x79: {  	_ =	shalt  }
0x7a: {  	_ =	shalt  }
0x7b: {  	_ =	shalt  }
0x7c: {  	_ =	shalt  }
0x7d: {  	_ =	shalt  }
0x7e: {  	_ =	shalt  }
0x7f: {  	_ =	shalt  }
0x80: {  	_ =	shalt  }
0x81: {  	_ =	shalt  }
0x82: {  	_ =	shalt  }
0x83: {  	_ =	shalt  }
0x84: {  	_ =	shalt  }
0x85: {  	_ =	shalt  }
0x86: {  	_ =	shalt  }
0x87: {  	_ =	shalt  }
.Lfunc_end0:
.L_simem_size_0:
called_computation.6_lowered:
.L_overlay_start_0:
0x88: {  	s2 =	sld [smem:$0x3FD9]  }
0x89: {  	s3 =	sld [smem:$0x3FFE];
	_ =	sdelay $0x1  }
0x8a: {  	s1 =	srdreg.scid  }
0x8b: {  	s0 =	sand.u32 $0x1, s1  }
0x8c: {  	s17 =	sshll.u32 s0, $0xA;
	s2 =	sadd.s32 s3, s2  }
0x8d: {  	s2 =	sadd.s32 s2, s17  }
0x8e: {  	[smem:$0x3F37] =	sst s2  }
0x8f: {  	_ = 	snop  }
0x90: {  	(tm) =	ssettm $0x1  }
0x91: {  	s18 =	sld [smem:$0x3FFB];
	_ =	sdelay $0x3  }
0x92: {  	_ =	strace s18  }
0x93: {  	s2 =	sld [smem:$0x3FFC];
	_ =	sdelay $0x3  }
0x94: {  	_ =	strace s2  }
0x95: {  	s2 =	sld [smem:$0x3FFD];
	_ =	sdelay $0x3  }
0x96: {  	_ =	strace s2  }
0x97: {  	_ =	strace $0x8FFFFFFF  }
0x98: {  	s19 =	sld [smem:$0x3FDB];
	_ =	sdelay $0x1  }
0x99: {  	s20 =	simm.s32 $_scs_section_size  }
0x9a: {  	s4 =	simm.s32 $_size__tile_overlayer_lowered;
	s5 =	simm.s32 $_tile_overlayer_lowered  }
0x9b: {  	s6 =	simm.s32 $0x1BFF;
	s21 =	sshll.u32 s5, $0x1;
	s3 =	sadd.s32 s20, s19  }
0x9c: {  	s22 =	simm.s32 $0x0;
	s4 =	sshll.u32 s4, $0x1;
	s5 =	sadd.s32 s21, s3  }
0x9d: {  	[timem:s22], [sflag:s6] =	dma.local [hbm:s5], s4  }
0x9e: {  	_ =	swait.ge [sflag:s6], s4  }
0x9f: {  	s4 =	ssub.s32 $0x0, s4;
	[sflag:s6] =	ssyncset.done $0x0  }
0xa0: {  	[sflag:s6] =	ssyncadd.s32 s4;
	_ =	sdelay $0x1  }
0xa1: {  	s23 =	simm.s32 $0x1B8B  }
0xa2: {  	_ =	swait.ge [sflag:s23], $0x1  }
0xa3: {  	[sflag:s23] =	ssyncset.done $0x0  }
0xa4: {  	[sflag:s23] =	ssyncadd.s32 $0xFFFFFFFF  }
0xa5: {  	s4 =	sld [smem:$0x0]  }
0xa6: {  	s5 =	sand.u32 $0xFFFFFFFE, s1  }
0xa7: {  	p0 =	sne.s32 s1, s5  }
0xa8: {  	s5 =	sshll.u32 @p0 s5, $0xE  }
0xa9: {  	s5 =	sadd.s32 @p0 $0x11B8D, s5;
	s6 =	sshll.u32 @p0 s4, $0x11  }
0xaa: {  	s5 =	sor.u32 @p0 s6, s5  }
0xab: {  	[sflag:s5] =	ssyncadd.remote.s32 @p0 $0x1;
	_ =	sdelay $0x1  }
0xac: {  	s5 =	simm.s32 @p0 $0x1B8D  }
0xad: {  	_ =	swait.eq @p0 [sflag:s5], $0x1  }
0xae: {  	[sflag:s5] =	ssyncadd.s32 @p0 $0xFFFFFFFF  }
0xaf: {  	s6 =	sshll.u32 @!p0 s1, $0xE  }
0xb0: {  	s6 =	sor.u32 @!p0 $0x4000, s6;
	s5 =	simm.s32 @!p0 $0x1B8D  }
0xb1: {  	s4 =	sshll.u32 @!p0 s4, $0x11;
	s6 =	sadd.s32 @!p0 $0x11B8D, s6;
	_ =	swait.eq @!p0 [sflag:s5], $0x1  }
0xb2: {  	s4 =	sor.u32 @!p0 s4, s6;
	[sflag:s5] =	ssyncadd.s32 @!p0 $0xFFFFFFFF  }
0xb3: {  	s25 =	simm.s32 $0x1B8E;
	s24 =	sld [smem:$0x3FFE];
	[sflag:s4] =	ssyncadd.remote.s32 @!p0 $0x1  }
0xb4: {  	s26 =	simm.s32 $execute0_lowered;
	[smem:$0x3FD2] =	sst s25  }
0xb5: {  	s5 =	sshll.u32 s26, $0x1;
	_ =	strace $0x80000055;
	[dreg:$0x1] =	wrdreg $0xFFFFFFFF  }
0xb6: {  	s28 =	simm.s32 $_size_execute0_lowered;
	s3 =	sadd.s32 s3, s5;
	[dreg:$0x0] =	wrdreg $0x0  }
0xb7: {  	s5 =	sshll.u32 s28, $0x1;
	[dreg:$0x2] =	wrdreg s3  }
0xb8: {  	[dreg:$0x3] =	wrdreg s5  }
0xb9: {  	[dreg:$0x4] =	wrdreg $0xC0  }
0xba: {  	_ =	task [dreg:s22], $0x5FFFF  }
0xbb: {  	[dreg:$0x1] =	wrdreg $0xFFFFFFFF  }
0xbc: {  	[dreg:$0x0] =	wrdreg $0x60  }
0xbd: {  	[dreg:$0x2] =	wrdreg s24  }
0xbe: {  	[dreg:$0x3] =	wrdreg $0xC  }
0xbf: {  	_ =	task.clear_ibuf [dreg:s22], $0x4FFFF;
	_ =	strace $0x90000055  }
0xc0: {  	s29 =	simm.s32 $0xC;
	_ =	strace $0x80000057  }
0xc1: {  	_ =	swait.ge [sflag:s29], $0x1  }
0xc2: {  	[sflag:s29] =	ssyncadd.s32 $0xFFFFFFFF  }
0xc3: {  	_ =	strace $0x90000057  }
0xc4: {  	_ =	sfence  }
0xc5: {  	s30 =	sld [smem:$0x0];
	_ =	sdelay $0x2  }
0xc6: {  	s31 =	sshll.u32 s1, $0xD;
	s1 =	sshrl.u32 s1, $0x2  }
0xc7: {  	s4 =	sand.u32 $0x4000, s31;
	s1 =	sadd.s32 s1, s30  }
0xc8: {  	s0 =	sor.u32 s4, s0;
	s1 =	sshll.u32 s1, $0x11  }
0xc9: {  	s0 =	sor.u32 s1, s0  }
0xca: {  	s0 =	sadd.s32 $0x8F2B, s0  }
0xcb: {  	[sflag:s0] =	ssyncadd.remote.s32 $0x1  }
0xcc: {  	_ =	sfence.sel $0xFFFF  }
0xcd: {  	[dreg:$0x0] =	wrdreg $0xFFFFFFFF;
	(pc) =	sbr.abs _section_cstart, $3  }
0xce: {  	[dreg:$0x1] =	wrdreg $0xFFFFFFFF  }
0xcf: {  	_ =	task.clear_ibuf [dreg:s22], $0x2FFFF;
	_ =	strace $0x9FFFFFFF  }
0xd0: {  	(tm) =	ssettm $0x7FFFFFFF  }
0xd1: {  	_ =	shalt  }
tec
execute0_lowered:
.L_overlay_start_1:
0x0: {  	(tag) =	ssettag $0x1  }
0x1: {  	s0 =	srdreg.scid;
	s5 =	rddreg [dreg:$0x0]  }
0x2: {  	s1 =	stileid.u32;
	s6 =	simm.s32 $0x1;
	s9 =	simm.s32 $0x1  }
0x3: {  	s10 =	simm.s32 $0x3;
	s13 =	simm.s32 $0x0;
	s2 =	sshll.u32 s0, $0x7  }
0x4: {  	s12 =	simm.s32 $0x0;
	s3 =	sshll.u32 s1, $0x8;
	s2 =	sand.u32 $0x80, s2  }
0x5: {  	s0 =	rddreg [dreg:$0x1];
	_ =	strace $0x80000056;
	s2 =	sor.u32 s3, s2  }
0x6: {  	s4 =	sadd.s32 $0x3DC00, s5;
	[sflag:s6] =	ssyncpa.u1 $0x0;
	s8 =	ssub.s32 $0x1800, s2  }
.Ltmp0:
0x7: {  	s3 =	sadd.s32 $0x1B800, s5;
	s7 =	sand.u32 $0xF80, s8;
	(pc) =	sbr.rel .LBB2_1-.Ltmp0, $4  }
0x8: {  	s5 =	sadd.s32 $0x3E800, s5;
	s11 =	smov.u32 s2;
	p0 =	sne.s32 s7, $0x0  }
0x9: {  	s8 =	sshrl.u32 s8, $0xC;
	s7 =	simm.s32 $0x2;
	s9 =	simm.s32 @!p0 $0x0  }
0xa: {  	[sflag:s7] =	ssyncpa.u1 $0x0;
	p0 =	por $0x0, $0x0;
	s8 =	sadd.s32 s9, s8  }
0xb: {  	vm0 =	vmmov $0xffff;
	[sflag:s10] =	ssyncpa.u1 $0x0;
	s10 =	simm.s32 $0x0;
	s9 =	sadd.s32 $0x1, s8  }
.LBB2_4:
0xc: {  	v3 =	vshrl.u32 v0, $0x1;
	v4 =	vshrl.u32 v0, $0xB;
	v1 =	vor.u32 v1, v2  }
0xd: {  	v62 =	vshll.u32 v0, $0x12;
	v60 =	vand.u32 $0x3FF, v3;
	v61 =	vand.u32 $0xFF, v4  }
0xe: {  	v0 =	vand.u32 $0x40000, v62;
	v2 =	vsel vm1, $0xFFFFFFFF, v60;
	v3 =	vsel vm1, $0xFFFFFFFF, v61  }
0xf: {  	v0 =	vsel vm1, $0xFFFC0000, v0;
	v63 =	vand.u32 $0x7F, v3;
	v5 =	vshll.u32 v2, $0x8  }
0x10: {  	v3 =	vshll.u32 v3, $0x3;
	v5 =	vand.u32 $0xFFFFF800, v5;
	v0 =	vor.u32 v0, v63  }
0x11: {  	v2 =	vshll.u32 v2, $0x7;
	v3 =	vand.u32 $0xFFFFFC00, v3;
	v0 =	vadd.s32 v5, v0  }
0x12: {  	v2 =	vand.u32 $0x380, v2;
	v0 =	vadd.s32 v3, v0  }
0x13: {  	v0 =	vor.u32 v2, v0;
	_ =	sdelay $0x1  }
0x14: {  	(ifvalue) =	ssetifvalue $0x7FFFFFFF;
	s14 =	sadd.s32 $0x10, s14  }
0x15: {  	[tilespmem:s14], [sflag:$0x1] =	stream.indirect_vreg.gather [hbm4b:s3+s10], $0x1, v1, vm0, $0x4038;
	[tilespmem:$0x200] =	vst v63  }
0x16: {  	(ifvalue) =	ssetifvalue $0x7FFFFFFF;
	s14 =	sadd.s32 $0x10, s14  }
0x17: {  	[tilespmem:s14], [sflag:$0x1] =	stream.indirect_vreg.gather [hbm4b:s3+s10], $0x1, v0, vm0, $0x4038;
	[tilespmem:$0x200] =	vst v63  }
0x18: {  	_ =	swait.ge [sflag:s6], $0x80  }
0x19: {  	s30 =	sshrl.u32 s13, $0x3;
	[sflag:s6] =	ssyncset.done $0x0  }
0x1a: {  	s31 =	sand.u32 $0x7, s13;
	s14 =	sadd.s32 s5, s30;
	[sflag:s6] =	ssyncadd.s32 $0xFFFFFF80  }
0x1b: {  	[hbm4b:s14+s31] =	stream.linear.scatter [tilespmem:s15], [sflag:$0x3], $0x80, $0x38;
	[tilespmem:$0x200] =	vst v63  }
.LBB2_5:
0x1c: {  	s15 =	sadd.s32 $0x1000, s11  }
0x1d: {  	p2 =	sgt.s32 s15, $0x17FF  }
0x1e: {  	s15 =	smov.u32 @p2 s2;
	p2 =	sne.s32 s12, s9  }
.Ltmp1:
0x1f: {  	p1 =	slt.u32 s12, $0x2;
	(pc) =	sbr.rel @!p2 .LBB2_6-.Ltmp1, $4  }
0x20: {  	s14 =	simm.s32 @!p1 $0x3  }
0x21: {  	s16 =	sadd.s32 $0x1, s12;
	_ =	swait.ge @!p1 [sflag:s14], $0x80  }
0x22: {  	s13 =	smov.u32 s11;
	p0 =	por !p0, !p0;
	[sflag:s14] =	ssyncset.done @!p1 $0x0  }
0x23: {  	s12 =	smov.u32 s16;
	s11 =	smov.u32 s15;
	[sflag:s14] =	ssyncadd.s32 @!p1 $0xFFFFFF80  }
.LBB2_1:
0x24: {  	p1 =	sge.u32 s12, s8  }
0x25: {  	s14 =	sxor.u32 @!p1 $0xFFFFFFFF, s12  }
0x26: {  	s31 =	sadd.s32 $0xFFFFFFFF, s12;
	s15 =	sshrl.u32 @!p1 s11, $0x3;
	s14 =	sshll.u32 @!p1 s14, $0x7  }
0x27: {  	s16 =	sand.u32 @!p1 $0x7, s11;
	s15 =	sadd.s32 @!p1 s4, s15;
	s14 =	sand.u32 @!p1 $0x80, s14  }
0x28: {  	[tilespmem:s14], [sflag:$0x2] =	stream.linear.gather @!p1 [hbm4b:s15+s16], $0x80, $0x38;
	[tilespmem:$0x200] =	vst v63  }
0x29: {  	p1 =	sge.u32 s31, s8  }
.Ltmp2:
0x2a: {  	_ = 	snop;
	(pc) =	sbr.rel @p1 .LBB2_5-.Ltmp2, $1  }
0x2b: {  	_ =	sdelay $0x3  }
0x2c: {  	s14 =	simm.s32 $0x1  }
0x2d: {  	_ =	swait.ge [sflag:s7], $0x80;
	s14 =	simm.s32 @!p0 $0x0  }
0x2e: {  	[sflag:s7] =	ssyncset.done $0x0;
	s14 =	sshll.u32 s14, $0x7  }
0x2f: {  	[sflag:s7] =	ssyncadd.s32 $0xFFFFFF80;
	(ifvalue) =	ssetifvalue $0x7FFFFFFF;
	v0 =	vld.msk [tilespmem:s14+$0x0 ss:$0x1], $0xffff;
	_ =	sdelay $0x4  }
0x30: {  	s15 =	sadd.s32 $0x10, s14;
	vm1 =	veq.s32 v0, $0x80000000;
	v1 =	vshrl.u32 v0, $0x1;
	v2 =	vshrl.u32 v0, $0xB  }
0x31: {  	v3 =	vld.msk [tilespmem:s15+$0x0 ss:$0x1], $0xffff;
	v0 =	vshll.u32 v0, $0x12;
	v1 =	vand.u32 $0x3FF, v1;
	v2 =	vand.u32 $0xFF, v2  }
0x32: {  	v0 =	vand.u32 $0x40000, v0;
	v1 =	vsel vm1, $0xFFFFFFFF, v1;
	v2 =	vsel vm1, $0xFFFFFFFF, v2  }
0x33: {  	v0 =	vsel vm1, $0xFFFC0000, v0;
	v4 =	vand.u32 $0x7F, v2;
	v5 =	vshll.u32 v1, $0x8  }
0x34: {  	v2 =	vshll.u32 v2, $0x3;
	v5 =	vand.u32 $0xFFFFF800, v5;
	v0 =	vor.u32 v0, v4  }
0x35: {  	v1 =	vshll.u32 v1, $0x7;
	v2 =	vand.u32 $0xFFFFFC00, v2;
	v0 =	vadd.s32 v5, v0  }
0x36: {  	v62 =	vshrl.u32 v3, $0xB;
	v1 =	vand.u32 $0x380, v1;
	v0 =	vadd.s32 v2, v0  }
0x37: {  	s17 =	sadd.s32 $0x10, s15;
	vm1 =	veq.s32 v3, $0x80000000;
	v2 =	vshrl.u32 v3, $0x1;
	v1 =	vor.u32 v1, v0  }
0x38: {  	v4 =	vand.u32 $0xFF, v62;
	v3 =	vshll.u32 v3, $0x12;
	v0 =	vld.msk [tilespmem:s17+$0x0 ss:$0x1], $0xffff;
	v2 =	vand.u32 $0x3FF, v2  }
0x39: {  	v4 =	vsel vm1, $0xFFFFFFFF, v4;
	v3 =	vand.u32 $0x40000, v3;
	v2 =	vsel vm1, $0xFFFFFFFF, v2  }
0x3a: {  	s31 =	sshll.u32 s12, $0x7;
	v63 =	vand.u32 $0x7F, v4;
	v3 =	vsel vm1, $0xFFFC0000, v3;
	v6 =	vshll.u32 v2, $0x8  }
0x3b: {  	s14 =	sor.u32 $0x100, s14;
	s15 =	sand.u32 $0x80, s31;
	v4 =	vshll.u32 v4, $0x3;
	(ifvalue) =	ssetifvalue $0x7FFFFFFF;
	v3 =	vor.u32 v3, v63;
	v6 =	vand.u32 $0xFFFFF800, v6  }
0x3c: {  	v4 =	vand.u32 $0xFFFFFC00, v4;
	[tilespmem:s14], [sflag:$0x1] =	stream.indirect_vreg.gather [hbm4b:s3+s10], $0x1, v1, vm0, $0x4038;
	v1 =	vshll.u32 v2, $0x7;
	v2 =	vadd.s32 v6, v3;
	[tilespmem:$0x200] =	vst v63  }
0x3d: {  	s16 =	simm.s32 $0x20;
	s15 =	sor.u32 $0x100, s15;
	s17 =	sadd.s32 $0x10, s17;
	vm1 =	veq.s32 v0, $0x80000000;
	v1 =	vand.u32 $0x380, v1;
	v2 =	vadd.s32 v4, v2  }
.LBB2_3:
0x3e: {  	v3 =	vld.msk [tilespmem:s17+$0x0 ss:$0x1], $0xffff;
	v4 =	vshrl.u32 v0, $0x1;
	v5 =	vshrl.u32 v0, $0xB;
	v1 =	vor.u32 v1, v2;
	s16 =	sadd.s32 $0x10, s16  }
0x3f: {  	v0 =	vshll.u32 v0, $0x12;
	v2 =	vand.u32 $0x3FF, v4;
	v4 =	vand.u32 $0xFF, v5;
	p1 =	slt.u32 s16, $0x70  }
.Ltmp3:
0x40: {  	v0 =	vand.u32 $0x40000, v0;
	v2 =	vsel vm1, $0xFFFFFFFF, v2;
	v4 =	vsel vm1, $0xFFFFFFFF, v4;
	(pc) =	sbr.rel @p1 .LBB2_3-.Ltmp3, $4  }
0x41: {  	v0 =	vsel vm1, $0xFFFC0000, v0;
	v5 =	vand.u32 $0x7F, v4;
	v6 =	vshll.u32 v2, $0x8  }
0x42: {  	s14 =	sadd.s32 $0x10, s14;
	v4 =	vshll.u32 v4, $0x3;
	v6 =	vand.u32 $0xFFFFF800, v6;
	v7 =	vor.u32 v0, v5;
	(ifvalue) =	ssetifvalue $0x7FFFFFFF  }
0x43: {  	v2 =	vshll.u32 v2, $0x7;
	v4 =	vand.u32 $0xFFFFFC00, v4;
	v5 =	vadd.s32 v6, v7;
	[tilespmem:s14], [sflag:$0x1] =	stream.indirect_vreg.gather [hbm4b:s3+s10], $0x1, v1, vm0, $0x4038;
	[tilespmem:$0x200] =	vst v63  }
0x44: {  	s17 =	sadd.s32 $0x10, s17;
	vm1 =	veq.s32 v3, $0x80000000;
	v1 =	vand.u32 $0x380, v2;
	v0 =	vmovc v3;
	v2 =	vadd.s32 v4, v5  }
.Ltmp4:
0x45: {  	_ = 	snop;
	(pc) =	sbr.rel .LBB2_4-.Ltmp4, $1  }
0x46: {  	_ =	sdelay $0x3  }
.LBB2_6:
0x47: {  	_ =	sfence.sel $0x180000  }
0x48: {  	s2 =	simm.s32 $0x2;
	[bflag:$0x0] =	sbarrier.arrive $0xFFFF  }
0x49: {  	s30 =	simm.s32 $0x3;
	[sflag:s2] =	ssyncpa.u1 $0x1  }
0x4a: {  	s31 =	simm.s32 $0x1;
	[sflag:s30] =	ssyncpa.u1 $0x1  }
0x4b: {  	[sflag:s31] =	ssyncpa.u1 $0x1  }
0x4c: {  	p0 =	sne.s32 s1, $0x0;
	_ =	strace $0x90000056  }
0x4d: {  	s0 =	sadd.s32 @!p0 $0x100000, s0;
	[bflag:$0x2] =	sbarrier.arrive $0xFFFF  }
0x4e: {  	[sflag:s0] =	ssyncadd.tile.s32 @!p0 $0x1;
	_ =	shalt  }
.Lfunc_end2:
_tile_overlayer_lowered:
.L_overlay_start_2:
0x4f: {  	(tag) =	ssettag $0x2  }
0x50: {  	s0 =	rddreg [dreg:$0x0];
	s2 =	stileid.u32  }
0x51: {  	s1 =	rddreg [dreg:$0x1];
	p0 =	sne.s32 s2, $0x0  }
0x52: {  	s3 =	rddreg [dreg:$0x2];
	[bflag:$0x3] =	sbarrier.arrive $0xFFFF;
	s2 =	simm.s32 @!p0 $0x1C01  }
0x53: {  	[timem:s3], [sflag:s2] =	dma.local @!p0 [hbm:s0], s1  }
0x54: {  	s0 =	simm.s32 @!p0 $0x1  }
0x55: {  	_ =	swait.ge @!p0 [sflag:s0], s1  }
0x56: {  	s1 =	ssub.s32 @!p0 $0x0, s1;
	[sflag:s0] =	ssyncset.done @!p0 $0x0  }
0x57: {  	[sflag:s0] =	ssyncadd.s32 @!p0 s1  }
0x58: {  	[bflag:$0x3] =	sbarrier.arrive $0xFFFF  }
0x59: {  	_ =	shalt  }

// kernel: gather_offload_async_start.5
scs
__scs_entry_jumppad:
0x0: {  	(pc) =	sbr.rel $0x88, $3  }
0x1: {  	(tag) =	ssettag $0x0;
	lr =	simm.s32 $0x1  }
0x2: {  	[smem:$0x3F10] =	sst lr;
	_ =	strace $0xD0000000  }
0x3: {  	_ = 	snop  }
0x4: {  	_ = 	snop  }
0x5: {  	_ = 	snop  }
0x6: {  	_ = 	snop  }
0x7: {  	_ = 	snop  }
__scs_overlays_trampoline_lowered:
0x8: {  	[smem:$0x3F1F] =	sst s0  }
0x9: {  	[smem:$0x3F20] =	sst s1  }
0xa: {  	[smem:$0x3F21] =	sst s2  }
0xb: {  	[smem:$0x3F22] =	sst s3  }
0xc: {  	[smem:$0x3F23] =	sst s4  }
0xd: {  	[smem:$0x3F24] =	sst s5  }
0xe: {  	[smem:$0x3F25] =	sst s6  }
0xf: {  	[smem:$0x3F26] =	sst s7  }
0x10: {  	[smem:$0x3F27] =	sst s8  }
0x11: {  	[smem:$0x3F28] =	sst s9;
	s0 =	simm.s32 @!p0 $0x0  }
0x12: {  	s1 =	sld [smem:$0x3F0E];
	s0 =	simm.s32 @p0 $0x1  }
0x13: {  	[smem:$0x3F29] =	sst s0;
	s0 =	simm.s32 @!p1 $0x0  }
0x14: {  	s2 =	sld [smem:$0x3F0D];
	s0 =	simm.s32 @p1 $0x1  }
0x15: {  	[smem:$0x3F2A] =	sst s0;
	s0 =	simm.s32 @!p2 $0x0  }
0x16: {  	s3 =	sld [smem:$0x3FDB];
	s0 =	simm.s32 @p2 $0x1  }
0x17: {  	s4 =	simm.s32 $0x1BF5;
	[smem:$0x3F2C] =	sst s0  }
0x18: {  	s0 =	sld [smem:$0x3F0F];
	_ =	swait.ge [sflag:s4], $0x0  }
0x19: {  	s7 =	sld [smem:$0x3F10]  }
0x1a: {  	s8 =	sadd.s32 $0xFFFFE003, lr  }
0x1b: {  	s9 =	sadd.s32 $0xFFFFFEF7, lr;
	s5 =	simm.s32 $0xFFFFFFFF;
	p2 =	slt.u32 s8, $0xFFFFF086  }
0x1c: {  	p1 =	slt.u32 s9, $0xF7A;
	s5 =	simm.s32 @!p2 $0x0  }
0x1d: {  	s5 =	simm.s32 @p1 $0x1;
	p0 =	seq.s32 s7, s2  }
0x1e: {  	s7 =	smul.u32 @!p0 $0xF7A, s2;
	p2 =	seq.s32 @!p0 s5, $0x0  }
0x1f: {  	s9 =	smul.u32 $0xF7A, s1;
	s8 =	simm.s32 @!p0 $0x1BF5;
	p2 =	por !p2, p0  }
0x20: {  	[sflag:s8] =	ssyncset.s32 @!p0 $0xFFFFF086;
	s6 =	sadd.s32 @!p0 s3, s7;
	s7 =	simm.s32 @!p0 $0x108  }
0x21: {  	s3 =	sadd.s32 s3, s9;
	s6 =	sadd.s32 @!p0 $0x88, s6;
	s7 =	simm.s32 @p2 $0x1082  }
0x22: {  	[simem:s7], [sflag:s8] =	dma.local @!p0 [hbm:s6], $0xF7A  }
0x23: {  	s9 =	sor.u32 $0xD0000000, s2;
	s6 =	simm.s32 $0x108;
	_ =	swait.ge @!p0 [sflag:s8], $0x0  }
0x24: {  	s3 =	sadd.s32 $0x88, s3;
	s6 =	simm.s32 @!p1 $0x1082;
	[sflag:s4] =	ssyncset.s32 $0xFFFFF086  }
0x25: {  	[simem:s6], [sflag:s4] =	dma.local [hbm:s3], $0xF7A  }
0x26: {  	[smem:$0x3F10] =	sst s1;
	(tag) =	ssettag s2;
	_ =	strace s9  }
0x27: {  	s1 =	sld [smem:$0x3F20]  }
0x28: {  	s2 =	sld [smem:$0x3F21]  }
0x29: {  	s4 =	sld [smem:$0x3F23]  }
0x2a: {  	p0 =	seq.s32 s5, $0x0;
	s5 =	sld [smem:$0x3F24]  }
0x2b: {  	s6 =	sld [smem:$0x3F25]  }
0x2c: {  	s7 =	sld [smem:$0x3F26]  }
0x2d: {  	s3 =	simm.s32 $0x108;
	s8 =	sld [smem:$0x3F27]  }
0x2e: {  	s3 =	simm.s32 @!p0 $0x1082;
	s9 =	sld [smem:$0x3F28]  }
0x2f: {  	lr =	sadd.s32 s0, s3;
	s0 =	sld [smem:$0x3F1F]  }
0x30: {  	s3 =	sld [smem:$0x3F22]  }
0x31: {  	[smem:$0x3F2B] =	sst s10  }
0x32: {  	s10 =	sld [smem:$0x3F29];
	_ =	sdelay $0x3  }
0x33: {  	p0 =	seq.s32 s10, $0x1;
	s10 =	sld [smem:$0x3F2B];
	_ =	sdelay $0x3  }
0x34: {  	[smem:$0x3F2B] =	sst s10  }
0x35: {  	s10 =	sld [smem:$0x3F2A];
	_ =	sdelay $0x3  }
0x36: {  	p1 =	seq.s32 s10, $0x1;
	s10 =	sld [smem:$0x3F2B];
	_ =	sdelay $0x3  }
0x37: {  	[smem:$0x3F2B] =	sst s10  }
0x38: {  	s10 =	sld [smem:$0x3F2C]  }
0x39: {  	_ = 	snop;
	(pc) =	sbr.ind lr, $3  }
0x3a: {  	_ = 	snop  }
0x3b: {  	_ = 	snop  }
0x3c: {  	p2 =	seq.s32 s10, $0x1;
	s10 =	sld [smem:$0x3F2B]  }
0x3d: {  	_ =	shalt  }
0x3e: {  	_ =	shalt  }
0x3f: {  	_ =	shalt  }
0x40: {  	_ =	shalt  }
0x41: {  	_ =	shalt  }
0x42: {  	_ =	shalt  }
0x43: {  	_ =	shalt  }
0x44: {  	_ =	shalt  }
0x45: {  	_ =	shalt  }
0x46: {  	_ =	shalt  }
0x47: {  	_ =	shalt  }
0x48: {  	_ =	shalt  }
0x49: {  	_ =	shalt  }
0x4a: {  	_ =	shalt  }
0x4b: {  	_ =	shalt  }
0x4c: {  	_ =	shalt  }
0x4d: {  	_ =	shalt  }
0x4e: {  	_ =	shalt  }
0x4f: {  	_ =	shalt  }
0x50: {  	_ =	shalt  }
0x51: {  	_ =	shalt  }
0x52: {  	_ =	shalt  }
0x53: {  	_ =	shalt  }
0x54: {  	_ =	shalt  }
0x55: {  	_ =	shalt  }
0x56: {  	_ =	shalt  }
0x57: {  	_ =	shalt  }
0x58: {  	_ =	shalt  }
0x59: {  	_ =	shalt  }
0x5a: {  	_ =	shalt  }
0x5b: {  	_ =	shalt  }
0x5c: {  	_ =	shalt  }
0x5d: {  	_ =	shalt  }
0x5e: {  	_ =	shalt  }
0x5f: {  	_ =	shalt  }
0x60: {  	_ =	shalt  }
0x61: {  	_ =	shalt  }
0x62: {  	_ =	shalt  }
0x63: {  	_ =	shalt  }
0x64: {  	_ =	shalt  }
0x65: {  	_ =	shalt  }
0x66: {  	_ =	shalt  }
0x67: {  	_ =	shalt  }
0x68: {  	_ =	shalt  }
0x69: {  	_ =	shalt  }
0x6a: {  	_ =	shalt  }
0x6b: {  	_ =	shalt  }
0x6c: {  	_ =	shalt  }
0x6d: {  	_ =	shalt  }
0x6e: {  	_ =	shalt  }
0x6f: {  	_ =	shalt  }
0x70: {  	_ =	shalt  }
0x71: {  	_ =	shalt  }
0x72: {  	_ =	shalt  }
0x73: {  	_ =	shalt  }
0x74: {  	_ =	shalt  }
0x75: {  	_ =	shalt  }
0x76: {  	_ =	shalt  }
0x77: {  	_ =	shalt  }
0x78: {  	_ =	shalt  }
0x79: {  	_ =	shalt  }
0x7a: {  	_ =	shalt  }
0x7b: {  	_ =	shalt  }
0x7c: {  	_ =	shalt  }
0x7d: {  	_ =	shalt  }
0x7e: {  	_ =	shalt  }
0x7f: {  	_ =	shalt  }
0x80: {  	_ =	shalt  }
0x81: {  	_ =	shalt  }
0x82: {  	_ =	shalt  }
0x83: {  	_ =	shalt  }
0x84: {  	_ =	shalt  }
0x85: {  	_ =	shalt  }
0x86: {  	_ =	shalt  }
0x87: {  	_ =	shalt  }
.Lfunc_end0:
.L_simem_size_0:
called_computation.7_lowered:
.L_overlay_start_0:
0x88: {  	s2 =	sld [smem:$0x3FD9]  }
0x89: {  	s3 =	sld [smem:$0x3FFE];
	_ =	sdelay $0x1  }
0x8a: {  	s1 =	srdreg.scid  }
0x8b: {  	s0 =	sand.u32 $0x1, s1  }
0x8c: {  	s17 =	sshll.u32 s0, $0xA;
	s2 =	sadd.s32 s3, s2  }
0x8d: {  	s2 =	sadd.s32 s2, s17  }
0x8e: {  	[smem:$0x3F37] =	sst s2  }
0x8f: {  	_ = 	snop  }
0x90: {  	(tm) =	ssettm $0x1  }
0x91: {  	s18 =	sld [smem:$0x3FFB];
	_ =	sdelay $0x3  }
0x92: {  	_ =	strace s18  }
0x93: {  	s2 =	sld [smem:$0x3FFC];
	_ =	sdelay $0x3  }
0x94: {  	_ =	strace s2  }
0x95: {  	s2 =	sld [smem:$0x3FFD];
	_ =	sdelay $0x3  }
0x96: {  	_ =	strace s2  }
0x97: {  	_ =	strace $0x8FFFFFFF  }
0x98: {  	s19 =	sld [smem:$0x3FDB];
	_ =	sdelay $0x1  }
0x99: {  	s20 =	simm.s32 $_scs_section_size  }
0x9a: {  	s4 =	simm.s32 $_size__tile_overlayer_lowered;
	s5 =	simm.s32 $_tile_overlayer_lowered  }
0x9b: {  	s6 =	simm.s32 $0x1BFF;
	s21 =	sshll.u32 s5, $0x1;
	s3 =	sadd.s32 s20, s19  }
0x9c: {  	s22 =	simm.s32 $0x0;
	s4 =	sshll.u32 s4, $0x1;
	s5 =	sadd.s32 s21, s3  }
0x9d: {  	[timem:s22], [sflag:s6] =	dma.local [hbm:s5], s4  }
0x9e: {  	_ =	swait.ge [sflag:s6], s4  }
0x9f: {  	s4 =	ssub.s32 $0x0, s4;
	[sflag:s6] =	ssyncset.done $0x0  }
0xa0: {  	[sflag:s6] =	ssyncadd.s32 s4;
	_ =	sdelay $0x1  }
0xa1: {  	s23 =	simm.s32 $0x1B8B  }
0xa2: {  	_ =	swait.ge [sflag:s23], $0x1  }
0xa3: {  	[sflag:s23] =	ssyncset.done $0x0  }
0xa4: {  	[sflag:s23] =	ssyncadd.s32 $0xFFFFFFFF  }
0xa5: {  	s4 =	sld [smem:$0x0]  }
0xa6: {  	s5 =	sand.u32 $0xFFFFFFFE, s1  }
0xa7: {  	p0 =	sne.s32 s1, s5  }
0xa8: {  	s5 =	sshll.u32 @p0 s5, $0xE  }
0xa9: {  	s5 =	sadd.s32 @p0 $0x11B8D, s5;
	s6 =	sshll.u32 @p0 s4, $0x11  }
0xaa: {  	s5 =	sor.u32 @p0 s6, s5  }
0xab: {  	[sflag:s5] =	ssyncadd.remote.s32 @p0 $0x1;
	_ =	sdelay $0x1  }
0xac: {  	s5 =	simm.s32 @p0 $0x1B8D  }
0xad: {  	_ =	swait.eq @p0 [sflag:s5], $0x1  }
0xae: {  	[sflag:s5] =	ssyncadd.s32 @p0 $0xFFFFFFFF  }
0xaf: {  	s6 =	sshll.u32 @!p0 s1, $0xE  }
0xb0: {  	s6 =	sor.u32 @!p0 $0x4000, s6;
	s5 =	simm.s32 @!p0 $0x1B8D  }
0xb1: {  	s4 =	sshll.u32 @!p0 s4, $0x11;
	s6 =	sadd.s32 @!p0 $0x11B8D, s6;
	_ =	swait.eq @!p0 [sflag:s5], $0x1  }
0xb2: {  	s4 =	sor.u32 @!p0 s4, s6;
	[sflag:s5] =	ssyncadd.s32 @!p0 $0xFFFFFFFF  }
0xb3: {  	s25 =	simm.s32 $0x1B8E;
	s24 =	sld [smem:$0x3FFE];
	[sflag:s4] =	ssyncadd.remote.s32 @!p0 $0x1  }
0xb4: {  	s26 =	simm.s32 $execute0_lowered;
	[smem:$0x3FD2] =	sst s25  }
0xb5: {  	s5 =	sshll.u32 s26, $0x1;
	_ =	strace $0x80000058;
	[dreg:$0x1] =	wrdreg $0xFFFFFFFF  }
0xb6: {  	s28 =	simm.s32 $_size_execute0_lowered;
	s3 =	sadd.s32 s3, s5;
	[dreg:$0x0] =	wrdreg $0x0  }
0xb7: {  	s5 =	sshll.u32 s28, $0x1;
	[dreg:$0x2] =	wrdreg s3  }
0xb8: {  	[dreg:$0x3] =	wrdreg s5  }
0xb9: {  	[dreg:$0x4] =	wrdreg $0xC0  }
0xba: {  	_ =	task [dreg:s22], $0x5FFFF  }
0xbb: {  	[dreg:$0x1] =	wrdreg $0xFFFFFFFF  }
0xbc: {  	[dreg:$0x0] =	wrdreg $0x60  }
0xbd: {  	[dreg:$0x2] =	wrdreg s24  }
0xbe: {  	[dreg:$0x3] =	wrdreg $0xD  }
0xbf: {  	_ =	task.clear_ibuf [dreg:s22], $0x4FFFF;
	_ =	strace $0x90000058  }
0xc0: {  	s29 =	simm.s32 $0xD;
	_ =	strace $0x8000005A  }
0xc1: {  	_ =	swait.ge [sflag:s29], $0x1  }
0xc2: {  	[sflag:s29] =	ssyncadd.s32 $0xFFFFFFFF  }
0xc3: {  	_ =	strace $0x9000005A  }
0xc4: {  	_ =	sfence  }
0xc5: {  	s30 =	sld [smem:$0x0];
	_ =	sdelay $0x2  }
0xc6: {  	s31 =	sshll.u32 s1, $0xD;
	s1 =	sshrl.u32 s1, $0x2  }
0xc7: {  	s4 =	sand.u32 $0x4000, s31;
	s1 =	sadd.s32 s1, s30  }
0xc8: {  	s0 =	sor.u32 s4, s0;
	s1 =	sshll.u32 s1, $0x11  }
0xc9: {  	s0 =	sor.u32 s1, s0  }
0xca: {  	s0 =	sadd.s32 $0x8F2B, s0  }
0xcb: {  	[sflag:s0] =	ssyncadd.remote.s32 $0x1  }
0xcc: {  	_ =	sfence.sel $0xFFFF  }
0xcd: {  	[dreg:$0x0] =	wrdreg $0xFFFFFFFF;
	(pc) =	sbr.abs _section_cstart, $3  }
0xce: {  	[dreg:$0x1] =	wrdreg $0xFFFFFFFF  }
0xcf: {  	_ =	task.clear_ibuf [dreg:s22], $0x2FFFF;
	_ =	strace $0x9FFFFFFF  }
0xd0: {  	(tm) =	ssettm $0x7FFFFFFF  }
0xd1: {  	_ =	shalt  }
tec
execute0_lowered:
.L_overlay_start_1:
0x0: {  	(tag) =	ssettag $0x1  }
0x1: {  	s0 =	srdreg.scid;
	s5 =	rddreg [dreg:$0x0]  }
0x2: {  	s1 =	stileid.u32;
	s6 =	simm.s32 $0x1;
	s9 =	simm.s32 $0x1  }
0x3: {  	s10 =	simm.s32 $0x3;
	s13 =	simm.s32 $0x0;
	s2 =	sshll.u32 s0, $0x8  }
0x4: {  	s12 =	simm.s32 $0x0;
	s3 =	sshll.u32 s1, $0x9;
	s2 =	sand.u32 $0x100, s2  }
0x5: {  	s0 =	rddreg [dreg:$0x1];
	_ =	strace $0x80000059;
	s2 =	sor.u32 s3, s2  }
0x6: {  	s4 =	sadd.s32 $0x3E200, s5;
	[sflag:s6] =	ssyncpa.u1 $0x0;
	s8 =	ssub.s32 $0x3000, s2  }
.Ltmp0:
0x7: {  	s3 =	sadd.s32 $0x2A3200, s5;
	s7 =	sand.u32 $0x1F00, s8;
	(pc) =	sbr.rel .LBB2_1-.Ltmp0, $4  }
0x8: {  	s5 =	sadd.s32 $0x3EC00, s5;
	s11 =	smov.u32 s2;
	p0 =	sne.s32 s7, $0x0  }
0x9: {  	s8 =	sshrl.u32 s8, $0xD;
	s7 =	simm.s32 $0x2;
	s9 =	simm.s32 @!p0 $0x0  }
0xa: {  	[sflag:s7] =	ssyncpa.u1 $0x0;
	p0 =	por $0x0, $0x0;
	s8 =	sadd.s32 s9, s8  }
0xb: {  	vm0 =	vmmov $0xffff;
	[sflag:s10] =	ssyncpa.u1 $0x0;
	s10 =	simm.s32 $0x0;
	s9 =	sadd.s32 $0x1, s8  }
.LBB2_4:
0xc: {  	v3 =	vshrl.u32 v0, $0x1;
	v4 =	vshrl.u32 v0, $0xC;
	v1 =	vor.u32 v1, v2  }
0xd: {  	v62 =	vshll.u32 v0, $0x15;
	v60 =	vand.u32 $0x7FF, v3;
	v61 =	vand.u32 $0x3FF, v4  }
0xe: {  	v0 =	vand.u32 $0x200000, v62;
	v2 =	vsel vm1, $0xFFFFFFFF, v60;
	v3 =	vsel vm1, $0xFFFFFFFF, v61  }
0xf: {  	v0 =	vsel vm1, $0xFFE00000, v0;
	v63 =	vand.u32 $0x7F, v3;
	v5 =	vshll.u32 v2, $0xA  }
0x10: {  	v3 =	vshll.u32 v3, $0x3;
	v5 =	vand.u32 $0xFFFFE000, v5;
	v0 =	vor.u32 v0, v63  }
0x11: {  	v2 =	vshll.u32 v2, $0x7;
	v3 =	vand.u32 $0xFFFFFC00, v3;
	v0 =	vadd.s32 v5, v0  }
0x12: {  	v2 =	vand.u32 $0x380, v2;
	v0 =	vadd.s32 v3, v0  }
0x13: {  	v0 =	vor.u32 v2, v0;
	_ =	sdelay $0x1  }
0x14: {  	(ifvalue) =	ssetifvalue $0x7FFFFFFF;
	s14 =	sadd.s32 $0x10, s14  }
0x15: {  	[tilespmem:s14], [sflag:$0x1] =	stream.indirect_vreg.gather [hbm4b:s3+s10], $0x1, v1, vm0, $0x4038;
	[tilespmem:$0x400] =	vst v63  }
0x16: {  	(ifvalue) =	ssetifvalue $0x7FFFFFFF;
	s14 =	sadd.s32 $0x10, s14  }
0x17: {  	[tilespmem:s14], [sflag:$0x1] =	stream.indirect_vreg.gather [hbm4b:s3+s10], $0x1, v0, vm0, $0x4038;
	[tilespmem:$0x400] =	vst v63  }
0x18: {  	_ =	swait.ge [sflag:s6], $0x100  }
0x19: {  	s30 =	sshrl.u32 s13, $0x3;
	[sflag:s6] =	ssyncset.done $0x0  }
0x1a: {  	s31 =	sand.u32 $0x7, s13;
	s14 =	sadd.s32 s5, s30;
	[sflag:s6] =	ssyncadd.s32 $0xFFFFFF00  }
0x1b: {  	[hbm4b:s14+s31] =	stream.linear.scatter [tilespmem:s15], [sflag:$0x3], $0x100, $0x38;
	[tilespmem:$0x400] =	vst v63  }
.LBB2_5:
0x1c: {  	s15 =	sadd.s32 $0x2000, s11  }
0x1d: {  	p2 =	sgt.s32 s15, $0x2FFF  }
0x1e: {  	s15 =	smov.u32 @p2 s2;
	p2 =	sne.s32 s12, s9  }
.Ltmp1:
0x1f: {  	p1 =	slt.u32 s12, $0x2;
	(pc) =	sbr.rel @!p2 .LBB2_6-.Ltmp1, $4  }
0x20: {  	s14 =	simm.s32 @!p1 $0x3  }
0x21: {  	s16 =	sadd.s32 $0x1, s12;
	_ =	swait.ge @!p1 [sflag:s14], $0x100  }
0x22: {  	s13 =	smov.u32 s11;
	p0 =	por !p0, !p0;
	[sflag:s14] =	ssyncset.done @!p1 $0x0  }
0x23: {  	s12 =	smov.u32 s16;
	s11 =	smov.u32 s15;
	[sflag:s14] =	ssyncadd.s32 @!p1 $0xFFFFFF00  }
.LBB2_1:
0x24: {  	p1 =	sge.u32 s12, s8  }
0x25: {  	s14 =	sxor.u32 @!p1 $0xFFFFFFFF, s12  }
0x26: {  	s31 =	sadd.s32 $0xFFFFFFFF, s12;
	s15 =	sshrl.u32 @!p1 s11, $0x3;
	s14 =	sshll.u32 @!p1 s14, $0x8  }
0x27: {  	s16 =	sand.u32 @!p1 $0x7, s11;
	s15 =	sadd.s32 @!p1 s4, s15;
	s14 =	sand.u32 @!p1 $0x100, s14  }
0x28: {  	[tilespmem:s14], [sflag:$0x2] =	stream.linear.gather @!p1 [hbm4b:s15+s16], $0x100, $0x38;
	[tilespmem:$0x400] =	vst v63  }
0x29: {  	p1 =	sge.u32 s31, s8  }
.Ltmp2:
0x2a: {  	_ = 	snop;
	(pc) =	sbr.rel @p1 .LBB2_5-.Ltmp2, $1  }
0x2b: {  	_ =	sdelay $0x3  }
0x2c: {  	s14 =	simm.s32 $0x1  }
0x2d: {  	_ =	swait.ge [sflag:s7], $0x100;
	s14 =	simm.s32 @!p0 $0x0  }
0x2e: {  	[sflag:s7] =	ssyncset.done $0x0;
	s14 =	sshll.u32 s14, $0x8  }
0x2f: {  	[sflag:s7] =	ssyncadd.s32 $0xFFFFFF00;
	(ifvalue) =	ssetifvalue $0x7FFFFFFF;
	v0 =	vld.msk [tilespmem:s14+$0x0 ss:$0x1], $0xffff;
	_ =	sdelay $0x4  }
0x30: {  	s15 =	sadd.s32 $0x10, s14;
	vm1 =	veq.s32 v0, $0x80000000;
	v1 =	vshrl.u32 v0, $0x1;
	v2 =	vshrl.u32 v0, $0xC  }
0x31: {  	v3 =	vld.msk [tilespmem:s15+$0x0 ss:$0x1], $0xffff;
	v0 =	vshll.u32 v0, $0x15;
	v1 =	vand.u32 $0x7FF, v1;
	v2 =	vand.u32 $0x3FF, v2  }
0x32: {  	v0 =	vand.u32 $0x200000, v0;
	v1 =	vsel vm1, $0xFFFFFFFF, v1;
	v2 =	vsel vm1, $0xFFFFFFFF, v2  }
0x33: {  	v0 =	vsel vm1, $0xFFE00000, v0;
	v4 =	vand.u32 $0x7F, v2;
	v5 =	vshll.u32 v1, $0xA  }
0x34: {  	v2 =	vshll.u32 v2, $0x3;
	v5 =	vand.u32 $0xFFFFE000, v5;
	v0 =	vor.u32 v0, v4  }
0x35: {  	v1 =	vshll.u32 v1, $0x7;
	v2 =	vand.u32 $0xFFFFFC00, v2;
	v0 =	vadd.s32 v5, v0  }
0x36: {  	v62 =	vshrl.u32 v3, $0xC;
	v1 =	vand.u32 $0x380, v1;
	v0 =	vadd.s32 v2, v0  }
0x37: {  	s17 =	sadd.s32 $0x10, s15;
	vm1 =	veq.s32 v3, $0x80000000;
	v2 =	vshrl.u32 v3, $0x1;
	v1 =	vor.u32 v1, v0  }
0x38: {  	v4 =	vand.u32 $0x3FF, v62;
	v3 =	vshll.u32 v3, $0x15;
	v0 =	vld.msk [tilespmem:s17+$0x0 ss:$0x1], $0xffff;
	v2 =	vand.u32 $0x7FF, v2  }
0x39: {  	v4 =	vsel vm1, $0xFFFFFFFF, v4;
	v3 =	vand.u32 $0x200000, v3;
	v2 =	vsel vm1, $0xFFFFFFFF, v2  }
0x3a: {  	s31 =	sshll.u32 s12, $0x8;
	v63 =	vand.u32 $0x7F, v4;
	v3 =	vsel vm1, $0xFFE00000, v3;
	v6 =	vshll.u32 v2, $0xA  }
0x3b: {  	s14 =	sor.u32 $0x200, s14;
	s15 =	sand.u32 $0x100, s31;
	v4 =	vshll.u32 v4, $0x3;
	(ifvalue) =	ssetifvalue $0x7FFFFFFF;
	v3 =	vor.u32 v3, v63;
	v6 =	vand.u32 $0xFFFFE000, v6  }
0x3c: {  	v4 =	vand.u32 $0xFFFFFC00, v4;
	[tilespmem:s14], [sflag:$0x1] =	stream.indirect_vreg.gather [hbm4b:s3+s10], $0x1, v1, vm0, $0x4038;
	v1 =	vshll.u32 v2, $0x7;
	v2 =	vadd.s32 v6, v3;
	[tilespmem:$0x400] =	vst v63  }
0x3d: {  	s16 =	simm.s32 $0x20;
	s15 =	sor.u32 $0x200, s15;
	s17 =	sadd.s32 $0x10, s17;
	vm1 =	veq.s32 v0, $0x80000000;
	v1 =	vand.u32 $0x380, v1;
	v2 =	vadd.s32 v4, v2  }
.LBB2_3:
0x3e: {  	v3 =	vld.msk [tilespmem:s17+$0x0 ss:$0x1], $0xffff;
	v4 =	vshrl.u32 v0, $0x1;
	v5 =	vshrl.u32 v0, $0xC;
	v1 =	vor.u32 v1, v2;
	s16 =	sadd.s32 $0x10, s16  }
0x3f: {  	v0 =	vshll.u32 v0, $0x15;
	v2 =	vand.u32 $0x7FF, v4;
	v4 =	vand.u32 $0x3FF, v5;
	p1 =	slt.u32 s16, $0xF0  }
.Ltmp3:
0x40: {  	v0 =	vand.u32 $0x200000, v0;
	v2 =	vsel vm1, $0xFFFFFFFF, v2;
	v4 =	vsel vm1, $0xFFFFFFFF, v4;
	(pc) =	sbr.rel @p1 .LBB2_3-.Ltmp3, $4  }
0x41: {  	v0 =	vsel vm1, $0xFFE00000, v0;
	v5 =	vand.u32 $0x7F, v4;
	v6 =	vshll.u32 v2, $0xA  }
0x42: {  	s14 =	sadd.s32 $0x10, s14;
	v4 =	vshll.u32 v4, $0x3;
	v6 =	vand.u32 $0xFFFFE000, v6;
	v7 =	vor.u32 v0, v5;
	(ifvalue) =	ssetifvalue $0x7FFFFFFF  }
0x43: {  	v2 =	vshll.u32 v2, $0x7;
	v4 =	vand.u32 $0xFFFFFC00, v4;
	v5 =	vadd.s32 v6, v7;
	[tilespmem:s14], [sflag:$0x1] =	stream.indirect_vreg.gather [hbm4b:s3+s10], $0x1, v1, vm0, $0x4038;
	[tilespmem:$0x400] =	vst v63  }
0x44: {  	s17 =	sadd.s32 $0x10, s17;
	vm1 =	veq.s32 v3, $0x80000000;
	v1 =	vand.u32 $0x380, v2;
	v0 =	vmovc v3;
	v2 =	vadd.s32 v4, v5  }
.Ltmp4:
0x45: {  	_ = 	snop;
	(pc) =	sbr.rel .LBB2_4-.Ltmp4, $1  }
0x46: {  	_ =	sdelay $0x3  }
.LBB2_6:
0x47: {  	_ =	sfence.sel $0x180000  }
0x48: {  	s2 =	simm.s32 $0x2;
	[bflag:$0x0] =	sbarrier.arrive $0xFFFF  }
0x49: {  	s30 =	simm.s32 $0x3;
	[sflag:s2] =	ssyncpa.u1 $0x1  }
0x4a: {  	s31 =	simm.s32 $0x1;
	[sflag:s30] =	ssyncpa.u1 $0x1  }
0x4b: {  	[sflag:s31] =	ssyncpa.u1 $0x1  }
0x4c: {  	p0 =	sne.s32 s1, $0x0;
	_ =	strace $0x90000059  }
0x4d: {  	s0 =	sadd.s32 @!p0 $0x100000, s0;
	[bflag:$0x2] =	sbarrier.arrive $0xFFFF  }
0x4e: {  	[sflag:s0] =	ssyncadd.tile.s32 @!p0 $0x1;
	_ =	shalt  }
.Lfunc_end2:
_tile_overlayer_lowered:
.L_overlay_start_2:
0x4f: {  	(tag) =	ssettag $0x2  }
0x50: {  	s0 =	rddreg [dreg:$0x0];
	s2 =	stileid.u32  }
0x51: {  	s1 =	rddreg [dreg:$0x1];
	p0 =	sne.s32 s2, $0x0  }
0x52: {  	s3 =	rddreg [dreg:$0x2];
	[bflag:$0x3] =	sbarrier.arrive $0xFFFF;
	s2 =	simm.s32 @!p0 $0x1C01  }
0x53: {  	[timem:s3], [sflag:s2] =	dma.local @!p0 [hbm:s0], s1  }
0x54: {  	s0 =	simm.s32 @!p0 $0x1  }
0x55: {  	_ =	swait.ge @!p0 [sflag:s0], s1  }
0x56: {  	s1 =	ssub.s32 @!p0 $0x0, s1;
	[sflag:s0] =	ssyncset.done @!p0 $0x0  }
0x57: {  	[sflag:s0] =	ssyncadd.s32 @!p0 s1  }
0x58: {  	[bflag:$0x3] =	sbarrier.arrive $0xFFFF  }
0x59: {  	_ =	shalt  }

// kernel: gather_offload_async_start.6
scs
__scs_entry_jumppad:
0x0: {  	(pc) =	sbr.rel $0x88, $3  }
0x1: {  	(tag) =	ssettag $0x0;
	lr =	simm.s32 $0x1  }
0x2: {  	[smem:$0x3F10] =	sst lr;
	_ =	strace $0xD0000000  }
0x3: {  	_ = 	snop  }
0x4: {  	_ = 	snop  }
0x5: {  	_ = 	snop  }
0x6: {  	_ = 	snop  }
0x7: {  	_ = 	snop  }
__scs_overlays_trampoline_lowered:
0x8: {  	[smem:$0x3F1F] =	sst s0  }
0x9: {  	[smem:$0x3F20] =	sst s1  }
0xa: {  	[smem:$0x3F21] =	sst s2  }
0xb: {  	[smem:$0x3F22] =	sst s3  }
0xc: {  	[smem:$0x3F23] =	sst s4  }
0xd: {  	[smem:$0x3F24] =	sst s5  }
0xe: {  	[smem:$0x3F25] =	sst s6  }
0xf: {  	[smem:$0x3F26] =	sst s7  }
0x10: {  	[smem:$0x3F27] =	sst s8  }
0x11: {  	[smem:$0x3F28] =	sst s9;
	s0 =	simm.s32 @!p0 $0x0  }
0x12: {  	s1 =	sld [smem:$0x3F0E];
	s0 =	simm.s32 @p0 $0x1  }
0x13: {  	[smem:$0x3F29] =	sst s0;
	s0 =	simm.s32 @!p1 $0x0  }
0x14: {  	s2 =	sld [smem:$0x3F0D];
	s0 =	simm.s32 @p1 $0x1  }
0x15: {  	[smem:$0x3F2A] =	sst s0;
	s0 =	simm.s32 @!p2 $0x0  }
0x16: {  	s3 =	sld [smem:$0x3FDB];
	s0 =	simm.s32 @p2 $0x1  }
0x17: {  	s4 =	simm.s32 $0x1BF5;
	[smem:$0x3F2C] =	sst s0  }
0x18: {  	s0 =	sld [smem:$0x3F0F];
	_ =	swait.ge [sflag:s4], $0x0  }
0x19: {  	s7 =	sld [smem:$0x3F10]  }
0x1a: {  	s8 =	sadd.s32 $0xFFFFE003, lr  }
0x1b: {  	s9 =	sadd.s32 $0xFFFFFEF7, lr;
	s5 =	simm.s32 $0xFFFFFFFF;
	p2 =	slt.u32 s8, $0xFFFFF086  }
0x1c: {  	p1 =	slt.u32 s9, $0xF7A;
	s5 =	simm.s32 @!p2 $0x0  }
0x1d: {  	s5 =	simm.s32 @p1 $0x1;
	p0 =	seq.s32 s7, s2  }
0x1e: {  	s7 =	smul.u32 @!p0 $0xF7A, s2;
	p2 =	seq.s32 @!p0 s5, $0x0  }
0x1f: {  	s9 =	smul.u32 $0xF7A, s1;
	s8 =	simm.s32 @!p0 $0x1BF5;
	p2 =	por !p2, p0  }
0x20: {  	[sflag:s8] =	ssyncset.s32 @!p0 $0xFFFFF086;
	s6 =	sadd.s32 @!p0 s3, s7;
	s7 =	simm.s32 @!p0 $0x108  }
0x21: {  	s3 =	sadd.s32 s3, s9;
	s6 =	sadd.s32 @!p0 $0x88, s6;
	s7 =	simm.s32 @p2 $0x1082  }
0x22: {  	[simem:s7], [sflag:s8] =	dma.local @!p0 [hbm:s6], $0xF7A  }
0x23: {  	s9 =	sor.u32 $0xD0000000, s2;
	s6 =	simm.s32 $0x108;
	_ =	swait.ge @!p0 [sflag:s8], $0x0  }
0x24: {  	s3 =	sadd.s32 $0x88, s3;
	s6 =	simm.s32 @!p1 $0x1082;
	[sflag:s4] =	ssyncset.s32 $0xFFFFF086  }
0x25: {  	[simem:s6], [sflag:s4] =	dma.local [hbm:s3], $0xF7A  }
0x26: {  	[smem:$0x3F10] =	sst s1;
	(tag) =	ssettag s2;
	_ =	strace s9  }
0x27: {  	s1 =	sld [smem:$0x3F20]  }
0x28: {  	s2 =	sld [smem:$0x3F21]  }
0x29: {  	s4 =	sld [smem:$0x3F23]  }
0x2a: {  	p0 =	seq.s32 s5, $0x0;
	s5 =	sld [smem:$0x3F24]  }
0x2b: {  	s6 =	sld [smem:$0x3F25]  }
0x2c: {  	s7 =	sld [smem:$0x3F26]  }
0x2d: {  	s3 =	simm.s32 $0x108;
	s8 =	sld [smem:$0x3F27]  }
0x2e: {  	s3 =	simm.s32 @!p0 $0x1082;
	s9 =	sld [smem:$0x3F28]  }
0x2f: {  	lr =	sadd.s32 s0, s3;
	s0 =	sld [smem:$0x3F1F]  }
0x30: {  	s3 =	sld [smem:$0x3F22]  }
0x31: {  	[smem:$0x3F2B] =	sst s10  }
0x32: {  	s10 =	sld [smem:$0x3F29];
	_ =	sdelay $0x3  }
0x33: {  	p0 =	seq.s32 s10, $0x1;
	s10 =	sld [smem:$0x3F2B];
	_ =	sdelay $0x3  }
0x34: {  	[smem:$0x3F2B] =	sst s10  }
0x35: {  	s10 =	sld [smem:$0x3F2A];
	_ =	sdelay $0x3  }
0x36: {  	p1 =	seq.s32 s10, $0x1;
	s10 =	sld [smem:$0x3F2B];
	_ =	sdelay $0x3  }
0x37: {  	[smem:$0x3F2B] =	sst s10  }
0x38: {  	s10 =	sld [smem:$0x3F2C]  }
0x39: {  	_ = 	snop;
	(pc) =	sbr.ind lr, $3  }
0x3a: {  	_ = 	snop  }
0x3b: {  	_ = 	snop  }
0x3c: {  	p2 =	seq.s32 s10, $0x1;
	s10 =	sld [smem:$0x3F2B]  }
0x3d: {  	_ =	shalt  }
0x3e: {  	_ =	shalt  }
0x3f: {  	_ =	shalt  }
0x40: {  	_ =	shalt  }
0x41: {  	_ =	shalt  }
0x42: {  	_ =	shalt  }
0x43: {  	_ =	shalt  }
0x44: {  	_ =	shalt  }
0x45: {  	_ =	shalt  }
0x46: {  	_ =	shalt  }
0x47: {  	_ =	shalt  }
0x48: {  	_ =	shalt  }
0x49: {  	_ =	shalt  }
0x4a: {  	_ =	shalt  }
0x4b: {  	_ =	shalt  }
0x4c: {  	_ =	shalt  }
0x4d: {  	_ =	shalt  }
0x4e: {  	_ =	shalt  }
0x4f: {  	_ =	shalt  }
0x50: {  	_ =	shalt  }
0x51: {  	_ =	shalt  }
0x52: {  	_ =	shalt  }
0x53: {  	_ =	shalt  }
0x54: {  	_ =	shalt  }
0x55: {  	_ =	shalt  }
0x56: {  	_ =	shalt  }
0x57: {  	_ =	shalt  }
0x58: {  	_ =	shalt  }
0x59: {  	_ =	shalt  }
0x5a: {  	_ =	shalt  }
0x5b: {  	_ =	shalt  }
0x5c: {  	_ =	shalt  }
0x5d: {  	_ =	shalt  }
0x5e: {  	_ =	shalt  }
0x5f: {  	_ =	shalt  }
0x60: {  	_ =	shalt  }
0x61: {  	_ =	shalt  }
0x62: {  	_ =	shalt  }
0x63: {  	_ =	shalt  }
0x64: {  	_ =	shalt  }
0x65: {  	_ =	shalt  }
0x66: {  	_ =	shalt  }
0x67: {  	_ =	shalt  }
0x68: {  	_ =	shalt  }
0x69: {  	_ =	shalt  }
0x6a: {  	_ =	shalt  }
0x6b: {  	_ =	shalt  }
0x6c: {  	_ =	shalt  }
0x6d: {  	_ =	shalt  }
0x6e: {  	_ =	shalt  }
0x6f: {  	_ =	shalt  }
0x70: {  	_ =	shalt  }
0x71: {  	_ =	shalt  }
0x72: {  	_ =	shalt  }
0x73: {  	_ =	shalt  }
0x74: {  	_ =	shalt  }
0x75: {  	_ =	shalt  }
0x76: {  	_ =	shalt  }
0x77: {  	_ =	shalt  }
0x78: {  	_ =	shalt  }
0x79: {  	_ =	shalt  }
0x7a: {  	_ =	shalt  }
0x7b: {  	_ =	shalt  }
0x7c: {  	_ =	shalt  }
0x7d: {  	_ =	shalt  }
0x7e: {  	_ =	shalt  }
0x7f: {  	_ =	shalt  }
0x80: {  	_ =	shalt  }
0x81: {  	_ =	shalt  }
0x82: {  	_ =	shalt  }
0x83: {  	_ =	shalt  }
0x84: {  	_ =	shalt  }
0x85: {  	_ =	shalt  }
0x86: {  	_ =	shalt  }
0x87: {  	_ =	shalt  }
.Lfunc_end0:
.L_simem_size_0:
called_computation.8_lowered:
.L_overlay_start_0:
0x88: {  	s2 =	sld [smem:$0x3FD9]  }
0x89: {  	s3 =	sld [smem:$0x3FFE];
	_ =	sdelay $0x1  }
0x8a: {  	s1 =	srdreg.scid  }
0x8b: {  	s0 =	sand.u32 $0x1, s1  }
0x8c: {  	s16 =	sshll.u32 s0, $0xA;
	s2 =	sadd.s32 s3, s2  }
0x8d: {  	s2 =	sadd.s32 s2, s16  }
0x8e: {  	[smem:$0x3F37] =	sst s2  }
0x8f: {  	_ = 	snop  }
0x90: {  	(tm) =	ssettm $0x1  }
0x91: {  	s17 =	sld [smem:$0x3FFB];
	_ =	sdelay $0x3  }
0x92: {  	_ =	strace s17  }
0x93: {  	s2 =	sld [smem:$0x3FFC];
	_ =	sdelay $0x3  }
0x94: {  	_ =	strace s2  }
0x95: {  	s2 =	sld [smem:$0x3FFD];
	_ =	sdelay $0x3  }
0x96: {  	_ =	strace s2  }
0x97: {  	_ =	strace $0x8FFFFFFF  }
0x98: {  	s18 =	sld [smem:$0x3FDB];
	_ =	sdelay $0x1  }
0x99: {  	s19 =	simm.s32 $_scs_section_size  }
0x9a: {  	s4 =	simm.s32 $_size__tile_overlayer_lowered;
	s5 =	simm.s32 $_tile_overlayer_lowered  }
0x9b: {  	s22 =	simm.s32 $0x1BFF;
	s21 =	sshll.u32 s5, $0x1;
	s2 =	sadd.s32 s19, s18  }
0x9c: {  	s6 =	simm.s32 $0x0;
	s20 =	sshll.u32 s4, $0x1;
	s4 =	sadd.s32 s21, s2  }
0x9d: {  	[timem:s6], [sflag:s22] =	dma.local [hbm:s4], s20  }
0x9e: {  	_ =	swait.ge [sflag:s22], s20  }
0x9f: {  	s3 =	ssub.s32 $0x0, s20;
	[sflag:s22] =	ssyncset.done $0x0  }
0xa0: {  	[sflag:s22] =	ssyncadd.s32 s3;
	_ =	sdelay $0x1  }
0xa1: {  	s23 =	simm.s32 $0x1B8B  }
0xa2: {  	_ =	swait.ge [sflag:s23], $0x1  }
0xa3: {  	[sflag:s23] =	ssyncset.done $0x0  }
0xa4: {  	s25 =	simm.s32 $0x1B8E;
	s24 =	sld [smem:$0x3FFE];
	[sflag:s23] =	ssyncadd.s32 $0xFFFFFFFF  }
0xa5: {  	s26 =	simm.s32 $execute0_lowered;
	[smem:$0x3FD2] =	sst s25  }
0xa6: {  	s4 =	sshll.u32 s26, $0x1;
	_ =	strace $0x80000061;
	[dreg:$0x1] =	wrdreg $0xFFFFFFFF  }
0xa7: {  	s28 =	simm.s32 $_size_execute0_lowered;
	s2 =	sadd.s32 s2, s4;
	[dreg:$0x0] =	wrdreg $0x0  }
0xa8: {  	s4 =	sshll.u32 s28, $0x1;
	[dreg:$0x2] =	wrdreg s2  }
0xa9: {  	[dreg:$0x3] =	wrdreg s4  }
0xaa: {  	[dreg:$0x4] =	wrdreg $0xC0  }
0xab: {  	_ =	task [dreg:s6], $0x5FFFF  }
0xac: {  	[dreg:$0x1] =	wrdreg $0xFFFFFFFF  }
0xad: {  	[dreg:$0x0] =	wrdreg $0x60  }
0xae: {  	[dreg:$0x2] =	wrdreg s24  }
0xaf: {  	[dreg:$0x3] =	wrdreg $0x9  }
0xb0: {  	_ =	task.clear_ibuf [dreg:s6], $0x4FFFF;
	_ =	strace $0x90000061  }
0xb1: {  	s29 =	simm.s32 $0x9;
	_ =	strace $0x80000063  }
0xb2: {  	_ =	swait.ge [sflag:s29], $0x1  }
0xb3: {  	[sflag:s29] =	ssyncadd.s32 $0xFFFFFFFF  }
0xb4: {  	_ =	strace $0x90000063  }
0xb5: {  	_ =	sfence  }
0xb6: {  	s30 =	sld [smem:$0x0];
	_ =	sdelay $0x2  }
0xb7: {  	s31 =	sshll.u32 s1, $0xD;
	s1 =	sshrl.u32 s1, $0x2  }
0xb8: {  	s3 =	sand.u32 $0x4000, s31;
	s1 =	sadd.s32 s1, s30  }
0xb9: {  	s0 =	sor.u32 s3, s0;
	s1 =	sshll.u32 s1, $0x11  }
0xba: {  	s0 =	sor.u32 s1, s0  }
0xbb: {  	s0 =	sadd.s32 $0x8F2B, s0  }
0xbc: {  	[sflag:s0] =	ssyncadd.remote.s32 $0x1  }
0xbd: {  	_ =	sfence.sel $0xFFFF  }
0xbe: {  	[dreg:$0x0] =	wrdreg $0xFFFFFFFF;
	(pc) =	sbr.abs _section_cstart, $3  }
0xbf: {  	[dreg:$0x1] =	wrdreg $0xFFFFFFFF  }
0xc0: {  	_ =	task.clear_ibuf [dreg:s6], $0x2FFFF;
	_ =	strace $0x9FFFFFFF  }
0xc1: {  	(tm) =	ssettm $0x7FFFFFFF  }
tec
execute0_lowered:
.L_overlay_start_1:
0x0: {  	(tag) =	ssettag $0x1  }
0x1: {  	s0 =	srdreg.scid;
	s5 =	rddreg [dreg:$0x0]  }
0x2: {  	s1 =	stileid.u32;
	s6 =	simm.s32 $0x1;
	s9 =	simm.s32 $0x1  }
0x3: {  	s10 =	simm.s32 $0x3;
	s13 =	simm.s32 $0x0;
	s2 =	sshll.u32 s0, $0x9  }
0x4: {  	s12 =	simm.s32 $0x0;
	s3 =	sshll.u32 s1, $0xA;
	s2 =	sand.u32 $0x200, s2  }
0x5: {  	s0 =	rddreg [dreg:$0x1];
	_ =	strace $0x80000062;
	s2 =	sor.u32 s3, s2  }
0x6: {  	s4 =	sadd.s32 $0x1800, s5;
	[sflag:s6] =	ssyncpa.u1 $0x0;
	s8 =	ssub.s32 $0x6000, s2  }
.Ltmp0:
0x7: {  	s3 =	sadd.s32 $0x5CB200, s5;
	s7 =	sand.u32 $0x3E00, s8;
	(pc) =	sbr.rel .LBB2_1-.Ltmp0, $4  }
0x8: {  	s5 =	sadd.s32 $0x2400, s5;
	s11 =	smov.u32 s2;
	p0 =	sne.s32 s7, $0x0  }
0x9: {  	s8 =	sshrl.u32 s8, $0xE;
	s7 =	simm.s32 $0x2;
	s9 =	simm.s32 @!p0 $0x0  }
0xa: {  	[sflag:s7] =	ssyncpa.u1 $0x0;
	p0 =	por $0x0, $0x0;
	s8 =	sadd.s32 s9, s8  }
0xb: {  	vm0 =	vmmov $0xffff;
	[sflag:s10] =	ssyncpa.u1 $0x0;
	s10 =	simm.s32 $0x0;
	s9 =	sadd.s32 $0x1, s8  }
.LBB2_4:
0xc: {  	v3 =	vshrl.u32 v0, $0x1;
	v4 =	vshrl.u32 v0, $0xD;
	v1 =	vor.u32 v1, v2  }
0xd: {  	v62 =	vshll.u32 v0, $0x17;
	v60 =	vand.u32 $0xFFF, v3;
	v61 =	vand.u32 $0x7FF, v4  }
0xe: {  	v0 =	vand.u32 $0x800000, v62;
	v2 =	vsel vm1, $0xFFFFFFFF, v60;
	v3 =	vsel vm1, $0xFFFFFFFF, v61  }
0xf: {  	v0 =	vsel vm1, $0xFF800000, v0;
	v63 =	vand.u32 $0x7F, v3;
	v5 =	vshll.u32 v2, $0xB  }
0x10: {  	v3 =	vshll.u32 v3, $0x3;
	v5 =	vand.u32 $0xFFFFC000, v5;
	v0 =	vor.u32 v0, v63  }
0x11: {  	v2 =	vshll.u32 v2, $0x7;
	v3 =	vand.u32 $0xFFFFFC00, v3;
	v0 =	vadd.s32 v5, v0  }
0x12: {  	v2 =	vand.u32 $0x380, v2;
	v0 =	vadd.s32 v3, v0  }
0x13: {  	v0 =	vor.u32 v2, v0;
	_ =	sdelay $0x1  }
0x14: {  	(ifvalue) =	ssetifvalue $0x7FFFFFFF;
	s14 =	sadd.s32 $0x10, s14  }
0x15: {  	[tilespmem:s14], [sflag:$0x1] =	stream.indirect_vreg.gather [hbm4b:s3+s10], $0x1, v1, vm0, $0x4038;
	[tilespmem:$0x800] =	vst v63  }
0x16: {  	(ifvalue) =	ssetifvalue $0x7FFFFFFF;
	s14 =	sadd.s32 $0x10, s14  }
0x17: {  	[tilespmem:s14], [sflag:$0x1] =	stream.indirect_vreg.gather [hbm4b:s3+s10], $0x1, v0, vm0, $0x4038;
	[tilespmem:$0x800] =	vst v63  }
0x18: {  	_ =	swait.ge [sflag:s6], $0x200  }
0x19: {  	s30 =	sshrl.u32 s13, $0x3;
	[sflag:s6] =	ssyncset.done $0x0  }
0x1a: {  	s31 =	sand.u32 $0x7, s13;
	s14 =	sadd.s32 s5, s30;
	[sflag:s6] =	ssyncadd.s32 $0xFFFFFE00  }
0x1b: {  	[hbm4b:s14+s31] =	stream.linear.scatter [tilespmem:s15], [sflag:$0x3], $0x200, $0x38;
	[tilespmem:$0x800] =	vst v63  }
.LBB2_5:
0x1c: {  	s15 =	sadd.s32 $0x4000, s11  }
0x1d: {  	p2 =	sgt.s32 s15, $0x5FFF  }
0x1e: {  	s15 =	smov.u32 @p2 s2;
	p2 =	sne.s32 s12, s9  }
.Ltmp1:
0x1f: {  	p1 =	slt.u32 s12, $0x2;
	(pc) =	sbr.rel @!p2 .LBB2_6-.Ltmp1, $4  }
0x20: {  	s14 =	simm.s32 @!p1 $0x3  }
0x21: {  	s16 =	sadd.s32 $0x1, s12;
	_ =	swait.ge @!p1 [sflag:s14], $0x200  }
0x22: {  	s13 =	smov.u32 s11;
	p0 =	por !p0, !p0;
	[sflag:s14] =	ssyncset.done @!p1 $0x0  }
0x23: {  	s12 =	smov.u32 s16;
	s11 =	smov.u32 s15;
	[sflag:s14] =	ssyncadd.s32 @!p1 $0xFFFFFE00  }
.LBB2_1:
0x24: {  	p1 =	sge.u32 s12, s8  }
0x25: {  	s14 =	sxor.u32 @!p1 $0xFFFFFFFF, s12  }
0x26: {  	s31 =	sadd.s32 $0xFFFFFFFF, s12;
	s15 =	sshrl.u32 @!p1 s11, $0x3;
	s14 =	sshll.u32 @!p1 s14, $0x9  }
0x27: {  	s16 =	sand.u32 @!p1 $0x7, s11;
	s15 =	sadd.s32 @!p1 s4, s15;
	s14 =	sand.u32 @!p1 $0x200, s14  }
0x28: {  	[tilespmem:s14], [sflag:$0x2] =	stream.linear.gather @!p1 [hbm4b:s15+s16], $0x200, $0x38;
	[tilespmem:$0x800] =	vst v63  }
0x29: {  	p1 =	sge.u32 s31, s8  }
.Ltmp2:
0x2a: {  	_ = 	snop;
	(pc) =	sbr.rel @p1 .LBB2_5-.Ltmp2, $1  }
0x2b: {  	_ =	sdelay $0x3  }
0x2c: {  	s14 =	simm.s32 $0x1  }
0x2d: {  	_ =	swait.ge [sflag:s7], $0x200;
	s14 =	simm.s32 @!p0 $0x0  }
0x2e: {  	[sflag:s7] =	ssyncset.done $0x0;
	s14 =	sshll.u32 s14, $0x9  }
0x2f: {  	[sflag:s7] =	ssyncadd.s32 $0xFFFFFE00;
	(ifvalue) =	ssetifvalue $0x7FFFFFFF;
	v0 =	vld.msk [tilespmem:s14+$0x0 ss:$0x1], $0xffff;
	_ =	sdelay $0x4  }
0x30: {  	s15 =	sadd.s32 $0x10, s14;
	vm1 =	veq.s32 v0, $0x80000000;
	v1 =	vshrl.u32 v0, $0x1;
	v2 =	vshrl.u32 v0, $0xD  }
0x31: {  	v3 =	vld.msk [tilespmem:s15+$0x0 ss:$0x1], $0xffff;
	v0 =	vshll.u32 v0, $0x17;
	v1 =	vand.u32 $0xFFF, v1;
	v2 =	vand.u32 $0x7FF, v2  }
0x32: {  	v0 =	vand.u32 $0x800000, v0;
	v1 =	vsel vm1, $0xFFFFFFFF, v1;
	v2 =	vsel vm1, $0xFFFFFFFF, v2  }
0x33: {  	v0 =	vsel vm1, $0xFF800000, v0;
	v4 =	vand.u32 $0x7F, v2;
	v5 =	vshll.u32 v1, $0xB  }
0x34: {  	v2 =	vshll.u32 v2, $0x3;
	v5 =	vand.u32 $0xFFFFC000, v5;
	v0 =	vor.u32 v0, v4  }
0x35: {  	v1 =	vshll.u32 v1, $0x7;
	v2 =	vand.u32 $0xFFFFFC00, v2;
	v0 =	vadd.s32 v5, v0  }
0x36: {  	v62 =	vshrl.u32 v3, $0xD;
	v1 =	vand.u32 $0x380, v1;
	v0 =	vadd.s32 v2, v0  }
0x37: {  	s17 =	sadd.s32 $0x10, s15;
	vm1 =	veq.s32 v3, $0x80000000;
	v2 =	vshrl.u32 v3, $0x1;
	v1 =	vor.u32 v1, v0  }
0x38: {  	v4 =	vand.u32 $0x7FF, v62;
	v3 =	vshll.u32 v3, $0x17;
	v0 =	vld.msk [tilespmem:s17+$0x0 ss:$0x1], $0xffff;
	v2 =	vand.u32 $0xFFF, v2  }
0x39: {  	v4 =	vsel vm1, $0xFFFFFFFF, v4;
	v3 =	vand.u32 $0x800000, v3;
	v2 =	vsel vm1, $0xFFFFFFFF, v2  }
0x3a: {  	s31 =	sshll.u32 s12, $0x9;
	v63 =	vand.u32 $0x7F, v4;
	v3 =	vsel vm1, $0xFF800000, v3;
	v6 =	vshll.u32 v2, $0xB  }
0x3b: {  	s14 =	sor.u32 $0x400, s14;
	s15 =	sand.u32 $0x200, s31;
	v4 =	vshll.u32 v4, $0x3;
	(ifvalue) =	ssetifvalue $0x7FFFFFFF;
	v3 =	vor.u32 v3, v63;
	v6 =	vand.u32 $0xFFFFC000, v6  }
0x3c: {  	v4 =	vand.u32 $0xFFFFFC00, v4;
	[tilespmem:s14], [sflag:$0x1] =	stream.indirect_vreg.gather [hbm4b:s3+s10], $0x1, v1, vm0, $0x4038;
	v1 =	vshll.u32 v2, $0x7;
	v2 =	vadd.s32 v6, v3;
	[tilespmem:$0x800] =	vst v63  }
0x3d: {  	s16 =	simm.s32 $0x20;
	s15 =	sor.u32 $0x400, s15;
	s17 =	sadd.s32 $0x10, s17;
	vm1 =	veq.s32 v0, $0x80000000;
	v1 =	vand.u32 $0x380, v1;
	v2 =	vadd.s32 v4, v2  }
.LBB2_3:
0x3e: {  	v3 =	vld.msk [tilespmem:s17+$0x0 ss:$0x1], $0xffff;
	v4 =	vshrl.u32 v0, $0x1;
	v5 =	vshrl.u32 v0, $0xD;
	v1 =	vor.u32 v1, v2;
	s16 =	sadd.s32 $0x10, s16  }
0x3f: {  	v0 =	vshll.u32 v0, $0x17;
	v2 =	vand.u32 $0xFFF, v4;
	v4 =	vand.u32 $0x7FF, v5;
	p1 =	slt.u32 s16, $0x1F0  }
.Ltmp3:
0x40: {  	v0 =	vand.u32 $0x800000, v0;
	v2 =	vsel vm1, $0xFFFFFFFF, v2;
	v4 =	vsel vm1, $0xFFFFFFFF, v4;
	(pc) =	sbr.rel @p1 .LBB2_3-.Ltmp3, $4  }
0x41: {  	v0 =	vsel vm1, $0xFF800000, v0;
	v5 =	vand.u32 $0x7F, v4;
	v6 =	vshll.u32 v2, $0xB  }
0x42: {  	s14 =	sadd.s32 $0x10, s14;
	v4 =	vshll.u32 v4, $0x3;
	v6 =	vand.u32 $0xFFFFC000, v6;
	v7 =	vor.u32 v0, v5;
	(ifvalue) =	ssetifvalue $0x7FFFFFFF  }
0x43: {  	v2 =	vshll.u32 v2, $0x7;
	v4 =	vand.u32 $0xFFFFFC00, v4;
	v5 =	vadd.s32 v6, v7;
	[tilespmem:s14], [sflag:$0x1] =	stream.indirect_vreg.gather [hbm4b:s3+s10], $0x1, v1, vm0, $0x4038;
	[tilespmem:$0x800] =	vst v63  }
0x44: {  	s17 =	sadd.s32 $0x10, s17;
	vm1 =	veq.s32 v3, $0x80000000;
	v1 =	vand.u32 $0x380, v2;
	v0 =	vmovc v3;
	v2 =	vadd.s32 v4, v5  }
.Ltmp4:
0x45: {  	_ = 	snop;
	(pc) =	sbr.rel .LBB2_4-.Ltmp4, $1  }
0x46: {  	_ =	sdelay $0x3  }
.LBB2_6:
0x47: {  	_ =	sfence.sel $0x180000  }
0x48: {  	s2 =	simm.s32 $0x2;
	[bflag:$0x0] =	sbarrier.arrive $0xFFFF  }
0x49: {  	s30 =	simm.s32 $0x3;
	[sflag:s2] =	ssyncpa.u1 $0x1  }
0x4a: {  	s31 =	simm.s32 $0x1;
	[sflag:s30] =	ssyncpa.u1 $0x1  }
0x4b: {  	[sflag:s31] =	ssyncpa.u1 $0x1  }
0x4c: {  	p0 =	sne.s32 s1, $0x0;
	_ =	strace $0x90000062  }
0x4d: {  	s0 =	sadd.s32 @!p0 $0x100000, s0;
	[bflag:$0x2] =	sbarrier.arrive $0xFFFF  }
0x4e: {  	[sflag:s0] =	ssyncadd.tile.s32 @!p0 $0x1;
	_ =	shalt  }
.Lfunc_end2:
_tile_overlayer_lowered:
.L_overlay_start_2:
0x4f: {  	(tag) =	ssettag $0x2  }
0x50: {  	s0 =	rddreg [dreg:$0x0];
	s2 =	stileid.u32  }
0x51: {  	s1 =	rddreg [dreg:$0x1];
	p0 =	sne.s32 s2, $0x0  }
0x52: {  	s3 =	rddreg [dreg:$0x2];
	[bflag:$0x3] =	sbarrier.arrive $0xFFFF;
	s2 =	simm.s32 @!p0 $0x1C01  }
0x53: {  	[timem:s3], [sflag:s2] =	dma.local @!p0 [hbm:s0], s1  }
0x54: {  	s0 =	simm.s32 @!p0 $0x1  }
0x55: {  	_ =	swait.ge @!p0 [sflag:s0], s1  }
0x56: {  	s1 =	ssub.s32 @!p0 $0x0, s1;
	[sflag:s0] =	ssyncset.done @!p0 $0x0  }
0x57: {  	[sflag:s0] =	ssyncadd.s32 @!p0 s1  }
0x58: {  	[bflag:$0x3] =	sbarrier.arrive $0xFFFF  }
0x59: {  	_ =	shalt  }

// kernel: gather_offload_async_start.7
scs
__scs_entry_jumppad:
0x0: {  	(pc) =	sbr.rel $0x88, $3  }
0x1: {  	(tag) =	ssettag $0x0;
	lr =	simm.s32 $0x1  }
0x2: {  	[smem:$0x3F10] =	sst lr;
	_ =	strace $0xD0000000  }
0x3: {  	_ = 	snop  }
0x4: {  	_ = 	snop  }
0x5: {  	_ = 	snop  }
0x6: {  	_ = 	snop  }
0x7: {  	_ = 	snop  }
__scs_overlays_trampoline_lowered:
0x8: {  	[smem:$0x3F1F] =	sst s0  }
0x9: {  	[smem:$0x3F20] =	sst s1  }
0xa: {  	[smem:$0x3F21] =	sst s2  }
0xb: {  	[smem:$0x3F22] =	sst s3  }
0xc: {  	[smem:$0x3F23] =	sst s4  }
0xd: {  	[smem:$0x3F24] =	sst s5  }
0xe: {  	[smem:$0x3F25] =	sst s6  }
0xf: {  	[smem:$0x3F26] =	sst s7  }
0x10: {  	[smem:$0x3F27] =	sst s8  }
0x11: {  	[smem:$0x3F28] =	sst s9;
	s0 =	simm.s32 @!p0 $0x0  }
0x12: {  	s1 =	sld [smem:$0x3F0E];
	s0 =	simm.s32 @p0 $0x1  }
0x13: {  	[smem:$0x3F29] =	sst s0;
	s0 =	simm.s32 @!p1 $0x0  }
0x14: {  	s2 =	sld [smem:$0x3F0D];
	s0 =	simm.s32 @p1 $0x1  }
0x15: {  	[smem:$0x3F2A] =	sst s0;
	s0 =	simm.s32 @!p2 $0x0  }
0x16: {  	s3 =	sld [smem:$0x3FDB];
	s0 =	simm.s32 @p2 $0x1  }
0x17: {  	s4 =	simm.s32 $0x1BF5;
	[smem:$0x3F2C] =	sst s0  }
0x18: {  	s0 =	sld [smem:$0x3F0F];
	_ =	swait.ge [sflag:s4], $0x0  }
0x19: {  	s7 =	sld [smem:$0x3F10]  }
0x1a: {  	s8 =	sadd.s32 $0xFFFFE003, lr  }
0x1b: {  	s9 =	sadd.s32 $0xFFFFFEF7, lr;
	s5 =	simm.s32 $0xFFFFFFFF;
	p2 =	slt.u32 s8, $0xFFFFF086  }
0x1c: {  	p1 =	slt.u32 s9, $0xF7A;
	s5 =	simm.s32 @!p2 $0x0  }
0x1d: {  	s5 =	simm.s32 @p1 $0x1;
	p0 =	seq.s32 s7, s2  }
0x1e: {  	s7 =	smul.u32 @!p0 $0xF7A, s2;
	p2 =	seq.s32 @!p0 s5, $0x0  }
0x1f: {  	s9 =	smul.u32 $0xF7A, s1;
	s8 =	simm.s32 @!p0 $0x1BF5;
	p2 =	por !p2, p0  }
0x20: {  	[sflag:s8] =	ssyncset.s32 @!p0 $0xFFFFF086;
	s6 =	sadd.s32 @!p0 s3, s7;
	s7 =	simm.s32 @!p0 $0x108  }
0x21: {  	s3 =	sadd.s32 s3, s9;
	s6 =	sadd.s32 @!p0 $0x88, s6;
	s7 =	simm.s32 @p2 $0x1082  }
0x22: {  	[simem:s7], [sflag:s8] =	dma.local @!p0 [hbm:s6], $0xF7A  }
0x23: {  	s9 =	sor.u32 $0xD0000000, s2;
	s6 =	simm.s32 $0x108;
	_ =	swait.ge @!p0 [sflag:s8], $0x0  }
0x24: {  	s3 =	sadd.s32 $0x88, s3;
	s6 =	simm.s32 @!p1 $0x1082;
	[sflag:s4] =	ssyncset.s32 $0xFFFFF086  }
0x25: {  	[simem:s6], [sflag:s4] =	dma.local [hbm:s3], $0xF7A  }
0x26: {  	[smem:$0x3F10] =	sst s1;
	(tag) =	ssettag s2;
	_ =	strace s9  }
0x27: {  	s1 =	sld [smem:$0x3F20]  }
0x28: {  	s2 =	sld [smem:$0x3F21]  }
0x29: {  	s4 =	sld [smem:$0x3F23]  }
0x2a: {  	p0 =	seq.s32 s5, $0x0;
	s5 =	sld [smem:$0x3F24]  }
0x2b: {  	s6 =	sld [smem:$0x3F25]  }
0x2c: {  	s7 =	sld [smem:$0x3F26]  }
0x2d: {  	s3 =	simm.s32 $0x108;
	s8 =	sld [smem:$0x3F27]  }
0x2e: {  	s3 =	simm.s32 @!p0 $0x1082;
	s9 =	sld [smem:$0x3F28]  }
0x2f: {  	lr =	sadd.s32 s0, s3;
	s0 =	sld [smem:$0x3F1F]  }
0x30: {  	s3 =	sld [smem:$0x3F22]  }
0x31: {  	[smem:$0x3F2B] =	sst s10  }
0x32: {  	s10 =	sld [smem:$0x3F29];
	_ =	sdelay $0x3  }
0x33: {  	p0 =	seq.s32 s10, $0x1;
	s10 =	sld [smem:$0x3F2B];
	_ =	sdelay $0x3  }
0x34: {  	[smem:$0x3F2B] =	sst s10  }
0x35: {  	s10 =	sld [smem:$0x3F2A];
	_ =	sdelay $0x3  }
0x36: {  	p1 =	seq.s32 s10, $0x1;
	s10 =	sld [smem:$0x3F2B];
	_ =	sdelay $0x3  }
0x37: {  	[smem:$0x3F2B] =	sst s10  }
0x38: {  	s10 =	sld [smem:$0x3F2C]  }
0x39: {  	_ = 	snop;
	(pc) =	sbr.ind lr, $3  }
0x3a: {  	_ = 	snop  }
0x3b: {  	_ = 	snop  }
0x3c: {  	p2 =	seq.s32 s10, $0x1;
	s10 =	sld [smem:$0x3F2B]  }
0x3d: {  	_ =	shalt  }
0x3e: {  	_ =	shalt  }
0x3f: {  	_ =	shalt  }
0x40: {  	_ =	shalt  }
0x41: {  	_ =	shalt  }
0x42: {  	_ =	shalt  }
0x43: {  	_ =	shalt  }
0x44: {  	_ =	shalt  }
0x45: {  	_ =	shalt  }
0x46: {  	_ =	shalt  }
0x47: {  	_ =	shalt  }
0x48: {  	_ =	shalt  }
0x49: {  	_ =	shalt  }
0x4a: {  	_ =	shalt  }
0x4b: {  	_ =	shalt  }
0x4c: {  	_ =	shalt  }
0x4d: {  	_ =	shalt  }
0x4e: {  	_ =	shalt  }
0x4f: {  	_ =	shalt  }
0x50: {  	_ =	shalt  }
0x51: {  	_ =	shalt  }
0x52: {  	_ =	shalt  }
0x53: {  	_ =	shalt  }
0x54: {  	_ =	shalt  }
0x55: {  	_ =	shalt  }
0x56: {  	_ =	shalt  }
0x57: {  	_ =	shalt  }
0x58: {  	_ =	shalt  }
0x59: {  	_ =	shalt  }
0x5a: {  	_ =	shalt  }
0x5b: {  	_ =	shalt  }
0x5c: {  	_ =	shalt  }
0x5d: {  	_ =	shalt  }
0x5e: {  	_ =	shalt  }
0x5f: {  	_ =	shalt  }
0x60: {  	_ =	shalt  }
0x61: {  	_ =	shalt  }
0x62: {  	_ =	shalt  }
0x63: {  	_ =	shalt  }
0x64: {  	_ =	shalt  }
0x65: {  	_ =	shalt  }
0x66: {  	_ =	shalt  }
0x67: {  	_ =	shalt  }
0x68: {  	_ =	shalt  }
0x69: {  	_ =	shalt  }
0x6a: {  	_ =	shalt  }
0x6b: {  	_ =	shalt  }
0x6c: {  	_ =	shalt  }
0x6d: {  	_ =	shalt  }
0x6e: {  	_ =	shalt  }
0x6f: {  	_ =	shalt  }
0x70: {  	_ =	shalt  }
0x71: {  	_ =	shalt  }
0x72: {  	_ =	shalt  }
0x73: {  	_ =	shalt  }
0x74: {  	_ =	shalt  }
0x75: {  	_ =	shalt  }
0x76: {  	_ =	shalt  }
0x77: {  	_ =	shalt  }
0x78: {  	_ =	shalt  }
0x79: {  	_ =	shalt  }
0x7a: {  	_ =	shalt  }
0x7b: {  	_ =	shalt  }
0x7c: {  	_ =	shalt  }
0x7d: {  	_ =	shalt  }
0x7e: {  	_ =	shalt  }
0x7f: {  	_ =	shalt  }
0x80: {  	_ =	shalt  }
0x81: {  	_ =	shalt  }
0x82: {  	_ =	shalt  }
0x83: {  	_ =	shalt  }
0x84: {  	_ =	shalt  }
0x85: {  	_ =	shalt  }
0x86: {  	_ =	shalt  }
0x87: {  	_ =	shalt  }
.Lfunc_end0:
.L_simem_size_0:
called_computation.9_lowered:
.L_overlay_start_0:
0x88: {  	s2 =	sld [smem:$0x3FD9]  }
0x89: {  	s3 =	sld [smem:$0x3FFE];
	_ =	sdelay $0x1  }
0x8a: {  	s1 =	srdreg.scid  }
0x8b: {  	s0 =	sand.u32 $0x1, s1  }
0x8c: {  	s16 =	sshll.u32 s0, $0xA;
	s2 =	sadd.s32 s3, s2  }
0x8d: {  	s2 =	sadd.s32 s2, s16  }
0x8e: {  	[smem:$0x3F37] =	sst s2  }
0x8f: {  	_ = 	snop  }
0x90: {  	(tm) =	ssettm $0x1  }
0x91: {  	s17 =	sld [smem:$0x3FFB];
	_ =	sdelay $0x3  }
0x92: {  	_ =	strace s17  }
0x93: {  	s2 =	sld [smem:$0x3FFC];
	_ =	sdelay $0x3  }
0x94: {  	_ =	strace s2  }
0x95: {  	s2 =	sld [smem:$0x3FFD];
	_ =	sdelay $0x3  }
0x96: {  	_ =	strace s2  }
0x97: {  	_ =	strace $0x8FFFFFFF  }
0x98: {  	s18 =	sld [smem:$0x3FDB];
	_ =	sdelay $0x1  }
0x99: {  	s19 =	simm.s32 $_scs_section_size  }
0x9a: {  	s4 =	simm.s32 $_size__tile_overlayer_lowered;
	s5 =	simm.s32 $_tile_overlayer_lowered  }
0x9b: {  	s22 =	simm.s32 $0x1BFF;
	s21 =	sshll.u32 s5, $0x1;
	s2 =	sadd.s32 s19, s18  }
0x9c: {  	s6 =	simm.s32 $0x0;
	s20 =	sshll.u32 s4, $0x1;
	s4 =	sadd.s32 s21, s2  }
0x9d: {  	[timem:s6], [sflag:s22] =	dma.local [hbm:s4], s20  }
0x9e: {  	_ =	swait.ge [sflag:s22], s20  }
0x9f: {  	s3 =	ssub.s32 $0x0, s20;
	[sflag:s22] =	ssyncset.done $0x0  }
0xa0: {  	[sflag:s22] =	ssyncadd.s32 s3;
	_ =	sdelay $0x1  }
0xa1: {  	s23 =	simm.s32 $0x1B8B  }
0xa2: {  	_ =	swait.ge [sflag:s23], $0x1  }
0xa3: {  	[sflag:s23] =	ssyncset.done $0x0  }
0xa4: {  	s25 =	simm.s32 $0x1B8E;
	s24 =	sld [smem:$0x3FFE];
	[sflag:s23] =	ssyncadd.s32 $0xFFFFFFFF  }
0xa5: {  	s26 =	simm.s32 $execute0_lowered;
	[smem:$0x3FD2] =	sst s25  }
0xa6: {  	s4 =	sshll.u32 s26, $0x1;
	_ =	strace $0x80000049;
	[dreg:$0x1] =	wrdreg $0xFFFFFFFF  }
0xa7: {  	s28 =	simm.s32 $_size_execute0_lowered;
	s2 =	sadd.s32 s2, s4;
	[dreg:$0x0] =	wrdreg $0x0  }
0xa8: {  	s4 =	sshll.u32 s28, $0x1;
	[dreg:$0x2] =	wrdreg s2  }
0xa9: {  	[dreg:$0x3] =	wrdreg s4  }
0xaa: {  	[dreg:$0x4] =	wrdreg $0xC0  }
0xab: {  	_ =	task [dreg:s6], $0x5FFFF  }
0xac: {  	[dreg:$0x1] =	wrdreg $0xFFFFFFFF  }
0xad: {  	[dreg:$0x0] =	wrdreg $0x60  }
0xae: {  	[dreg:$0x2] =	wrdreg s24  }
0xaf: {  	[dreg:$0x3] =	wrdreg $0x9  }
0xb0: {  	_ =	task.clear_ibuf [dreg:s6], $0x4FFFF;
	_ =	strace $0x90000049  }
0xb1: {  	s29 =	simm.s32 $0x9;
	_ =	strace $0x8000004B  }
0xb2: {  	_ =	swait.ge [sflag:s29], $0x1  }
0xb3: {  	[sflag:s29] =	ssyncadd.s32 $0xFFFFFFFF  }
0xb4: {  	_ =	strace $0x9000004B  }
0xb5: {  	_ =	sfence  }
0xb6: {  	s30 =	sld [smem:$0x0];
	_ =	sdelay $0x2  }
0xb7: {  	s31 =	sshll.u32 s1, $0xD;
	s1 =	sshrl.u32 s1, $0x2  }
0xb8: {  	s3 =	sand.u32 $0x4000, s31;
	s1 =	sadd.s32 s1, s30  }
0xb9: {  	s0 =	sor.u32 s3, s0;
	s1 =	sshll.u32 s1, $0x11  }
0xba: {  	s0 =	sor.u32 s1, s0  }
0xbb: {  	s0 =	sadd.s32 $0x8F2B, s0  }
0xbc: {  	[sflag:s0] =	ssyncadd.remote.s32 $0x1  }
0xbd: {  	_ =	sfence.sel $0xFFFF  }
0xbe: {  	[dreg:$0x0] =	wrdreg $0xFFFFFFFF;
	(pc) =	sbr.abs _section_cstart, $3  }
0xbf: {  	[dreg:$0x1] =	wrdreg $0xFFFFFFFF  }
0xc0: {  	_ =	task.clear_ibuf [dreg:s6], $0x2FFFF;
	_ =	strace $0x9FFFFFFF  }
0xc1: {  	(tm) =	ssettm $0x7FFFFFFF  }
tec
execute0_lowered:
.L_overlay_start_1:
0x0: {  	(tag) =	ssettag $0x1  }
0x1: {  	s0 =	srdreg.scid;
	s5 =	rddreg [dreg:$0x0]  }
0x2: {  	s1 =	stileid.u32;
	s6 =	simm.s32 $0x1;
	s9 =	simm.s32 $0x1  }
0x3: {  	s10 =	simm.s32 $0x3;
	s13 =	simm.s32 $0x0;
	s2 =	sshll.u32 s0, $0xA  }
0x4: {  	s12 =	simm.s32 $0x0;
	s3 =	sshll.u32 s1, $0xB;
	s2 =	sand.u32 $0x400, s2  }
0x5: {  	s0 =	rddreg [dreg:$0x1];
	_ =	strace $0x8000004A;
	s2 =	sor.u32 s3, s2  }
0x6: {  	s4 =	sadd.s32 $0x1800, s5;
	[sflag:s6] =	ssyncpa.u1 $0x0;
	s8 =	ssub.s32 $0xC000, s2  }
.Ltmp0:
0x7: {  	s3 =	sadd.s32 $0x63200, s5;
	s7 =	sand.u32 $0x7C00, s8;
	(pc) =	sbr.rel .LBB2_1-.Ltmp0, $4  }
0x8: {  	s5 =	sadd.s32 $0x3000, s5;
	s11 =	smov.u32 s2;
	p0 =	sne.s32 s7, $0x0  }
0x9: {  	s8 =	sshrl.u32 s8, $0xF;
	s7 =	simm.s32 $0x2;
	s9 =	simm.s32 @!p0 $0x0  }
0xa: {  	[sflag:s7] =	ssyncpa.u1 $0x0;
	p0 =	por $0x0, $0x0;
	s8 =	sadd.s32 s9, s8  }
0xb: {  	vm0 =	vmmov $0xffff;
	[sflag:s10] =	ssyncpa.u1 $0x0;
	s10 =	simm.s32 $0x0;
	s9 =	sadd.s32 $0x1, s8  }
.LBB2_4:
0xc: {  	v3 =	vshrl.u32 v0, $0x1;
	v4 =	vshrl.u32 v0, $0xE;
	v1 =	vor.u32 v1, v2  }
0xd: {  	v62 =	vshll.u32 v0, $0x19;
	v60 =	vand.u32 $0x1FFF, v3;
	v61 =	vand.u32 $0xFFF, v4  }
0xe: {  	v0 =	vand.u32 $0x2000000, v62;
	v2 =	vsel vm1, $0xFFFFFFFF, v60;
	v3 =	vsel vm1, $0xFFFFFFFF, v61  }
0xf: {  	v0 =	vsel vm1, $0xFE000000, v0;
	v63 =	vand.u32 $0x7F, v2;
	v5 =	vshll.u32 v3, $0xD  }
0x10: {  	v2 =	vshll.u32 v2, $0x3;
	v5 =	vand.u32 $0xFFFF0000, v5;
	v0 =	vor.u32 v0, v63  }
0x11: {  	v3 =	vshll.u32 v3, $0x7;
	v2 =	vand.u32 $0xFFFFFC00, v2;
	v0 =	vadd.s32 v5, v0  }
0x12: {  	v3 =	vand.u32 $0x380, v3;
	v0 =	vadd.s32 v2, v0  }
0x13: {  	v0 =	vor.u32 v3, v0;
	_ =	sdelay $0x1  }
0x14: {  	(ifvalue) =	ssetifvalue $0x7FFFFFFF;
	s14 =	sadd.s32 $0x10, s14  }
0x15: {  	[tilespmem:s14], [sflag:$0x1] =	stream.indirect_vreg.gather [hbm4b:s3+s10], $0x1, v1, vm0, $0x4038;
	[tilespmem:$0x1000] =	vst v63  }
0x16: {  	(ifvalue) =	ssetifvalue $0x7FFFFFFF;
	s14 =	sadd.s32 $0x10, s14  }
0x17: {  	[tilespmem:s14], [sflag:$0x1] =	stream.indirect_vreg.gather [hbm4b:s3+s10], $0x1, v0, vm0, $0x4038;
	[tilespmem:$0x1000] =	vst v63  }
0x18: {  	_ =	swait.ge [sflag:s6], $0x400  }
0x19: {  	s30 =	sshrl.u32 s13, $0x3;
	[sflag:s6] =	ssyncset.done $0x0  }
0x1a: {  	s31 =	sand.u32 $0x7, s13;
	s14 =	sadd.s32 s5, s30;
	[sflag:s6] =	ssyncadd.s32 $0xFFFFFC00  }
0x1b: {  	[hbm4b:s14+s31] =	stream.linear.scatter [tilespmem:s15], [sflag:$0x3], $0x400, $0x38;
	[tilespmem:$0x1000] =	vst v63  }
.LBB2_5:
0x1c: {  	s15 =	sadd.s32 $0x8000, s11  }
0x1d: {  	p2 =	sgt.s32 s15, $0xBFFF  }
0x1e: {  	s15 =	smov.u32 @p2 s2;
	p2 =	sne.s32 s12, s9  }
.Ltmp1:
0x1f: {  	p1 =	slt.u32 s12, $0x2;
	(pc) =	sbr.rel @!p2 .LBB2_6-.Ltmp1, $4  }
0x20: {  	s14 =	simm.s32 @!p1 $0x3  }
0x21: {  	s16 =	sadd.s32 $0x1, s12;
	_ =	swait.ge @!p1 [sflag:s14], $0x400  }
0x22: {  	s13 =	smov.u32 s11;
	p0 =	por !p0, !p0;
	[sflag:s14] =	ssyncset.done @!p1 $0x0  }
0x23: {  	s12 =	smov.u32 s16;
	s11 =	smov.u32 s15;
	[sflag:s14] =	ssyncadd.s32 @!p1 $0xFFFFFC00  }
.LBB2_1:
0x24: {  	p1 =	sge.u32 s12, s8  }
0x25: {  	s14 =	sxor.u32 @!p1 $0xFFFFFFFF, s12  }
0x26: {  	s31 =	sadd.s32 $0xFFFFFFFF, s12;
	s15 =	sshrl.u32 @!p1 s11, $0x3;
	s14 =	sshll.u32 @!p1 s14, $0xA  }
0x27: {  	s16 =	sand.u32 @!p1 $0x7, s11;
	s15 =	sadd.s32 @!p1 s4, s15;
	s14 =	sand.u32 @!p1 $0x400, s14  }
0x28: {  	[tilespmem:s14], [sflag:$0x2] =	stream.linear.gather @!p1 [hbm4b:s15+s16], $0x400, $0x38;
	[tilespmem:$0x1000] =	vst v63  }
0x29: {  	p1 =	sge.u32 s31, s8  }
.Ltmp2:
0x2a: {  	_ = 	snop;
	(pc) =	sbr.rel @p1 .LBB2_5-.Ltmp2, $1  }
0x2b: {  	_ =	sdelay $0x3  }
0x2c: {  	s14 =	simm.s32 $0x1  }
0x2d: {  	_ =	swait.ge [sflag:s7], $0x400;
	s14 =	simm.s32 @!p0 $0x0  }
0x2e: {  	[sflag:s7] =	ssyncset.done $0x0;
	s14 =	sshll.u32 s14, $0xA  }
0x2f: {  	[sflag:s7] =	ssyncadd.s32 $0xFFFFFC00;
	(ifvalue) =	ssetifvalue $0x7FFFFFFF;
	v0 =	vld.msk [tilespmem:s14+$0x0 ss:$0x1], $0xffff;
	_ =	sdelay $0x4  }
0x30: {  	s15 =	sadd.s32 $0x10, s14;
	vm1 =	veq.s32 v0, $0x80000000;
	v1 =	vshrl.u32 v0, $0x1;
	v2 =	vshrl.u32 v0, $0xE  }
0x31: {  	v3 =	vld.msk [tilespmem:s15+$0x0 ss:$0x1], $0xffff;
	v0 =	vshll.u32 v0, $0x19;
	v1 =	vand.u32 $0x1FFF, v1;
	v2 =	vand.u32 $0xFFF, v2  }
0x32: {  	v0 =	vand.u32 $0x2000000, v0;
	v1 =	vsel vm1, $0xFFFFFFFF, v1;
	v2 =	vsel vm1, $0xFFFFFFFF, v2  }
0x33: {  	v0 =	vsel vm1, $0xFE000000, v0;
	v4 =	vand.u32 $0x7F, v1;
	v5 =	vshll.u32 v2, $0xD  }
0x34: {  	v1 =	vshll.u32 v1, $0x3;
	v5 =	vand.u32 $0xFFFF0000, v5;
	v0 =	vor.u32 v0, v4  }
0x35: {  	v2 =	vshll.u32 v2, $0x7;
	v1 =	vand.u32 $0xFFFFFC00, v1;
	v0 =	vadd.s32 v5, v0  }
0x36: {  	v62 =	vshrl.u32 v3, $0xE;
	v2 =	vand.u32 $0x380, v2;
	v0 =	vadd.s32 v1, v0  }
0x37: {  	s17 =	sadd.s32 $0x10, s15;
	vm1 =	veq.s32 v3, $0x80000000;
	v1 =	vor.u32 v2, v0;
	v2 =	vshrl.u32 v3, $0x1  }
0x38: {  	v4 =	vand.u32 $0xFFF, v62;
	v0 =	vld.msk [tilespmem:s17+$0x0 ss:$0x1], $0xffff;
	v3 =	vshll.u32 v3, $0x19;
	v2 =	vand.u32 $0x1FFF, v2  }
0x39: {  	v4 =	vsel vm1, $0xFFFFFFFF, v4;
	v3 =	vand.u32 $0x2000000, v3;
	v2 =	vsel vm1, $0xFFFFFFFF, v2  }
0x3a: {  	s31 =	sshll.u32 s12, $0xA;
	v6 =	vshll.u32 v4, $0xD;
	v3 =	vsel vm1, $0xFE000000, v3;
	v63 =	vand.u32 $0x7F, v2  }
0x3b: {  	s14 =	sor.u32 $0x800, s14;
	s15 =	sand.u32 $0x400, s31;
	(ifvalue) =	ssetifvalue $0x7FFFFFFF;
	v6 =	vand.u32 $0xFFFF0000, v6;
	v2 =	vshll.u32 v2, $0x3;
	v3 =	vor.u32 v3, v63  }
0x3c: {  	v2 =	vand.u32 $0xFFFFFC00, v2;
	[tilespmem:s14], [sflag:$0x1] =	stream.indirect_vreg.gather [hbm4b:s3+s10], $0x1, v1, vm0, $0x4038;
	v1 =	vshll.u32 v4, $0x7;
	v3 =	vadd.s32 v6, v3;
	[tilespmem:$0x1000] =	vst v63  }
0x3d: {  	s16 =	simm.s32 $0x20;
	s15 =	sor.u32 $0x800, s15;
	s17 =	sadd.s32 $0x10, s17;
	vm1 =	veq.s32 v0, $0x80000000;
	v1 =	vand.u32 $0x380, v1;
	v2 =	vadd.s32 v2, v3  }
.LBB2_3:
0x3e: {  	v3 =	vld.msk [tilespmem:s17+$0x0 ss:$0x1], $0xffff;
	v4 =	vshrl.u32 v0, $0x1;
	v5 =	vshrl.u32 v0, $0xE;
	v1 =	vor.u32 v1, v2;
	s16 =	sadd.s32 $0x10, s16  }
0x3f: {  	v0 =	vshll.u32 v0, $0x19;
	v2 =	vand.u32 $0x1FFF, v4;
	v4 =	vand.u32 $0xFFF, v5;
	p1 =	slt.u32 s16, $0x3F0  }
.Ltmp3:
0x40: {  	v0 =	vand.u32 $0x2000000, v0;
	v2 =	vsel vm1, $0xFFFFFFFF, v2;
	v4 =	vsel vm1, $0xFFFFFFFF, v4;
	(pc) =	sbr.rel @p1 .LBB2_3-.Ltmp3, $4  }
0x41: {  	v0 =	vsel vm1, $0xFE000000, v0;
	v5 =	vand.u32 $0x7F, v2;
	v6 =	vshll.u32 v4, $0xD  }
0x42: {  	s14 =	sadd.s32 $0x10, s14;
	v2 =	vshll.u32 v2, $0x3;
	v6 =	vand.u32 $0xFFFF0000, v6;
	v7 =	vor.u32 v0, v5;
	(ifvalue) =	ssetifvalue $0x7FFFFFFF  }
0x43: {  	v4 =	vshll.u32 v4, $0x7;
	v2 =	vand.u32 $0xFFFFFC00, v2;
	v5 =	vadd.s32 v6, v7;
	[tilespmem:s14], [sflag:$0x1] =	stream.indirect_vreg.gather [hbm4b:s3+s10], $0x1, v1, vm0, $0x4038;
	[tilespmem:$0x1000] =	vst v63  }
0x44: {  	s17 =	sadd.s32 $0x10, s17;
	vm1 =	veq.s32 v3, $0x80000000;
	v1 =	vand.u32 $0x380, v4;
	v0 =	vmovc v3;
	v2 =	vadd.s32 v2, v5  }
.Ltmp4:
0x45: {  	_ = 	snop;
	(pc) =	sbr.rel .LBB2_4-.Ltmp4, $1  }
0x46: {  	_ =	sdelay $0x3  }
.LBB2_6:
0x47: {  	_ =	sfence.sel $0x180000  }
0x48: {  	s2 =	simm.s32 $0x2;
	[bflag:$0x0] =	sbarrier.arrive $0xFFFF  }
0x49: {  	s30 =	simm.s32 $0x3;
	[sflag:s2] =	ssyncpa.u1 $0x1  }
0x4a: {  	s31 =	simm.s32 $0x1;
	[sflag:s30] =	ssyncpa.u1 $0x1  }
0x4b: {  	[sflag:s31] =	ssyncpa.u1 $0x1  }
0x4c: {  	p0 =	sne.s32 s1, $0x0;
	_ =	strace $0x9000004A  }
0x4d: {  	s0 =	sadd.s32 @!p0 $0x100000, s0;
	[bflag:$0x2] =	sbarrier.arrive $0xFFFF  }
0x4e: {  	[sflag:s0] =	ssyncadd.tile.s32 @!p0 $0x1;
	_ =	shalt  }
.Lfunc_end2:
_tile_overlayer_lowered:
.L_overlay_start_2:
0x4f: {  	(tag) =	ssettag $0x2  }
0x50: {  	s0 =	rddreg [dreg:$0x0];
	s2 =	stileid.u32  }
0x51: {  	s1 =	rddreg [dreg:$0x1];
	p0 =	sne.s32 s2, $0x0  }
0x52: {  	s3 =	rddreg [dreg:$0x2];
	[bflag:$0x3] =	sbarrier.arrive $0xFFFF;
	s2 =	simm.s32 @!p0 $0x1C01  }
0x53: {  	[timem:s3], [sflag:s2] =	dma.local @!p0 [hbm:s0], s1  }
0x54: {  	s0 =	simm.s32 @!p0 $0x1  }
0x55: {  	_ =	swait.ge @!p0 [sflag:s0], s1  }
0x56: {  	s1 =	ssub.s32 @!p0 $0x0, s1;
	[sflag:s0] =	ssyncset.done @!p0 $0x0  }
0x57: {  	[sflag:s0] =	ssyncadd.s32 @!p0 s1  }
0x58: {  	[bflag:$0x3] =	sbarrier.arrive $0xFFFF  }
0x59: {  	_ =	shalt  }

// kernel: gather_offload_async_start
scs
__scs_entry_jumppad:
0x0: {  	(pc) =	sbr.rel $0x88, $3  }
0x1: {  	(tag) =	ssettag $0x0;
	lr =	simm.s32 $0x1  }
0x2: {  	[smem:$0x3F10] =	sst lr;
	_ =	strace $0xD0000000  }
0x3: {  	_ = 	snop  }
0x4: {  	_ = 	snop  }
0x5: {  	_ = 	snop  }
0x6: {  	_ = 	snop  }
0x7: {  	_ = 	snop  }
__scs_overlays_trampoline_lowered:
0x8: {  	[smem:$0x3F1F] =	sst s0  }
0x9: {  	[smem:$0x3F20] =	sst s1  }
0xa: {  	[smem:$0x3F21] =	sst s2  }
0xb: {  	[smem:$0x3F22] =	sst s3  }
0xc: {  	[smem:$0x3F23] =	sst s4  }
0xd: {  	[smem:$0x3F24] =	sst s5  }
0xe: {  	[smem:$0x3F25] =	sst s6  }
0xf: {  	[smem:$0x3F26] =	sst s7  }
0x10: {  	[smem:$0x3F27] =	sst s8  }
0x11: {  	[smem:$0x3F28] =	sst s9;
	s0 =	simm.s32 @!p0 $0x0  }
0x12: {  	s1 =	sld [smem:$0x3F0E];
	s0 =	simm.s32 @p0 $0x1  }
0x13: {  	[smem:$0x3F29] =	sst s0;
	s0 =	simm.s32 @!p1 $0x0  }
0x14: {  	s2 =	sld [smem:$0x3F0D];
	s0 =	simm.s32 @p1 $0x1  }
0x15: {  	[smem:$0x3F2A] =	sst s0;
	s0 =	simm.s32 @!p2 $0x0  }
0x16: {  	s3 =	sld [smem:$0x3FDB];
	s0 =	simm.s32 @p2 $0x1  }
0x17: {  	s4 =	simm.s32 $0x1BF5;
	[smem:$0x3F2C] =	sst s0  }
0x18: {  	s0 =	sld [smem:$0x3F0F];
	_ =	swait.ge [sflag:s4], $0x0  }
0x19: {  	s7 =	sld [smem:$0x3F10]  }
0x1a: {  	s8 =	sadd.s32 $0xFFFFE003, lr  }
0x1b: {  	s9 =	sadd.s32 $0xFFFFFEF7, lr;
	s5 =	simm.s32 $0xFFFFFFFF;
	p2 =	slt.u32 s8, $0xFFFFF086  }
0x1c: {  	p1 =	slt.u32 s9, $0xF7A;
	s5 =	simm.s32 @!p2 $0x0  }
0x1d: {  	s5 =	simm.s32 @p1 $0x1;
	p0 =	seq.s32 s7, s2  }
0x1e: {  	s7 =	smul.u32 @!p0 $0xF7A, s2;
	p2 =	seq.s32 @!p0 s5, $0x0  }
0x1f: {  	s9 =	smul.u32 $0xF7A, s1;
	s8 =	simm.s32 @!p0 $0x1BF5;
	p2 =	por !p2, p0  }
0x20: {  	[sflag:s8] =	ssyncset.s32 @!p0 $0xFFFFF086;
	s6 =	sadd.s32 @!p0 s3, s7;
	s7 =	simm.s32 @!p0 $0x108  }
0x21: {  	s3 =	sadd.s32 s3, s9;
	s6 =	sadd.s32 @!p0 $0x88, s6;
	s7 =	simm.s32 @p2 $0x1082  }
0x22: {  	[simem:s7], [sflag:s8] =	dma.local @!p0 [hbm:s6], $0xF7A  }
0x23: {  	s9 =	sor.u32 $0xD0000000, s2;
	s6 =	simm.s32 $0x108;
	_ =	swait.ge @!p0 [sflag:s8], $0x0  }
0x24: {  	s3 =	sadd.s32 $0x88, s3;
	s6 =	simm.s32 @!p1 $0x1082;
	[sflag:s4] =	ssyncset.s32 $0xFFFFF086  }
0x25: {  	[simem:s6], [sflag:s4] =	dma.local [hbm:s3], $0xF7A  }
0x26: {  	[smem:$0x3F10] =	sst s1;
	(tag) =	ssettag s2;
	_ =	strace s9  }
0x27: {  	s1 =	sld [smem:$0x3F20]  }
0x28: {  	s2 =	sld [smem:$0x3F21]  }
0x29: {  	s4 =	sld [smem:$0x3F23]  }
0x2a: {  	p0 =	seq.s32 s5, $0x0;
	s5 =	sld [smem:$0x3F24]  }
0x2b: {  	s6 =	sld [smem:$0x3F25]  }
0x2c: {  	s7 =	sld [smem:$0x3F26]  }
0x2d: {  	s3 =	simm.s32 $0x108;
	s8 =	sld [smem:$0x3F27]  }
0x2e: {  	s3 =	simm.s32 @!p0 $0x1082;
	s9 =	sld [smem:$0x3F28]  }
0x2f: {  	lr =	sadd.s32 s0, s3;
	s0 =	sld [smem:$0x3F1F]  }
0x30: {  	s3 =	sld [smem:$0x3F22]  }
0x31: {  	[smem:$0x3F2B] =	sst s10  }
0x32: {  	s10 =	sld [smem:$0x3F29];
	_ =	sdelay $0x3  }
0x33: {  	p0 =	seq.s32 s10, $0x1;
	s10 =	sld [smem:$0x3F2B];
	_ =	sdelay $0x3  }
0x34: {  	[smem:$0x3F2B] =	sst s10  }
0x35: {  	s10 =	sld [smem:$0x3F2A];
	_ =	sdelay $0x3  }
0x36: {  	p1 =	seq.s32 s10, $0x1;
	s10 =	sld [smem:$0x3F2B];
	_ =	sdelay $0x3  }
0x37: {  	[smem:$0x3F2B] =	sst s10  }
0x38: {  	s10 =	sld [smem:$0x3F2C]  }
0x39: {  	_ = 	snop;
	(pc) =	sbr.ind lr, $3  }
0x3a: {  	_ = 	snop  }
0x3b: {  	_ = 	snop  }
0x3c: {  	p2 =	seq.s32 s10, $0x1;
	s10 =	sld [smem:$0x3F2B]  }
0x3d: {  	_ =	shalt  }
0x3e: {  	_ =	shalt  }
0x3f: {  	_ =	shalt  }
0x40: {  	_ =	shalt  }
0x41: {  	_ =	shalt  }
0x42: {  	_ =	shalt  }
0x43: {  	_ =	shalt  }
0x44: {  	_ =	shalt  }
0x45: {  	_ =	shalt  }
0x46: {  	_ =	shalt  }
0x47: {  	_ =	shalt  }
0x48: {  	_ =	shalt  }
0x49: {  	_ =	shalt  }
0x4a: {  	_ =	shalt  }
0x4b: {  	_ =	shalt  }
0x4c: {  	_ =	shalt  }
0x4d: {  	_ =	shalt  }
0x4e: {  	_ =	shalt  }
0x4f: {  	_ =	shalt  }
0x50: {  	_ =	shalt  }
0x51: {  	_ =	shalt  }
0x52: {  	_ =	shalt  }
0x53: {  	_ =	shalt  }
0x54: {  	_ =	shalt  }
0x55: {  	_ =	shalt  }
0x56: {  	_ =	shalt  }
0x57: {  	_ =	shalt  }
0x58: {  	_ =	shalt  }
0x59: {  	_ =	shalt  }
0x5a: {  	_ =	shalt  }
0x5b: {  	_ =	shalt  }
0x5c: {  	_ =	shalt  }
0x5d: {  	_ =	shalt  }
0x5e: {  	_ =	shalt  }
0x5f: {  	_ =	shalt  }
0x60: {  	_ =	shalt  }
0x61: {  	_ =	shalt  }
0x62: {  	_ =	shalt  }
0x63: {  	_ =	shalt  }
0x64: {  	_ =	shalt  }
0x65: {  	_ =	shalt  }
0x66: {  	_ =	shalt  }
0x67: {  	_ =	shalt  }
0x68: {  	_ =	shalt  }
0x69: {  	_ =	shalt  }
0x6a: {  	_ =	shalt  }
0x6b: {  	_ =	shalt  }
0x6c: {  	_ =	shalt  }
0x6d: {  	_ =	shalt  }
0x6e: {  	_ =	shalt  }
0x6f: {  	_ =	shalt  }
0x70: {  	_ =	shalt  }
0x71: {  	_ =	shalt  }
0x72: {  	_ =	shalt  }
0x73: {  	_ =	shalt  }
0x74: {  	_ =	shalt  }
0x75: {  	_ =	shalt  }
0x76: {  	_ =	shalt  }
0x77: {  	_ =	shalt  }
0x78: {  	_ =	shalt  }
0x79: {  	_ =	shalt  }
0x7a: {  	_ =	shalt  }
0x7b: {  	_ =	shalt  }
0x7c: {  	_ =	shalt  }
0x7d: {  	_ =	shalt  }
0x7e: {  	_ =	shalt  }
0x7f: {  	_ =	shalt  }
0x80: {  	_ =	shalt  }
0x81: {  	_ =	shalt  }
0x82: {  	_ =	shalt  }
0x83: {  	_ =	shalt  }
0x84: {  	_ =	shalt  }
0x85: {  	_ =	shalt  }
0x86: {  	_ =	shalt  }
0x87: {  	_ =	shalt  }
.Lfunc_end0:
.L_simem_size_0:
called_computation.2_lowered:
.L_overlay_start_0:
0x88: {  	s2 =	sld [smem:$0x3FD9]  }
0x89: {  	s3 =	sld [smem:$0x3FFE];
	_ =	sdelay $0x1  }
0x8a: {  	s1 =	srdreg.scid  }
0x8b: {  	s0 =	sand.u32 $0x1, s1  }
0x8c: {  	s14 =	sshll.u32 s0, $0xA;
	s2 =	sadd.s32 s3, s2  }
0x8d: {  	s2 =	sadd.s32 s2, s14  }
0x8e: {  	[smem:$0x3F37] =	sst s2  }
0x8f: {  	_ = 	snop  }
0x90: {  	s2 =	sld [smem:$0x3FD0];
	_ =	sdelay $0x2  }
0x91: {  	s15 =	simm.s32 $0xE;
	s4 =	simm.s32 $0x10  }
0x92: {  	[smem:s4], [sflag:s15] =	dma.local [hbm:s2], $0x1  }
0x93: {  	_ =	swait.eq [sflag:s15], $0x1  }
0x94: {  	[sflag:s15] =	ssyncset.done $0x0  }
0x95: {  	[sflag:s15] =	ssyncadd.s32 $0xFFFFFFFF  }
0x96: {  	s16 =	sld [smem:$0x11];
	(tm) =	ssettm $0x1  }
0x97: {  	s17 =	sld [smem:$0x3FFB];
	_ =	sdelay $0x3  }
0x98: {  	_ =	strace s17  }
0x99: {  	s3 =	sld [smem:$0x3FFC];
	_ =	sdelay $0x3  }
0x9a: {  	_ =	strace s3  }
0x9b: {  	s3 =	sld [smem:$0x3FFD];
	_ =	sdelay $0x3  }
0x9c: {  	_ =	strace s3  }
0x9d: {  	_ =	strace $0x8FFFFFFF  }
0x9e: {  	s18 =	sld [smem:$0x3FDB];
	_ =	sdelay $0x1  }
0x9f: {  	s19 =	simm.s32 $_scs_section_size  }
0xa0: {  	s5 =	simm.s32 $_size__tile_overlayer_lowered;
	s6 =	simm.s32 $_tile_overlayer_lowered  }
0xa1: {  	s22 =	simm.s32 $0x1BFF;
	s21 =	sshll.u32 s6, $0x1;
	s3 =	sadd.s32 s19, s18  }
0xa2: {  	s7 =	simm.s32 $0x0;
	s20 =	sshll.u32 s5, $0x1;
	s5 =	sadd.s32 s21, s3  }
0xa3: {  	[timem:s7], [sflag:s22] =	dma.local [hbm:s5], s20  }
0xa4: {  	_ =	swait.ge [sflag:s22], s20  }
0xa5: {  	s4 =	ssub.s32 $0x0, s20;
	[sflag:s22] =	ssyncset.done $0x0  }
0xa6: {  	[sflag:s22] =	ssyncadd.s32 s4;
	_ =	sdelay $0x1  }
0xa7: {  	s23 =	simm.s32 $0x1B8B  }
0xa8: {  	_ =	swait.ge [sflag:s23], $0x1  }
0xa9: {  	[sflag:s23] =	ssyncset.done $0x0  }
0xaa: {  	s25 =	simm.s32 $0x1B8E;
	s24 =	sld [smem:$0x3FFE];
	[sflag:s23] =	ssyncadd.s32 $0xFFFFFFFF  }
0xab: {  	s26 =	simm.s32 $execute0_lowered;
	[smem:$0x3FD2] =	sst s25  }
0xac: {  	s5 =	sshll.u32 s26, $0x1;
	_ =	strace $0x80000046;
	[dreg:$0x1] =	wrdreg $0xFFFFFFFF  }
0xad: {  	s28 =	simm.s32 $_size_execute0_lowered;
	s3 =	sadd.s32 s3, s5;
	[dreg:$0x0] =	wrdreg $0x0  }
0xae: {  	s5 =	sshll.u32 s28, $0x1;
	[dreg:$0x2] =	wrdreg s3  }
0xaf: {  	[dreg:$0x3] =	wrdreg s5  }
0xb0: {  	[dreg:$0x4] =	wrdreg $0xC0  }
0xb1: {  	_ =	task [dreg:s7], $0x5FFFF  }
0xb2: {  	[dreg:$0x1] =	wrdreg $0xFFFFFFFF  }
0xb3: {  	[dreg:$0x0] =	wrdreg $0x60  }
0xb4: {  	[dreg:$0x2] =	wrdreg s24  }
0xb5: {  	[dreg:$0x3] =	wrdreg s16  }
0xb6: {  	[dreg:$0x4] =	wrdreg $0x9  }
0xb7: {  	_ =	task.clear_ibuf [dreg:s7], $0x5FFFF;
	_ =	strace $0x90000046  }
0xb8: {  	s29 =	simm.s32 $0x9;
	_ =	strace $0x80000048  }
0xb9: {  	_ =	swait.ge [sflag:s29], $0x1  }
0xba: {  	[sflag:s29] =	ssyncadd.s32 $0xFFFFFFFF  }
0xbb: {  	_ =	strace $0x90000048  }
0xbc: {  	_ =	sfence  }
0xbd: {  	s30 =	sld [smem:$0x0];
	_ =	sdelay $0x2  }
0xbe: {  	s31 =	sshll.u32 s1, $0xD;
	s1 =	sshrl.u32 s1, $0x2  }
0xbf: {  	s3 =	sand.u32 $0x4000, s31;
	s1 =	sadd.s32 s1, s30  }
0xc0: {  	s0 =	sor.u32 s3, s0;
	s1 =	sshll.u32 s1, $0x11  }
0xc1: {  	s0 =	sor.u32 s1, s0  }
0xc2: {  	s0 =	sadd.s32 $0x8F2B, s0  }
0xc3: {  	[sflag:s0] =	ssyncadd.remote.s32 $0x1  }
0xc4: {  	_ =	sfence.sel $0xFFFF  }
0xc5: {  	[dreg:$0x0] =	wrdreg $0xFFFFFFFF;
	(pc) =	sbr.abs _section_cstart, $3  }
0xc6: {  	[dreg:$0x1] =	wrdreg $0xFFFFFFFF  }
0xc7: {  	_ =	task.clear_ibuf [dreg:s7], $0x2FFFF;
	_ =	strace $0x9FFFFFFF  }
0xc8: {  	(tm) =	ssettm $0x7FFFFFFF  }
0xc9: {  	_ =	shalt  }
tec
execute0_lowered:
.L_overlay_start_1:
0x0: {  	(tag) =	ssettag $0x1  }
0x1: {  	s2 =	rddreg [dreg:$0x0]  }
0x2: {  	s3 =	rddreg [dreg:$0x1]  }
0x3: {  	s0 =	rddreg [dreg:$0x2];
	s1 =	srdreg.scid;
	_ =	strace $0x80000047  }
0x4: {  	s4 =	simm.s32 $0x1;
	s9 =	simm.s32 $0x3;
	s5 =	sshll.u32 s1, $0x4  }
.Ltmp0:
0x5: {  	s1 =	stileid.u32;
	s5 =	sand.u32 $0x10, s5;
	(pc) =	sbr.rel .LBB2_1-.Ltmp0, $4  }
0x6: {  	s12 =	simm.s32 $0x0;
	s10 =	simm.s32 $0x0;
	s6 =	sor.u32 s1, s5  }
0x7: {  	[sflag:s4] =	ssyncpa.u1 $0x0;
	s5 =	simm.s32 $0x2;
	s6 =	sshll.u32 s6, $0x8  }
0x8: {  	s7 =	sadd.s32 $0x40200, s2;
	[sflag:s5] =	ssyncpa.u1 $0x0;
	s8 =	sadd.s32 $0x100, s6  }
0x9: {  	vm0 =	vmmov $0xff;
	vm1 =	vcmask $0x3F20;
	[sflag:s9] =	ssyncpa.u1 $0x0;
	s9 =	simm.s32 $0x100;
	s11 =	smov.u32 s6  }
.LBB2_9:
0xa: {  	p0 =	seq.s32 s10, $0x2  }
.Ltmp1:
0xb: {  	_ = 	snop;
	(pc) =	sbr.rel @p0 .LBB2_11-.Ltmp1, $1  }
0xc: {  	_ =	sdelay $0x3  }
.LBB2_10:
0xd: {  	s12 =	sadd.s32 $0x100, s11  }
0xe: {  	s13 =	smov.u32 s6;
	p0 =	slt.s32 s12, s8  }
0xf: {  	s13 =	smov.u32 @p0 s12  }
0x10: {  	s10 =	sadd.s32 $0x1, s10;
	s12 =	smov.u32 s11;
	s11 =	smov.u32 s13  }
.LBB2_1:
0x11: {  	p0 =	sne.s32 s10, $0x0  }
.Ltmp2:
0x12: {  	_ = 	snop;
	(pc) =	sbr.rel @!p0 .LBB2_2-.Ltmp2, $1  }
0x13: {  	_ =	sdelay $0x3  }
0x14: {  	s13 =	sand.u32 $0x1, s10  }
0x15: {  	p0 =	seq.s32 s13, $0x0  }
.Ltmp3:
0x16: {  	_ = 	snop;
	(pc) =	sbr.rel @p0 .LBB2_9-.Ltmp3, $1  }
0x17: {  	_ =	sdelay $0x3  }
0x18: {  	_ =	swait.ge [sflag:s5], $0x100  }
0x19: {  	[sflag:s5] =	ssyncset.done $0x0  }
0x1a: {  	s13 =	simm.s32 $0x0;
	[sflag:s5] =	ssyncadd.s32 $0xFFFFFF00  }
0x1b: {  	v0 =	vld.msk [tilespmem:s13+$0x100 ss:$0x1], $0xffff;
	_ =	sdelay $0x4  }
0x1c: {  	v1 =	vshll.u32 v0, $0x6  }
0x1d: {  	vm2 =	veq.s32 v0, $0x80000000;
	v0 =	vshll.u32 v0, $0x14;
	v1 =	vand.u32 $0xFFF80, v1  }
0x1e: {  	v0 =	vand.u32 $0x100000, v0;
	v1 =	vsel vm2, $0xFFFFFF80, v1  }
0x1f: {  	v0 =	vsel vm2, $0xFFF00000, v0;
	v2 =	vand.u32 $0xFFFFFC00, v1  }
0x20: {  	v1 =	vand.u32 $0x380, v1;
	v0 =	vadd.s32 v0, v2  }
0x21: {  	v0 =	vor.u32 v1, v0  }
0x22: {  	v0 =	vshrl.u32 v0, $0x3;
	_ =	sdelay $0x3  }
0x23: {  	s13 =	simm.s32 $0x8200  }
0x24: {  	[tilespmem:s13], [sflag:$0x1] =	stream.indirect_vreg.gather [hbm:s2], $0x80, v0, vm0, $0x38;
	[tilespmem:$0x10200] =	vst v63  }
0x25: {  	s14 =	simm.s32 $0x8600;
	s31 =	simm.s32 $0x10  }
0x26: {  	[tilespmem:s14], [sflag:$0x1] =	stream.indirect_vreg.gather [hbm:s2], $0x80, v0, vm1, $0x38;
	[tilespmem:$0x10200] =	vst v63  }
0x27: {  	s14 =	simm.s32 $0x80;
	v0 =	vld.msk [tilespmem:s31+$0x100 ss:$0x1], $0xffff  }
.LBB2_5:
0x28: {  	p0 =	sne.s32 s14, $0x3C0;
	_ =	sdelay $0x4  }
0x29: {  	v1 =	vshll.u32 v0, $0x6  }
0x2a: {  	vm2 =	veq.s32 v0, $0x80000000;
	v0 =	vshll.u32 v0, $0x14;
	v1 =	vand.u32 $0xFFF80, v1  }
0x2b: {  	v0 =	vand.u32 $0x100000, v0;
	v1 =	vsel vm2, $0xFFFFFF80, v1  }
0x2c: {  	v0 =	vsel vm2, $0xFFF00000, v0;
	v2 =	vand.u32 $0xFFFFFC00, v1  }
0x2d: {  	v1 =	vand.u32 $0x380, v1;
	v0 =	vadd.s32 v0, v2  }
0x2e: {  	v0 =	vor.u32 v1, v0  }
0x2f: {  	v0 =	vshrl.u32 v0, $0x3;
	_ =	sdelay $0x3  }
.Ltmp4:
0x30: {  	s13 =	sadd.s32 $0x800, s13;
	(pc) =	sbr.rel @p0 .LBB2_5-.Ltmp4, $4  }
0x31: {  	[tilespmem:s13], [sflag:$0x1] =	stream.indirect_vreg.gather [hbm:s2], $0x80, v0, vm0, $0x38;
	[tilespmem:$0x10200] =	vst v63  }
0x32: {  	s15 =	sshra.s32 s14, $0x2;
	s16 =	sadd.s32 $0x400, s13  }
0x33: {  	[tilespmem:s16], [sflag:$0x1] =	stream.indirect_vreg.gather [hbm:s2], $0x80, v0, vm1, $0x38;
	[tilespmem:$0x10200] =	vst v63  }
0x34: {  	s14 =	sadd.s32 $0x40, s14;
	v0 =	vld.msk [tilespmem:s15+$0x100 ss:$0x1], $0xffff  }
0x35: {  	_ =	sdelay $0x3  }
0x36: {  	v1 =	vshll.u32 v0, $0x6  }
0x37: {  	vm2 =	veq.s32 v0, $0x80000000;
	v63 =	vshll.u32 v0, $0x14;
	v1 =	vand.u32 $0xFFF80, v1  }
0x38: {  	v0 =	vand.u32 $0x100000, v63;
	v1 =	vsel vm2, $0xFFFFFF80, v1  }
0x39: {  	v0 =	vsel vm2, $0xFFF00000, v0;
	v2 =	vand.u32 $0xFFFFFC00, v1  }
0x3a: {  	v1 =	vand.u32 $0x380, v1;
	v0 =	vadd.s32 v0, v2  }
0x3b: {  	v0 =	vor.u32 v1, v0  }
0x3c: {  	v0 =	vshrl.u32 v0, $0x3;
	_ =	sdelay $0x3  }
0x3d: {  	s13 =	sadd.s32 $0x800, s13  }
0x3e: {  	[tilespmem:s13], [sflag:$0x1] =	stream.indirect_vreg.gather [hbm:s2], $0x80, v0, vm0, $0x38;
	[tilespmem:$0x10200] =	vst v63  }
0x3f: {  	s13 =	sadd.s32 $0x400, s13  }
0x40: {  	[tilespmem:s13], [sflag:$0x1] =	stream.indirect_vreg.gather [hbm:s2], $0x80, v0, vm1, $0x38;
	[tilespmem:$0x10200] =	vst v63  }
0x41: {  	s12 =	sshll.u32 s12, $0x4;
	s14 =	simm.s32 $0x80;
	_ =	swait.ge [sflag:s4], $0x8000  }
0x42: {  	s15 =	simm.s32 $0x8600;
	s12 =	sadd.s32 s12, s7;
	[sflag:s4] =	ssyncset.done $0x0  }
0x43: {  	s16 =	sadd.s32 $0x0, s12;
	s13 =	simm.s32 $0x8200;
	[sflag:s4] =	ssyncadd.s32 $0xFFFF8000  }
.LBB2_7:
0x44: {  	[hbm:s16] =	stream.linear.scatter [tilespmem:s13], [sflag:$0x3], $0x400, $0x38;
	[tilespmem:$0x10200] =	vst v63  }
0x45: {  	s16 =	smov.u32 s14;
	s13 =	smov.u32 s15;
	p0 =	sne.s32 s14, $0xF80  }
.Ltmp5:
0x46: {  	s14 =	sadd.s32 $0x80, s14;
	(pc) =	sbr.rel @p0 .LBB2_7-.Ltmp5, $2  }
0x47: {  	_ =	sdelay $0x2  }
0x48: {  	s15 =	sadd.s32 $0x400, s15;
	s16 =	sadd.s32 s16, s12  }
.Ltmp6:
0x49: {  	(pc) =	sbr.rel .LBB2_9-.Ltmp6, $2  }
0x4a: {  	_ =	sdelay $0x2  }
0x4b: {  	[hbm:s16] =	stream.linear.scatter [tilespmem:s13], [sflag:$0x3], $0x400, $0x38;
	[tilespmem:$0x10200] =	vst v63  }
.LBB2_2:
.Ltmp7:
0x4c: {  	(pc) =	sbr.rel .LBB2_10-.Ltmp7, $4  }
0x4d: {  	_ = 	snop  }
0x4e: {  	s12 =	sshrl.u32 s11, $0x3  }
0x4f: {  	s13 =	sand.u32 $0x7, s11;
	s12 =	sadd.s32 s3, s12  }
0x50: {  	[tilespmem:s9], [sflag:$0x2] =	stream.linear.gather [hbm4b:s12+s13], $0x100, $0x38;
	[tilespmem:$0x10200] =	vst v63  }
.LBB2_11:
0x51: {  	s2 =	simm.s32 $0x3  }
0x52: {  	_ =	swait.ge [sflag:s2], $0x8000  }
0x53: {  	[sflag:s2] =	ssyncset.done $0x0  }
0x54: {  	[sflag:s2] =	ssyncadd.s32 $0xFFFF8000  }
0x55: {  	_ =	sfence.sel $0x180000  }
0x56: {  	s3 =	simm.s32 $0x2;
	[bflag:$0x0] =	sbarrier.arrive $0xFFFF  }
0x57: {  	[sflag:s3] =	ssyncpa.u1 $0x1  }
0x58: {  	s31 =	simm.s32 $0x1;
	[sflag:s2] =	ssyncpa.u1 $0x1  }
0x59: {  	[sflag:s31] =	ssyncpa.u1 $0x1  }
0x5a: {  	p0 =	sne.s32 s1, $0x0;
	_ =	strace $0x90000047  }
0x5b: {  	s0 =	sadd.s32 @!p0 $0x100000, s0;
	[bflag:$0x2] =	sbarrier.arrive $0xFFFF  }
0x5c: {  	[sflag:s0] =	ssyncadd.tile.s32 @!p0 $0x1;
	_ =	shalt  }
.Lfunc_end2:
_tile_overlayer_lowered:
.L_overlay_start_2:
0x5d: {  	(tag) =	ssettag $0x2  }
0x5e: {  	s0 =	rddreg [dreg:$0x0];
	s2 =	stileid.u32  }
0x5f: {  	s1 =	rddreg [dreg:$0x1];
	p0 =	sne.s32 s2, $0x0  }
0x60: {  	s3 =	rddreg [dreg:$0x2];
	[bflag:$0x3] =	sbarrier.arrive $0xFFFF;
	s2 =	simm.s32 @!p0 $0x1C01  }
0x61: {  	[timem:s3], [sflag:s2] =	dma.local @!p0 [hbm:s0], s1  }
0x62: {  	s0 =	simm.s32 @!p0 $0x1  }
0x63: {  	_ =	swait.ge @!p0 [sflag:s0], s1  }
0x64: {  	s1 =	ssub.s32 @!p0 $0x0, s1;
	[sflag:s0] =	ssyncset.done @!p0 $0x0  }
0x65: {  	[sflag:s0] =	ssyncadd.s32 @!p0 s1  }
0x66: {  	[bflag:$0x3] =	sbarrier.arrive $0xFFFF  }
0x67: {  	_ =	shalt  }

// kernel: sparse-core-data-format-call.1.cloned.1.call-start
scs
called_computation.1_lowered:
.L_overlay_start_0:
0x0: {  	s2 =	sld [smem:$0x3FD9]  }
0x1: {  	s3 =	sld [smem:$0x3FFE];
	_ =	sdelay $0x1  }
0x2: {  	s1 =	srdreg.scid  }
0x3: {  	s0 =	sand.u32 $0x1, s1  }
0x4: {  	s18 =	sshll.u32 s0, $0xA;
	s2 =	sadd.s32 s3, s2  }
0x5: {  	s2 =	sadd.s32 s2, s18  }
0x6: {  	[smem:$0x3F37] =	sst s2  }
0x7: {  	_ = 	snop  }
0x8: {  	(tm) =	ssettm $0x1  }
0x9: {  	s19 =	sld [smem:$0x3FFB];
	_ =	sdelay $0x3  }
0xa: {  	_ =	strace s19  }
0xb: {  	s2 =	sld [smem:$0x3FFC];
	_ =	sdelay $0x3  }
0xc: {  	_ =	strace s2  }
0xd: {  	s2 =	sld [smem:$0x3FFD];
	_ =	sdelay $0x3  }
0xe: {  	_ =	strace s2  }
0xf: {  	_ =	strace $0x8FFFFFFF  }
0x10: {  	s20 =	sld [smem:$0x3FDB];
	_ =	sdelay $0x1  }
0x11: {  	s21 =	simm.s32 $_scs_section_size  }
0x12: {  	s4 =	simm.s32 $_size__tile_overlayer_lowered;
	s5 =	simm.s32 $_tile_overlayer_lowered  }
0x13: {  	s6 =	simm.s32 $0x1BFF;
	s22 =	sshll.u32 s5, $0x1;
	s3 =	sadd.s32 s21, s20  }
0x14: {  	s23 =	simm.s32 $0x0;
	s4 =	sshll.u32 s4, $0x1;
	s5 =	sadd.s32 s22, s3  }
0x15: {  	[timem:s23], [sflag:s6] =	dma.local [hbm:s5], s4  }
0x16: {  	_ =	swait.ge [sflag:s6], s4  }
0x17: {  	s4 =	ssub.s32 $0x0, s4;
	[sflag:s6] =	ssyncset.done $0x0  }
0x18: {  	[sflag:s6] =	ssyncadd.s32 s4;
	_ =	sdelay $0x1  }
0x19: {  	s24 =	simm.s32 $0x1B8B  }
0x1a: {  	_ =	swait.ge [sflag:s24], $0x1  }
0x1b: {  	[sflag:s24] =	ssyncset.done $0x0  }
0x1c: {  	[sflag:s24] =	ssyncadd.s32 $0xFFFFFFFF  }
0x1d: {  	s4 =	sld [smem:$0x0]  }
0x1e: {  	s5 =	sand.u32 $0xFFFFFFFE, s1  }
0x1f: {  	p0 =	sne.s32 s1, s5  }
0x20: {  	s5 =	sshll.u32 @p0 s5, $0xE  }
0x21: {  	s5 =	sadd.s32 @p0 $0x11B8D, s5;
	s6 =	sshll.u32 @p0 s4, $0x11  }
0x22: {  	s5 =	sor.u32 @p0 s6, s5  }
0x23: {  	[sflag:s5] =	ssyncadd.remote.s32 @p0 $0x1;
	_ =	sdelay $0x1  }
0x24: {  	s5 =	simm.s32 @p0 $0x1B8D  }
0x25: {  	_ =	swait.eq @p0 [sflag:s5], $0x1  }
0x26: {  	[sflag:s5] =	ssyncadd.s32 @p0 $0xFFFFFFFF  }
0x27: {  	s6 =	sshll.u32 @!p0 s1, $0xE  }
0x28: {  	s6 =	sor.u32 @!p0 $0x4000, s6;
	s5 =	simm.s32 @!p0 $0x1B8D  }
0x29: {  	s4 =	sshll.u32 @!p0 s4, $0x11;
	s6 =	sadd.s32 @!p0 $0x11B8D, s6;
	_ =	swait.eq @!p0 [sflag:s5], $0x1  }
0x2a: {  	s4 =	sor.u32 @!p0 s4, s6;
	[sflag:s5] =	ssyncadd.s32 @!p0 $0xFFFFFFFF  }
0x2b: {  	s26 =	simm.s32 $0x1B8E;
	s25 =	sld [smem:$0x3FFE];
	[sflag:s4] =	ssyncadd.remote.s32 @!p0 $0x1  }
0x2c: {  	s27 =	simm.s32 $execute0_lowered;
	[smem:$0x3FD2] =	sst s26  }
0x2d: {  	s5 =	sshll.u32 s27, $0x1;
	_ =	strace $0x8000005B;
	[dreg:$0x1] =	wrdreg $0xFFFFFFFF  }
0x2e: {  	s28 =	simm.s32 $_size_execute0_lowered;
	s3 =	sadd.s32 s3, s5;
	[dreg:$0x0] =	wrdreg $0x0  }
0x2f: {  	s5 =	sshll.u32 s28, $0x1;
	[dreg:$0x2] =	wrdreg s3  }
0x30: {  	[dreg:$0x3] =	wrdreg s5  }
0x31: {  	[dreg:$0x4] =	wrdreg $0xC0  }
0x32: {  	_ =	task [dreg:s23], $0x5FFFF  }
0x33: {  	[dreg:$0x1] =	wrdreg $0xFFFFFFFF  }
0x34: {  	[dreg:$0x0] =	wrdreg $0x60  }
0x35: {  	[dreg:$0x2] =	wrdreg s25  }
0x36: {  	[dreg:$0x3] =	wrdreg $0xA  }
0x37: {  	_ =	task.clear_ibuf [dreg:s23], $0x4FFFF;
	_ =	strace $0x9000005B  }
0x38: {  	s29 =	simm.s32 $0xA;
	_ =	strace $0x8000005D  }
0x39: {  	_ =	swait.ge [sflag:s29], $0x1  }
0x3a: {  	[sflag:s29] =	ssyncadd.s32 $0xFFFFFFFF  }
0x3b: {  	_ =	strace $0x9000005D  }
0x3c: {  	_ =	sfence  }
0x3d: {  	s30 =	sld [smem:$0x0];
	_ =	sdelay $0x2  }
0x3e: {  	s31 =	sshll.u32 s1, $0xD;
	s1 =	sshrl.u32 s1, $0x2  }
0x3f: {  	s4 =	sand.u32 $0x4000, s31;
	s1 =	sadd.s32 s1, s30  }
0x40: {  	s0 =	sor.u32 s4, s0;
	s1 =	sshll.u32 s1, $0x11  }
0x41: {  	s0 =	sor.u32 s1, s0  }
0x42: {  	s0 =	sadd.s32 $0x8F2B, s0  }
0x43: {  	[sflag:s0] =	ssyncadd.remote.s32 $0x1  }
0x44: {  	_ =	sfence.sel $0xFFFF  }
0x45: {  	[dreg:$0x0] =	wrdreg $0xFFFFFFFF;
	(pc) =	sbr.abs _section_cstart, $3  }
0x46: {  	[dreg:$0x1] =	wrdreg $0xFFFFFFFF  }
0x47: {  	_ =	task.clear_ibuf [dreg:s23], $0x2FFFF;
	_ =	strace $0x9FFFFFFF  }
0x48: {  	(tm) =	ssettm $0x7FFFFFFF  }
0x49: {  	_ =	shalt  }
tec
execute0_lowered:
.L_overlay_start_1:
0x0: {  	(tag) =	ssettag $0x1  }
0x1: {  	s0 =	stileid.u32  }
0x2: {  	s1 =	srdreg.scid;
	s5 =	rddreg [dreg:$0x0];
	s31 =	simm.s32 $0x2  }
0x3: {  	s16 =	simm.s32 $0x0;
	s2 =	sshll.u32 s0, $0x6;
	s1 =	sshll.u32 s1, $0xA  }
0x4: {  	s9 =	simm.s32 $0x4000;
	s14 =	simm.s32 $0x0;
	s1 =	sor.u32 s2, s1  }
0x5: {  	s15 =	simm.s32 $0x0;
	s10 =	simm.s32 $0x0;
	s1 =	sand.u32 $0x780, s1  }
0x6: {  	s13 =	simm.s32 $0x0;
	s2 =	sand.u32 $0x1, s0;
	s3 =	ssub.s32 $0x800, s1  }
0x7: {  	s4 =	ssub.s32 $0x2, s2;
	s12 =	smov.u32 s2;
	s6 =	sand.u32 $0x780, s3  }
0x8: {  	s7 =	sshrl.u32 s4, $0x1;
	p0 =	sne.s32 s6, $0x0;
	s6 =	simm.s32 $0x1  }
0x9: {  	s4 =	sand.u32 $0x1, s4;
	s8 =	sshrl.u32 s3, $0xB;
	s6 =	simm.s32 @!p0 $0x0  }
.Ltmp0:
0xa: {  	s4 =	sadd.s32 s4, s7;
	s6 =	sadd.s32 s6, s8;
	(pc) =	sbr.rel .LBB1_1-.Ltmp0, $4  }
0xb: {  	s11 =	smov.u32 s1;
	s3 =	rddreg [dreg:$0x1];
	s7 =	smul.u32 s6, s4  }
0xc: {  	_ =	strace $0x8000005C;
	p0 =	por $0x0, $0x0;
	s6 =	simm.s32 $0x1  }
0xd: {  	s4 =	sadd.s32 $0xA3200, s5;
	[sflag:s6] =	ssyncpa.u1 $0x0;
	s7 =	sshll.u32 s7, $0x5  }
0xe: {  	s5 =	sadd.s32 $0x3CB200, s5;
	[sflag:s31] =	ssyncpa.u1 $0x0;
	s8 =	sor.u32 $0x1, s7  }
.LBB1_4:
0xf: {  	v5 =	vld [tilespmem:s19+$0xFFFFFFD0]  }
0x10: {  	[tilespmem:s20+$0x2040 ss:$0x81] =	vst.msk $0xffff, v1;
	v58 =	vld [tilespmem:s19+$0xFFFFFFE0]  }
0x11: {  	[tilespmem:s20+$0x2850 ss:$0x81] =	vst.msk $0xffff, v2;
	v59 =	vld [tilespmem:s19+$0xFFFFFFF0]  }
0x12: {  	s21 =	sshra.s32 s21, $0x2;
	[tilespmem:s20+$0x3060 ss:$0x81] =	vst.msk $0xffff, v3;
	v60 =	vld [tilespmem:s19+$0x0]  }
0x13: {  	[tilespmem:s20+$0x0 ss:$0x81] =	vst.msk $0xffff, v0;
	v61 =	vld [tilespmem:s19+$0x10];
	s18 =	sadd.s32 s21, s18  }
0x14: {  	s26 =	sshll.u32 s16, $0xB;
	v62 =	vld [tilespmem:s19+$0x20];
	[tilespmem:s18+$0x3870 ss:$0x81] =	vst.msk $0xffff, v4  }
0x15: {  	s27 =	sand.u32 $0x78, s14;
	s22 =	sshll.u32 s14, $0x3;
	v63 =	vld [tilespmem:s19+$0xFFFFFFC0];
	s29 =	sshll.u32 s16, $0x7;
	[tilespmem:s18+$0x810 ss:$0x81] =	vst.msk $0xffff, v5  }
0x16: {  	s15 =	sshll.u32 s15, $0x14;
	s20 =	sand.u32 $0x7FC000, s26;
	s28 =	sand.u32 $0x7FFC00, s22;
	[tilespmem:s18+$0x1020 ss:$0x81] =	vst.msk $0xffff, v58  }
0x17: {  	s31 =	sand.u32 $0x7, s14;
	s22 =	sand.u32 $0x400, s22;
	s19 =	sadd.s32 s28, s20;
	[tilespmem:s18+$0x1830 ss:$0x81] =	vst.msk $0xffff, v59  }
0x18: {  	s16 =	sand.u32 $0x380, s29;
	s30 =	sor.u32 s27, s22;
	s19 =	sshrl.u32 s19, $0x3;
	[tilespmem:s18+$0x2040 ss:$0x81] =	vst.msk $0xffff, v60  }
0x19: {  	s15 =	sadd.s32 s5, s15;
	s16 =	sor.u32 s16, s30;
	s19 =	sand.u32 $0xFFF00, s19;
	[tilespmem:s18+$0x2850 ss:$0x81] =	vst.msk $0xffff, v61  }
0x1a: {  	s14 =	sshll.u32 s31, $0x12;
	s16 =	sshrl.u32 s16, $0x3;
	[tilespmem:s18+$0x3060 ss:$0x81] =	vst.msk $0xffff, v62;
	s15 =	sadd.s32 s19, s15  }
0x1b: {  	s14 =	sor.u32 $0x400, s14;
	[tilespmem:s18+$0x0 ss:$0x81] =	vst.msk $0xffff, v63;
	s15 =	sadd.s32 s16, s15  }
0x1c: {  	[hbm4b:s15+s14] =	stream.strided.scatter [tilespmem:s17], [sflag:$0x2], $0x4000, s9, s14, $0x20;
	[tilespmem:$0x10100] =	vst v63  }
.LBB1_5:
0x1d: {  	s17 =	sadd.s32 $0x80, s10  }
0x1e: {  	s14 =	sadd.s32 $0x800, s11;
	s18 =	smov.u32 s11;
	p2 =	sgt.s32 s17, $0xFFF  }
0x1f: {  	s18 =	smov.u32 @p2 s14  }
0x20: {  	s20 =	smov.u32 s12;
	s14 =	sadd.s32 $0x2, s12;
	p3 =	sgt.s32 s18, $0x7FF  }
0x21: {  	s20 =	smov.u32 @p3 s14  }
0x22: {  	s17 =	simm.s32 @p2 $0x0;
	p2 =	sgt.s32 s20, $0x1  }
0x23: {  	p1 =	slt.u32 s13, $0x2;
	s20 =	smov.u32 @p2 s2;
	p2 =	sne.s32 s13, s8  }
.Ltmp1:
0x24: {  	s19 =	simm.s32 @!p1 $0x2;
	(pc) =	sbr.rel @!p2 .LBB1_6-.Ltmp1, $4  }
0x25: {  	s16 =	smov.u32 s10;
	s15 =	smov.u32 s12;
	_ =	swait.ge @!p1 [sflag:s19], $0x4000  }
0x26: {  	p0 =	por !p0, !p0;
	[sflag:s19] =	ssyncset.done @!p1 $0x0;
	s10 =	smov.u32 s17  }
0x27: {  	s18 =	smov.u32 @p3 s1;
	s14 =	smov.u32 s11;
	[sflag:s19] =	ssyncadd.s32 @!p1 $0xFFFFC000  }
0x28: {  	s11 =	smov.u32 s18;
	s13 =	sadd.s32 $0x1, s13;
	s12 =	smov.u32 s20  }
.LBB1_1:
0x29: {  	p1 =	sge.u32 s13, s7;
	s31 =	sadd.s32 $0xFFFFFFFF, s13  }
0x2a: {  	s17 =	sxor.u32 @!p1 $0xFFFFFFFF, s13;
	s18 =	sand.u32 @!p1 $0x78, s10;
	s19 =	sshll.u32 @!p1 s11, $0xC  }
0x2b: {  	s20 =	sshll.u32 @!p1 s11, $0x7;
	s21 =	sshll.u32 @!p1 s10, $0x3;
	s17 =	sshll.u32 @!p1 s17, $0xE  }
0x2c: {  	s19 =	sand.u32 @!p1 $0x7F8000, s19;
	s20 =	sand.u32 @!p1 $0x380, s20;
	s17 =	sand.u32 @!p1 $0x4000, s17  }
0x2d: {  	s19 =	sadd.s32 @!p1 s19, s21;
	s21 =	sand.u32 @!p1 $0xC00, s21;
	s18 =	sor.u32 @!p1 s20, s18  }
0x2e: {  	s20 =	sshll.u32 @!p1 s12, $0x14;
	s18 =	sor.u32 @!p1 s21, s18;
	s19 =	sshrl.u32 @!p1 s19, $0x3  }
0x2f: {  	s20 =	sadd.s32 @!p1 s4, s20;
	s21 =	sand.u32 @!p1 $0x7, s10;
	s19 =	sand.u32 @!p1 $0xFFE00, s19  }
0x30: {  	s18 =	sshrl.u32 @!p1 s18, $0x3;
	s19 =	sadd.s32 @!p1 s19, s20;
	s20 =	sshll.u32 @!p1 s21, $0x12  }
0x31: {  	s18 =	sadd.s32 @!p1 s18, s19;
	s19 =	sor.u32 @!p1 $0x400, s20;
	s20 =	simm.s32 @!p1 $0x8000  }
0x32: {  	[tilespmem:s17], [sflag:$0x1] =	stream.strided.gather @!p1 [hbm4b:s18+s19], $0x4000, s20, s19, $0x38;
	[tilespmem:$0x10100] =	vst v63  }
0x33: {  	p1 =	sge.u32 s31, s7  }
.Ltmp2:
0x34: {  	_ = 	snop;
	(pc) =	sbr.rel @p1 .LBB1_5-.Ltmp2, $1  }
0x35: {  	_ =	sdelay $0x3  }
0x36: {  	s17 =	simm.s32 $0x1  }
0x37: {  	_ =	swait.ge [sflag:s6], $0x4000;
	s17 =	simm.s32 @!p0 $0x0  }
0x38: {  	[sflag:s6] =	ssyncset.done $0x0;
	s18 =	sshll.u32 s17, $0xE  }
0x39: {  	[sflag:s6] =	ssyncadd.s32 $0xFFFFC000;
	s19 =	sor.u32 $0x40, s18  }
0x3a: {  	s17 =	smul.u32 $0x10200, s17;
	v0 =	vld [tilespmem:s19+$0x30]  }
0x3b: {  	v3 =	vld [tilespmem:s19+$0xFFFFFFD0]  }
0x3c: {  	s17 =	sshrl.u32 s17, $0x2;
	v4 =	vld [tilespmem:s19+$0xFFFFFFE0]  }
0x3d: {  	v5 =	vld [tilespmem:s19+$0xFFFFFFF0];
	s18 =	sor.u32 $0x8000, s17  }
0x3e: {  	s31 =	sand.u32 $0x1, s13;
	v1 =	vld [tilespmem:s19+$0x0];
	s20 =	sadd.s32 $0x0, s18  }
0x3f: {  	v2 =	vld [tilespmem:s19+$0x10];
	s17 =	smul.u32 $0x10200, s31;
	[tilespmem:s20+$0x3870 ss:$0x81] =	vst.msk $0xffff, v0  }
0x40: {  	[tilespmem:s20+$0x810 ss:$0x81] =	vst.msk $0xffff, v3;
	v3 =	vld [tilespmem:s19+$0x20]  }
0x41: {  	s17 =	sshrl.u32 s17, $0x2;
	v0 =	vld [tilespmem:s19+$0xFFFFFFC0];
	[tilespmem:s20+$0x1020 ss:$0x81] =	vst.msk $0xffff, v4;
	s19 =	sadd.s32 $0x80, s19  }
0x42: {  	s21 =	simm.s32 $0x4;
	s22 =	simm.s32 $0x8;
	s17 =	sor.u32 $0x8000, s17;
	[tilespmem:s20+$0x1830 ss:$0x81] =	vst.msk $0xffff, v5;
	v4 =	vld [tilespmem:s19+$0x30]  }
.LBB1_3:
0x43: {  	p1 =	sne.s32 s22, $0x1FC;
	v5 =	vld [tilespmem:s19+$0xFFFFFFD0];
	[tilespmem:s20+$0x2040 ss:$0x81] =	vst.msk $0xffff, v1  }
0x44: {  	v6 =	vld [tilespmem:s19+$0xFFFFFFE0];
	[tilespmem:s20+$0x2850 ss:$0x81] =	vst.msk $0xffff, v2  }
0x45: {  	s23 =	sshra.s32 s21, $0x2;
	s21 =	smov.u32 s22;
	v7 =	vld [tilespmem:s19+$0xFFFFFFF0];
	[tilespmem:s20+$0x3060 ss:$0x81] =	vst.msk $0xffff, v3  }
.Ltmp3:
0x46: {  	v1 =	vld [tilespmem:s19+$0x0];
	[tilespmem:s20+$0x0 ss:$0x81] =	vst.msk $0xffff, v0;
	s20 =	sadd.s32 s23, s18;
	(pc) =	sbr.rel @p1 .LBB1_3-.Ltmp3, $4  }
0x47: {  	v2 =	vld [tilespmem:s19+$0x10];
	[tilespmem:s20+$0x3870 ss:$0x81] =	vst.msk $0xffff, v4  }
0x48: {  	[tilespmem:s20+$0x810 ss:$0x81] =	vst.msk $0xffff, v5;
	v3 =	vld [tilespmem:s19+$0x20]  }
0x49: {  	v0 =	vld [tilespmem:s19+$0xFFFFFFC0];
	[tilespmem:s20+$0x1020 ss:$0x81] =	vst.msk $0xffff, v6;
	s19 =	sadd.s32 $0x80, s19  }
0x4a: {  	s22 =	sadd.s32 $0x4, s22;
	v4 =	vld [tilespmem:s19+$0x30];
	[tilespmem:s20+$0x1830 ss:$0x81] =	vst.msk $0xffff, v7  }
.Ltmp4:
0x4b: {  	_ = 	snop;
	(pc) =	sbr.rel .LBB1_4-.Ltmp4, $1  }
0x4c: {  	_ =	sdelay $0x3  }
.LBB1_6:
0x4d: {  	_ =	sfence.sel $0x180000  }
0x4e: {  	s1 =	simm.s32 $0x1;
	[bflag:$0x0] =	sbarrier.arrive $0xFFFF  }
0x4f: {  	s31 =	simm.s32 $0x2;
	[sflag:s1] =	ssyncpa.u1 $0x1  }
0x50: {  	[sflag:s31] =	ssyncpa.u1 $0x1  }
0x51: {  	p0 =	sne.s32 s0, $0x0;
	_ =	strace $0x9000005C  }
0x52: {  	s0 =	sadd.s32 @!p0 $0x100000, s3;
	[bflag:$0x2] =	sbarrier.arrive $0xFFFF  }
0x53: {  	[sflag:s0] =	ssyncadd.tile.s32 @!p0 $0x1;
	_ =	shalt  }
.Lfunc_end1:
_tile_overlayer_lowered:
.L_overlay_start_2:
0x54: {  	(tag) =	ssettag $0x2  }
0x55: {  	s0 =	rddreg [dreg:$0x0];
	s2 =	stileid.u32  }
0x56: {  	s1 =	rddreg [dreg:$0x1];
	p0 =	sne.s32 s2, $0x0  }
0x57: {  	s3 =	rddreg [dreg:$0x2];
	[bflag:$0x3] =	sbarrier.arrive $0xFFFF;
	s2 =	simm.s32 @!p0 $0x1C01  }
0x58: {  	[timem:s3], [sflag:s2] =	dma.local @!p0 [hbm:s0], s1  }
0x59: {  	s0 =	simm.s32 @!p0 $0x1  }
0x5a: {  	_ =	swait.ge @!p0 [sflag:s0], s1  }
0x5b: {  	s1 =	ssub.s32 @!p0 $0x0, s1;
	[sflag:s0] =	ssyncset.done @!p0 $0x0  }
0x5c: {  	[sflag:s0] =	ssyncadd.s32 @!p0 s1  }
0x5d: {  	[bflag:$0x3] =	sbarrier.arrive $0xFFFF  }
0x5e: {  	_ =	shalt  }

// kernel: sparse-core-data-format-call.cloned.1.call-start
scs
called_computation_lowered:
.L_overlay_start_0:
0x0: {  	s2 =	sld [smem:$0x3FD9]  }
0x1: {  	s3 =	sld [smem:$0x3FFE];
	_ =	sdelay $0x1  }
0x2: {  	s1 =	srdreg.scid  }
0x3: {  	s0 =	sand.u32 $0x1, s1  }
0x4: {  	s18 =	sshll.u32 s0, $0xA;
	s2 =	sadd.s32 s3, s2  }
0x5: {  	s2 =	sadd.s32 s2, s18  }
0x6: {  	[smem:$0x3F37] =	sst s2  }
0x7: {  	_ = 	snop  }
0x8: {  	(tm) =	ssettm $0x1  }
0x9: {  	s19 =	sld [smem:$0x3FFB];
	_ =	sdelay $0x3  }
0xa: {  	_ =	strace s19  }
0xb: {  	s2 =	sld [smem:$0x3FFC];
	_ =	sdelay $0x3  }
0xc: {  	_ =	strace s2  }
0xd: {  	s2 =	sld [smem:$0x3FFD];
	_ =	sdelay $0x3  }
0xe: {  	_ =	strace s2  }
0xf: {  	_ =	strace $0x8FFFFFFF  }
0x10: {  	s20 =	sld [smem:$0x3FDB];
	_ =	sdelay $0x1  }
0x11: {  	s21 =	simm.s32 $_scs_section_size  }
0x12: {  	s4 =	simm.s32 $_size__tile_overlayer_lowered;
	s5 =	simm.s32 $_tile_overlayer_lowered  }
0x13: {  	s6 =	simm.s32 $0x1BFF;
	s22 =	sshll.u32 s5, $0x1;
	s3 =	sadd.s32 s21, s20  }
0x14: {  	s23 =	simm.s32 $0x0;
	s4 =	sshll.u32 s4, $0x1;
	s5 =	sadd.s32 s22, s3  }
0x15: {  	[timem:s23], [sflag:s6] =	dma.local [hbm:s5], s4  }
0x16: {  	_ =	swait.ge [sflag:s6], s4  }
0x17: {  	s4 =	ssub.s32 $0x0, s4;
	[sflag:s6] =	ssyncset.done $0x0  }
0x18: {  	[sflag:s6] =	ssyncadd.s32 s4;
	_ =	sdelay $0x1  }
0x19: {  	s24 =	simm.s32 $0x1B8B  }
0x1a: {  	_ =	swait.ge [sflag:s24], $0x1  }
0x1b: {  	[sflag:s24] =	ssyncset.done $0x0  }
0x1c: {  	[sflag:s24] =	ssyncadd.s32 $0xFFFFFFFF  }
0x1d: {  	s4 =	sld [smem:$0x0]  }
0x1e: {  	s5 =	sand.u32 $0xFFFFFFFE, s1  }
0x1f: {  	p0 =	sne.s32 s1, s5  }
0x20: {  	s5 =	sshll.u32 @p0 s5, $0xE  }
0x21: {  	s5 =	sadd.s32 @p0 $0x11B8D, s5;
	s6 =	sshll.u32 @p0 s4, $0x11  }
0x22: {  	s5 =	sor.u32 @p0 s6, s5  }
0x23: {  	[sflag:s5] =	ssyncadd.remote.s32 @p0 $0x1;
	_ =	sdelay $0x1  }
0x24: {  	s5 =	simm.s32 @p0 $0x1B8D  }
0x25: {  	_ =	swait.eq @p0 [sflag:s5], $0x1  }
0x26: {  	[sflag:s5] =	ssyncadd.s32 @p0 $0xFFFFFFFF  }
0x27: {  	s6 =	sshll.u32 @!p0 s1, $0xE  }
0x28: {  	s6 =	sor.u32 @!p0 $0x4000, s6;
	s5 =	simm.s32 @!p0 $0x1B8D  }
0x29: {  	s4 =	sshll.u32 @!p0 s4, $0x11;
	s6 =	sadd.s32 @!p0 $0x11B8D, s6;
	_ =	swait.eq @!p0 [sflag:s5], $0x1  }
0x2a: {  	s4 =	sor.u32 @!p0 s4, s6;
	[sflag:s5] =	ssyncadd.s32 @!p0 $0xFFFFFFFF  }
0x2b: {  	s26 =	simm.s32 $0x1B8E;
	s25 =	sld [smem:$0x3FFE];
	[sflag:s4] =	ssyncadd.remote.s32 @!p0 $0x1  }
0x2c: {  	s27 =	simm.s32 $execute0_lowered;
	[smem:$0x3FD2] =	sst s26  }
0x2d: {  	s5 =	sshll.u32 s27, $0x1;
	_ =	strace $0x8000005E;
	[dreg:$0x1] =	wrdreg $0xFFFFFFFF  }
0x2e: {  	s28 =	simm.s32 $_size_execute0_lowered;
	s3 =	sadd.s32 s3, s5;
	[dreg:$0x0] =	wrdreg $0x0  }
0x2f: {  	s5 =	sshll.u32 s28, $0x1;
	[dreg:$0x2] =	wrdreg s3  }
0x30: {  	[dreg:$0x3] =	wrdreg s5  }
0x31: {  	[dreg:$0x4] =	wrdreg $0xC0  }
0x32: {  	_ =	task [dreg:s23], $0x5FFFF  }
0x33: {  	[dreg:$0x1] =	wrdreg $0xFFFFFFFF  }
0x34: {  	[dreg:$0x0] =	wrdreg $0x60  }
0x35: {  	[dreg:$0x2] =	wrdreg s25  }
0x36: {  	[dreg:$0x3] =	wrdreg $0x9  }
0x37: {  	_ =	task.clear_ibuf [dreg:s23], $0x4FFFF;
	_ =	strace $0x9000005E  }
0x38: {  	s29 =	simm.s32 $0x9;
	_ =	strace $0x80000060  }
0x39: {  	_ =	swait.ge [sflag:s29], $0x1  }
0x3a: {  	[sflag:s29] =	ssyncadd.s32 $0xFFFFFFFF  }
0x3b: {  	_ =	strace $0x90000060  }
0x3c: {  	_ =	sfence  }
0x3d: {  	s30 =	sld [smem:$0x0];
	_ =	sdelay $0x2  }
0x3e: {  	s31 =	sshll.u32 s1, $0xD;
	s1 =	sshrl.u32 s1, $0x2  }
0x3f: {  	s4 =	sand.u32 $0x4000, s31;
	s1 =	sadd.s32 s1, s30  }
0x40: {  	s0 =	sor.u32 s4, s0;
	s1 =	sshll.u32 s1, $0x11  }
0x41: {  	s0 =	sor.u32 s1, s0  }
0x42: {  	s0 =	sadd.s32 $0x8F2B, s0  }
0x43: {  	[sflag:s0] =	ssyncadd.remote.s32 $0x1  }
0x44: {  	_ =	sfence.sel $0xFFFF  }
0x45: {  	[dreg:$0x0] =	wrdreg $0xFFFFFFFF;
	(pc) =	sbr.abs _section_cstart, $3  }
0x46: {  	[dreg:$0x1] =	wrdreg $0xFFFFFFFF  }
0x47: {  	_ =	task.clear_ibuf [dreg:s23], $0x2FFFF;
	_ =	strace $0x9FFFFFFF  }
0x48: {  	(tm) =	ssettm $0x7FFFFFFF  }
0x49: {  	_ =	shalt  }
tec
execute0_lowered:
.L_overlay_start_1:
0x0: {  	(tag) =	ssettag $0x1  }
0x1: {  	s0 =	stileid.u32  }
0x2: {  	s1 =	srdreg.scid;
	s5 =	rddreg [dreg:$0x0];
	s31 =	simm.s32 $0x2  }
0x3: {  	s16 =	simm.s32 $0x0;
	s2 =	sshll.u32 s0, $0x6;
	s1 =	sshll.u32 s1, $0xA  }
0x4: {  	s9 =	simm.s32 $0x8000;
	s14 =	simm.s32 $0x0;
	s1 =	sor.u32 s2, s1  }
0x5: {  	s15 =	simm.s32 $0x0;
	s10 =	simm.s32 $0x0;
	s1 =	sand.u32 $0x780, s1  }
0x6: {  	s13 =	simm.s32 $0x0;
	s2 =	sand.u32 $0x1, s0;
	s3 =	ssub.s32 $0x1000, s1  }
0x7: {  	s4 =	ssub.s32 $0x2, s2;
	s12 =	smov.u32 s2;
	s6 =	sand.u32 $0x780, s3  }
0x8: {  	s7 =	sshrl.u32 s4, $0x1;
	p0 =	sne.s32 s6, $0x0;
	s6 =	simm.s32 $0x1  }
0x9: {  	s4 =	sand.u32 $0x1, s4;
	s8 =	sshrl.u32 s3, $0xB;
	s6 =	simm.s32 @!p0 $0x0  }
.Ltmp0:
0xa: {  	s4 =	sadd.s32 s4, s7;
	s6 =	sadd.s32 s6, s8;
	(pc) =	sbr.rel .LBB1_1-.Ltmp0, $4  }
0xb: {  	s11 =	smov.u32 s1;
	s3 =	rddreg [dreg:$0x1];
	s7 =	smul.u32 s6, s4  }
0xc: {  	_ =	strace $0x8000005F;
	p0 =	por $0x0, $0x0;
	s6 =	simm.s32 $0x1  }
0xd: {  	s4 =	sadd.s32 $0x5CB200, s5;
	[sflag:s6] =	ssyncpa.u1 $0x0;
	s7 =	sshll.u32 s7, $0x4  }
0xe: {  	s5 =	sadd.s32 $0x7CB200, s5;
	[sflag:s31] =	ssyncpa.u1 $0x0;
	s8 =	sor.u32 $0x1, s7  }
.LBB1_4:
0xf: {  	v5 =	vld [tilespmem:s19+$0xFFFFFFD0]  }
0x10: {  	[tilespmem:s20+$0x2040 ss:$0x81] =	vst.msk $0xffff, v1;
	v58 =	vld [tilespmem:s19+$0xFFFFFFE0]  }
0x11: {  	[tilespmem:s20+$0x2850 ss:$0x81] =	vst.msk $0xffff, v2;
	v59 =	vld [tilespmem:s19+$0xFFFFFFF0]  }
0x12: {  	s21 =	sshra.s32 s21, $0x2;
	[tilespmem:s20+$0x3060 ss:$0x81] =	vst.msk $0xffff, v3;
	v60 =	vld [tilespmem:s19+$0x0]  }
0x13: {  	[tilespmem:s20+$0x0 ss:$0x81] =	vst.msk $0xffff, v0;
	v61 =	vld [tilespmem:s19+$0x10];
	s18 =	sadd.s32 s21, s18  }
0x14: {  	s26 =	sshll.u32 s16, $0xC;
	v62 =	vld [tilespmem:s19+$0x20];
	[tilespmem:s18+$0x3870 ss:$0x81] =	vst.msk $0xffff, v4  }
0x15: {  	s27 =	sand.u32 $0x78, s14;
	s22 =	sshll.u32 s14, $0x3;
	v63 =	vld [tilespmem:s19+$0xFFFFFFC0];
	s29 =	sshll.u32 s16, $0x7;
	[tilespmem:s18+$0x810 ss:$0x81] =	vst.msk $0xffff, v5  }
0x16: {  	s15 =	sshll.u32 s15, $0x14;
	s20 =	sand.u32 $0x7F8000, s26;
	s28 =	sand.u32 $0x7FFC00, s22;
	[tilespmem:s18+$0x1020 ss:$0x81] =	vst.msk $0xffff, v58  }
0x17: {  	s31 =	sand.u32 $0x7, s14;
	s22 =	sand.u32 $0xC00, s22;
	s19 =	sadd.s32 s28, s20;
	[tilespmem:s18+$0x1830 ss:$0x81] =	vst.msk $0xffff, v59  }
0x18: {  	s16 =	sand.u32 $0x380, s29;
	s30 =	sor.u32 s27, s22;
	s19 =	sshrl.u32 s19, $0x3;
	[tilespmem:s18+$0x2040 ss:$0x81] =	vst.msk $0xffff, v60  }
0x19: {  	s15 =	sadd.s32 s5, s15;
	s16 =	sor.u32 s16, s30;
	s19 =	sand.u32 $0xFFE00, s19;
	[tilespmem:s18+$0x2850 ss:$0x81] =	vst.msk $0xffff, v61  }
0x1a: {  	s14 =	sshll.u32 s31, $0x12;
	s16 =	sshrl.u32 s16, $0x3;
	[tilespmem:s18+$0x3060 ss:$0x81] =	vst.msk $0xffff, v62;
	s15 =	sadd.s32 s19, s15  }
0x1b: {  	s14 =	sor.u32 $0x400, s14;
	[tilespmem:s18+$0x0 ss:$0x81] =	vst.msk $0xffff, v63;
	s15 =	sadd.s32 s16, s15  }
0x1c: {  	[hbm4b:s15+s14] =	stream.strided.scatter [tilespmem:s17], [sflag:$0x2], $0x4000, s9, s14, $0x20;
	[tilespmem:$0x10100] =	vst v63  }
.LBB1_5:
0x1d: {  	s17 =	sadd.s32 $0x80, s10  }
0x1e: {  	s14 =	sadd.s32 $0x800, s11;
	s18 =	smov.u32 s11;
	p2 =	sgt.s32 s17, $0x7FF  }
0x1f: {  	s18 =	smov.u32 @p2 s14  }
0x20: {  	s20 =	smov.u32 s12;
	s14 =	sadd.s32 $0x2, s12;
	p3 =	sgt.s32 s18, $0xFFF  }
0x21: {  	s20 =	smov.u32 @p3 s14  }
0x22: {  	s17 =	simm.s32 @p2 $0x0;
	p2 =	sgt.s32 s20, $0x1  }
0x23: {  	p1 =	slt.u32 s13, $0x2;
	s20 =	smov.u32 @p2 s2;
	p2 =	sne.s32 s13, s8  }
.Ltmp1:
0x24: {  	s19 =	simm.s32 @!p1 $0x2;
	(pc) =	sbr.rel @!p2 .LBB1_6-.Ltmp1, $4  }
0x25: {  	s16 =	smov.u32 s10;
	s15 =	smov.u32 s12;
	_ =	swait.ge @!p1 [sflag:s19], $0x4000  }
0x26: {  	p0 =	por !p0, !p0;
	[sflag:s19] =	ssyncset.done @!p1 $0x0;
	s10 =	smov.u32 s17  }
0x27: {  	s18 =	smov.u32 @p3 s1;
	s14 =	smov.u32 s11;
	[sflag:s19] =	ssyncadd.s32 @!p1 $0xFFFFC000  }
0x28: {  	s11 =	smov.u32 s18;
	s13 =	sadd.s32 $0x1, s13;
	s12 =	smov.u32 s20  }
.LBB1_1:
0x29: {  	p1 =	sge.u32 s13, s7;
	s31 =	sadd.s32 $0xFFFFFFFF, s13  }
0x2a: {  	s17 =	sxor.u32 @!p1 $0xFFFFFFFF, s13;
	s18 =	sand.u32 @!p1 $0x78, s10;
	s19 =	sshll.u32 @!p1 s11, $0xB  }
0x2b: {  	s20 =	sshll.u32 @!p1 s11, $0x7;
	s21 =	sshll.u32 @!p1 s10, $0x3;
	s17 =	sshll.u32 @!p1 s17, $0xE  }
0x2c: {  	s19 =	sand.u32 @!p1 $0x7FC000, s19;
	s20 =	sand.u32 @!p1 $0x380, s20;
	s17 =	sand.u32 @!p1 $0x4000, s17  }
0x2d: {  	s19 =	sadd.s32 @!p1 s19, s21;
	s21 =	sand.u32 @!p1 $0x400, s21;
	s18 =	sor.u32 @!p1 s20, s18  }
0x2e: {  	s20 =	sshll.u32 @!p1 s12, $0x14;
	s18 =	sor.u32 @!p1 s21, s18;
	s19 =	sshrl.u32 @!p1 s19, $0x3  }
0x2f: {  	s20 =	sadd.s32 @!p1 s4, s20;
	s21 =	sand.u32 @!p1 $0x7, s10;
	s19 =	sand.u32 @!p1 $0xFFF00, s19  }
0x30: {  	s18 =	sshrl.u32 @!p1 s18, $0x3;
	s19 =	sadd.s32 @!p1 s19, s20;
	s20 =	sshll.u32 @!p1 s21, $0x12  }
0x31: {  	s18 =	sadd.s32 @!p1 s18, s19;
	s19 =	sor.u32 @!p1 $0x400, s20;
	s20 =	simm.s32 @!p1 $0x4000  }
0x32: {  	[tilespmem:s17], [sflag:$0x1] =	stream.strided.gather @!p1 [hbm4b:s18+s19], $0x4000, s20, s19, $0x38;
	[tilespmem:$0x10100] =	vst v63  }
0x33: {  	p1 =	sge.u32 s31, s7  }
.Ltmp2:
0x34: {  	_ = 	snop;
	(pc) =	sbr.rel @p1 .LBB1_5-.Ltmp2, $1  }
0x35: {  	_ =	sdelay $0x3  }
0x36: {  	s17 =	simm.s32 $0x1  }
0x37: {  	_ =	swait.ge [sflag:s6], $0x4000;
	s17 =	simm.s32 @!p0 $0x0  }
0x38: {  	[sflag:s6] =	ssyncset.done $0x0;
	s18 =	sshll.u32 s17, $0xE  }
0x39: {  	[sflag:s6] =	ssyncadd.s32 $0xFFFFC000;
	s19 =	sor.u32 $0x40, s18  }
0x3a: {  	s17 =	smul.u32 $0x10200, s17;
	v0 =	vld [tilespmem:s19+$0x30]  }
0x3b: {  	v3 =	vld [tilespmem:s19+$0xFFFFFFD0]  }
0x3c: {  	s17 =	sshrl.u32 s17, $0x2;
	v4 =	vld [tilespmem:s19+$0xFFFFFFE0]  }
0x3d: {  	v5 =	vld [tilespmem:s19+$0xFFFFFFF0];
	s18 =	sor.u32 $0x8000, s17  }
0x3e: {  	s31 =	sand.u32 $0x1, s13;
	v1 =	vld [tilespmem:s19+$0x0];
	s20 =	sadd.s32 $0x0, s18  }
0x3f: {  	v2 =	vld [tilespmem:s19+$0x10];
	s17 =	smul.u32 $0x10200, s31;
	[tilespmem:s20+$0x3870 ss:$0x81] =	vst.msk $0xffff, v0  }
0x40: {  	[tilespmem:s20+$0x810 ss:$0x81] =	vst.msk $0xffff, v3;
	v3 =	vld [tilespmem:s19+$0x20]  }
0x41: {  	s17 =	sshrl.u32 s17, $0x2;
	v0 =	vld [tilespmem:s19+$0xFFFFFFC0];
	[tilespmem:s20+$0x1020 ss:$0x81] =	vst.msk $0xffff, v4;
	s19 =	sadd.s32 $0x80, s19  }
0x42: {  	s21 =	simm.s32 $0x4;
	s22 =	simm.s32 $0x8;
	s17 =	sor.u32 $0x8000, s17;
	[tilespmem:s20+$0x1830 ss:$0x81] =	vst.msk $0xffff, v5;
	v4 =	vld [tilespmem:s19+$0x30]  }
.LBB1_3:
0x43: {  	p1 =	sne.s32 s22, $0x1FC;
	v5 =	vld [tilespmem:s19+$0xFFFFFFD0];
	[tilespmem:s20+$0x2040 ss:$0x81] =	vst.msk $0xffff, v1  }
0x44: {  	v6 =	vld [tilespmem:s19+$0xFFFFFFE0];
	[tilespmem:s20+$0x2850 ss:$0x81] =	vst.msk $0xffff, v2  }
0x45: {  	s23 =	sshra.s32 s21, $0x2;
	s21 =	smov.u32 s22;
	v7 =	vld [tilespmem:s19+$0xFFFFFFF0];
	[tilespmem:s20+$0x3060 ss:$0x81] =	vst.msk $0xffff, v3  }
.Ltmp3:
0x46: {  	v1 =	vld [tilespmem:s19+$0x0];
	[tilespmem:s20+$0x0 ss:$0x81] =	vst.msk $0xffff, v0;
	s20 =	sadd.s32 s23, s18;
	(pc) =	sbr.rel @p1 .LBB1_3-.Ltmp3, $4  }
0x47: {  	v2 =	vld [tilespmem:s19+$0x10];
	[tilespmem:s20+$0x3870 ss:$0x81] =	vst.msk $0xffff, v4  }
0x48: {  	[tilespmem:s20+$0x810 ss:$0x81] =	vst.msk $0xffff, v5;
	v3 =	vld [tilespmem:s19+$0x20]  }
0x49: {  	v0 =	vld [tilespmem:s19+$0xFFFFFFC0];
	[tilespmem:s20+$0x1020 ss:$0x81] =	vst.msk $0xffff, v6;
	s19 =	sadd.s32 $0x80, s19  }
0x4a: {  	s22 =	sadd.s32 $0x4, s22;
	v4 =	vld [tilespmem:s19+$0x30];
	[tilespmem:s20+$0x1830 ss:$0x81] =	vst.msk $0xffff, v7  }
.Ltmp4:
0x4b: {  	_ = 	snop;
	(pc) =	sbr.rel .LBB1_4-.Ltmp4, $1  }
0x4c: {  	_ =	sdelay $0x3  }
.LBB1_6:
0x4d: {  	_ =	sfence.sel $0x180000  }
0x4e: {  	s1 =	simm.s32 $0x1;
	[bflag:$0x0] =	sbarrier.arrive $0xFFFF  }
0x4f: {  	s31 =	simm.s32 $0x2;
	[sflag:s1] =	ssyncpa.u1 $0x1  }
0x50: {  	[sflag:s31] =	ssyncpa.u1 $0x1  }
0x51: {  	p0 =	sne.s32 s0, $0x0;
	_ =	strace $0x9000005F  }
0x52: {  	s0 =	sadd.s32 @!p0 $0x100000, s3;
	[bflag:$0x2] =	sbarrier.arrive $0xFFFF  }
0x53: {  	[sflag:s0] =	ssyncadd.tile.s32 @!p0 $0x1;
	_ =	shalt  }
.Lfunc_end1:
_tile_overlayer_lowered:
.L_overlay_start_2:
0x54: {  	(tag) =	ssettag $0x2  }
0x55: {  	s0 =	rddreg [dreg:$0x0];
	s2 =	stileid.u32  }
0x56: {  	s1 =	rddreg [dreg:$0x1];
	p0 =	sne.s32 s2, $0x0  }
0x57: {  	s3 =	rddreg [dreg:$0x2];
	[bflag:$0x3] =	sbarrier.arrive $0xFFFF;
	s2 =	simm.s32 @!p0 $0x1C01  }
0x58: {  	[timem:s3], [sflag:s2] =	dma.local @!p0 [hbm:s0], s1  }
0x59: {  	s0 =	simm.s32 @!p0 $0x1  }
0x5a: {  	_ =	swait.ge @!p0 [sflag:s0], s1  }
0x5b: {  	s1 =	ssub.s32 @!p0 $0x0, s1;
	[sflag:s0] =	ssyncset.done @!p0 $0x0  }
0x5c: {  	[sflag:s0] =	ssyncadd.s32 @!p0 s1  }
0x5d: {  	[bflag:$0x3] =	sbarrier.arrive $0xFFFF  }
0x5e: {  	_ =	shalt  }

</sc_bundles>
